<compile_context>
chip_gen: v7x
topology: tpu7x:2x2x1
jax: 0.10.2.dev20260603
libtpu: 0.0.44.dev20260713+nightly
codegen_flags: <defaults>
</compile_context>

<pallas_src>
import jax
import jax.numpy as jnp
from jax import lax
from jax.experimental import pallas as pl
from jax.experimental.pallas import tpu as pltpu
from jax.experimental.pallas import tpu_sc as plsc

N_TOK = 8192
D_IN = 4096
D_OUT = 4096
N_EXP = 8
N_ASSIGN = 2 * N_TOK

M_TILE = 512
M_TILES = N_ASSIGN // M_TILE
N_WORKS = M_TILES + N_EXP - 1
N_TILE = 2048
N_TILES = D_OUT // N_TILE

SC_CORES = 2
SC_SUBCORES = 16
SC_WORKERS = SC_CORES * SC_SUBCORES

GATE_BM = 512


def _gating_body(x_ref, wg_ref, bg_ref, i0_ref, i1_ref, w0_ref, w1_ref):
    g = jax.lax.dot_general(
        x_ref[...], wg_ref[...], (((1,), (0,)), ((), ())),
        preferred_element_type=jnp.float32)
    g = g + bg_ref[...]
    lanes = jax.lax.broadcasted_iota(jnp.int32, (GATE_BM, 128), 1)
    real = lanes < N_EXP
    neg = jnp.where(real, g, -jnp.inf)
    m0 = jnp.max(neg, axis=1, keepdims=True)
    i0 = jnp.max(jnp.where((neg == m0) & real, lanes, -1), axis=1, keepdims=True)
    neg2 = jnp.where(lanes == i0, -jnp.inf, neg)
    m1 = jnp.max(neg2, axis=1, keepdims=True)
    i1 = jnp.max(jnp.where((neg2 == m1) & real, lanes, -1), axis=1, keepdims=True)
    e1 = jnp.exp(m1 - m0)
    denom = 1.0 + e1
    i0_ref[...] = i0
    i1_ref[...] = i1
    w0_ref[...] = 1.0 / denom
    w1_ref[...] = e1 / denom


def _gating(x, wg_pad, bg_pad):
    grid = (N_TOK // GATE_BM,)
    out1 = jax.ShapeDtypeStruct((N_TOK, 1), jnp.int32)
    outf = jax.ShapeDtypeStruct((N_TOK, 1), jnp.float32)
    return pl.pallas_call(
        _gating_body,
        grid=grid,
        in_specs=[
            pl.BlockSpec((GATE_BM, D_IN), lambda m: (m, 0)),
            pl.BlockSpec((D_IN, 128), lambda m: (0, 0)),
            pl.BlockSpec((1, 128), lambda m: (0, 0)),
        ],
        out_specs=[
            pl.BlockSpec((GATE_BM, 1), lambda m: (m, 0)),
            pl.BlockSpec((GATE_BM, 1), lambda m: (m, 0)),
            pl.BlockSpec((GATE_BM, 1), lambda m: (m, 0)),
            pl.BlockSpec((GATE_BM, 1), lambda m: (m, 0)),
        ],
        out_shape=[out1, out1, outf, outf],
    )(x, wg_pad, bg_pad)


def _routing_tables(i0, i1, w0, w1):
    e_flat = jnp.stack([i0, i1], axis=1).reshape(-1).astype(jnp.int32)
    onehot = (e_flat[:, None] == jnp.arange(N_EXP, dtype=jnp.int32)[None, :])
    ends = jnp.cumsum(onehot.astype(jnp.int32), axis=0)
    counts = ends[-1]
    offs = jnp.concatenate(
        [jnp.zeros((1,), jnp.int32), jnp.cumsum(counts)]).astype(jnp.int32)
    rank = jnp.take_along_axis(ends, e_flat[:, None], axis=1)[:, 0] - 1
    pos = (offs[e_flat] + rank).astype(jnp.int32)
    p0 = pos[0::2]
    p1 = pos[1::2]
    w_flat = jnp.stack([w0, w1], axis=1).reshape(-1)
    wbits = lax.bitcast_convert_type(w_flat, jnp.int32)
    packed = jnp.zeros((N_ASSIGN, 2), jnp.int32).at[pos].set(
        jnp.stack([jnp.arange(N_ASSIGN, dtype=jnp.int32) // 2, wbits],
                  axis=1))
    tok_sorted = packed[:, 0]
    ws_sorted = lax.bitcast_convert_type(packed[:, 1:2], jnp.float32)

    first_tile = offs[:N_EXP] // M_TILE
    last_tile = (offs[1:] - 1) // M_TILE
    ntiles = jnp.where(counts > 0, last_tile - first_tile + 1, 0)
    wend = jnp.cumsum(ntiles)
    wstart = jnp.concatenate([jnp.zeros((1,), wend.dtype), wend[:-1]])
    total = wend[N_EXP - 1]
    w_ar = jnp.arange(N_WORKS, dtype=jnp.int32)
    ew = jnp.minimum(jnp.searchsorted(wend, w_ar, side="right"), N_EXP - 1)
    mw = first_tile[ew] + (w_ar - wstart[ew])
    el = jnp.minimum(jnp.searchsorted(wend, total - 1, side="right"), N_EXP - 1)
    ml = first_tile[el] + (total - 1 - wstart[el])
    valid = w_ar < total
    e_ids = jnp.where(valid, ew, el).astype(jnp.int32)
    m_ids = jnp.where(valid, mw, ml).astype(jnp.int32)
    return tok_sorted, p0, p1, ws_sorted, offs, m_ids, e_ids


_DISP_ROWS = N_ASSIGN // SC_WORKERS
_DISP_CHUNK = 8
_DISP_STEPS = _DISP_ROWS // _DISP_CHUNK


def _dispatch_body(tok_hbm, x_hbm, xs_hbm, idx_v, buf0_v, buf1_v, sem0, sem1):
    wid = lax.axis_index("s") * SC_CORES + lax.axis_index("c")
    base = wid * _DISP_ROWS
    pltpu.sync_copy(tok_hbm.at[pl.ds(base, _DISP_ROWS)], idx_v)

    def _gather(c, buf, sem):
        iv = idx_v.at[pl.ds(c * _DISP_CHUNK, _DISP_CHUNK)]
        return pltpu.async_copy(x_hbm.at[iv], buf, sem)

    def _store(c, buf):
        pltpu.sync_copy(buf, xs_hbm.at[pl.ds(base + c * _DISP_CHUNK,
                                             _DISP_CHUNK)])

    _gather(0, buf0_v, sem0)

    @pl.loop(0, _DISP_STEPS // 2)
    def _pair(k):
        c0 = 2 * k
        _gather(c0 + 1, buf1_v, sem1)
        pltpu.make_async_copy(x_hbm.at[pl.ds(0, _DISP_CHUNK)],
                              buf0_v, sem0).wait()
        _store(c0, buf0_v)

        @pl.when(k < _DISP_STEPS // 2 - 1)
        def _():
            _gather(c0 + 2, buf0_v, sem0)

        pltpu.make_async_copy(x_hbm.at[pl.ds(0, _DISP_CHUNK)],
                              buf1_v, sem1).wait()
        _store(c0 + 1, buf1_v)


def _dispatch(tok_sorted, x):
    mesh = plsc.VectorSubcoreMesh(core_axis_name="c", subcore_axis_name="s")
    return pl.kernel(
        _dispatch_body,
        out_type=jax.ShapeDtypeStruct((N_ASSIGN, D_IN), jnp.float32),
        mesh=mesh,
        scratch_types=[
            pltpu.VMEM((_DISP_ROWS,), jnp.int32),
            pltpu.VMEM((_DISP_CHUNK, D_IN), jnp.float32),
            pltpu.VMEM((_DISP_CHUNK, D_IN), jnp.float32),
            pltpu.SemaphoreType.DMA,
            pltpu.SemaphoreType.DMA,
        ],
    )(tok_sorted, x)


def _gmm_body(m_ids, e_ids, offs, x_ref, w_ref, b_ref, ws_ref, o_ref):
    w = pl.program_id(1)
    e = e_ids[w]
    row0 = m_ids[w] * M_TILE
    lo = offs[e] - row0
    hi = offs[e + 1] - row0
    a = x_ref[...].astype(jnp.bfloat16)
    acc = jax.lax.dot_general(a, w_ref[0], (((1,), (0,)), ((), ())),
                              preferred_element_type=jnp.float32)
    acc = (acc + b_ref[0]) * ws_ref[...]
    rows = jax.lax.broadcasted_iota(jnp.int32, (M_TILE, N_TILE), 0)
    keep = (rows >= lo) & (rows < hi)
    o_ref[...] = jnp.where(keep, acc, o_ref[...])


def _gmm(m_ids, e_ids, offs, x_sorted, w_bf16, b, ws_sorted):
    grid_spec = pltpu.PrefetchScalarGridSpec(
        num_scalar_prefetch=3,
        grid=(N_TILES, N_WORKS),
        in_specs=[
            pl.BlockSpec((M_TILE, D_IN), lambda n, w, mi, ei, of: (mi[w], 0)),
            pl.BlockSpec((1, D_IN, N_TILE),
                         lambda n, w, mi, ei, of: (ei[w], 0, n)),
            pl.BlockSpec((1, 1, N_TILE), lambda n, w, mi, ei, of: (ei[w], 0, n)),
            pl.BlockSpec((M_TILE, 1), lambda n, w, mi, ei, of: (mi[w], 0)),
        ],
        out_specs=pl.BlockSpec((M_TILE, N_TILE),
                               lambda n, w, mi, ei, of: (mi[w], n)),
    )
    return pl.pallas_call(
        _gmm_body,
        grid_spec=grid_spec,
        out_shape=jax.ShapeDtypeStruct((N_ASSIGN, D_OUT), jnp.float32),
        compiler_params=pltpu.CompilerParams(
            vmem_limit_bytes=67000000),
    )(m_ids, e_ids, offs, x_sorted, w_bf16, b.reshape(N_EXP, 1, D_OUT),
      ws_sorted)


_CMB_TOK = N_TOK // SC_WORKERS
_CMB_CHUNK = 4
_CMB_STEPS = _CMB_TOK // _CMB_CHUNK


def _combine_body(p0_hbm, p1_hbm, y_hbm, out_hbm,
                  p0_v, p1_v, y0a_v, y1a_v, y0b_v, y1b_v, sema, semb):
    wid = lax.axis_index("s") * SC_CORES + lax.axis_index("c")
    base = wid * _CMB_TOK
    pltpu.sync_copy(p0_hbm.at[wid], p0_v)
    pltpu.sync_copy(p1_hbm.at[wid], p1_v)

    def _gathers(c, y0, y1, sem):
        pltpu.async_copy(y_hbm.at[p0_v.at[c]], y0, sem)
        pltpu.async_copy(y_hbm.at[p1_v.at[c]], y1, sem)

    def _drain(y0, y1, sem):
        pltpu.make_async_copy(y_hbm.at[pl.ds(0, _CMB_CHUNK)], y0, sem).wait()
        pltpu.make_async_copy(y_hbm.at[pl.ds(0, _CMB_CHUNK)], y1, sem).wait()

    def _add_store(c, y0, y1):
        for r in range(_CMB_CHUNK):

            @pl.loop(0, D_OUT // 16, unroll=8)
            def _col(j):
                sl = pl.ds(j * 16, 16)
                y0[r, sl] = y0[r, sl] + y1[r, sl]

        pltpu.sync_copy(y0, out_hbm.at[pl.ds(base + c * _CMB_CHUNK,
                                             _CMB_CHUNK)])

    _gathers(0, y0a_v, y1a_v, sema)

    @pl.loop(0, _CMB_STEPS // 2)
    def _pair(k):
        c0 = 2 * k
        _gathers(c0 + 1, y0b_v, y1b_v, semb)
        _drain(y0a_v, y1a_v, sema)
        _add_store(c0, y0a_v, y1a_v)

        @pl.when(k < _CMB_STEPS // 2 - 1)
        def _():
            _gathers(c0 + 2, y0a_v, y1a_v, sema)

        _drain(y0b_v, y1b_v, semb)
        _add_store(c0 + 1, y0b_v, y1b_v)


def _combine(p0, p1, y_sorted):
    mesh = plsc.VectorSubcoreMesh(core_axis_name="c", subcore_axis_name="s")
    return pl.kernel(
        _combine_body,
        out_type=jax.ShapeDtypeStruct((N_TOK, D_OUT), jnp.float32),
        mesh=mesh,
        scratch_types=[
            pltpu.VMEM((_CMB_STEPS, _CMB_CHUNK), jnp.int32),
            pltpu.VMEM((_CMB_STEPS, _CMB_CHUNK), jnp.int32),
            pltpu.VMEM((_CMB_CHUNK, D_OUT), jnp.float32),
            pltpu.VMEM((_CMB_CHUNK, D_OUT), jnp.float32),
            pltpu.VMEM((_CMB_CHUNK, D_OUT), jnp.float32),
            pltpu.VMEM((_CMB_CHUNK, D_OUT), jnp.float32),
            pltpu.SemaphoreType.DMA,
            pltpu.SemaphoreType.DMA,
        ],
    )(p0.reshape(SC_WORKERS, _CMB_STEPS, _CMB_CHUNK),
      p1.reshape(SC_WORKERS, _CMB_STEPS, _CMB_CHUNK), y_sorted)


def kernel(x, Wg, bg, W, b):
    wg_pad = jnp.pad(Wg, ((0, 0), (0, 128 - N_EXP)))
    bg_pad = jnp.pad(bg, (0, 128 - N_EXP)).reshape(1, 128)
    i0, i1, w0, w1 = _gating(x, wg_pad, bg_pad)
    i0, i1 = i0[:, 0], i1[:, 0]
    w0, w1 = w0[:, 0], w1[:, 0]
    tok_sorted, p0, p1, ws_sorted, offs, m_ids, e_ids = _routing_tables(
        i0, i1, w0, w1)
    x_sorted = _dispatch(tok_sorted, x)
    y_sorted = _gmm(m_ids, e_ids, offs, x_sorted, W.astype(jnp.bfloat16), b,
                    ws_sorted)
    return _combine(p0, p1, y_sorted)

# --- scband reference (transcript-rebuilt; emitter-appended) ---
"""Pipeline reference for scband-sparse-mixture-of-experts-16535624090068 (READ-ONLY COPY).

The authoritative reference and input builder live on the scoring server;
editing this copy changes nothing except your own understanding.
"""

import jax, jax.numpy as jnp
import numpy as np

N_TOK = 8192
D_IN = 4096
D_OUT = 4096
N_EXP = 8


def setup_inputs(seed: int = 0) -> dict:
    key = jax.random.key(seed)
    k1, k2, k3 = jax.random.split(key, 3)
    x = jax.random.normal(k1, (N_TOK, D_IN), dtype=jnp.float32)
    Wg = jax.random.normal(k2, (D_IN, N_EXP), dtype=jnp.float32) * 0.02
    bg = jnp.zeros((N_EXP,), dtype=jnp.float32)
    W = jax.random.normal(k3, (N_EXP, D_IN, D_OUT), dtype=jnp.float32) * 0.02
    b = jnp.zeros((N_EXP, D_OUT), dtype=jnp.float32)
    return {"x": x, "Wg": Wg, "bg": bg, "W": W, "b": b}


def reference(x, Wg, bg, W, b):
    # gating network (nn.Linear)
    gating = x @ Wg + bg
    # top-2 selection via argsort (matches torch .argsort(dim=1)[:, -1], [:, -2])
    sort_idx = jnp.argsort(gating, axis=1)
    ind0 = sort_idx[:, -1]
    ind1 = sort_idx[:, -2]
    ar = jnp.arange(x.shape[0])
    val0 = gating[ar, ind0]
    val1 = gating[ar, ind1]
    m = jnp.maximum(val0, val1)
    e0 = jnp.exp(val0 - m)
    e1 = jnp.exp(val1 - m)
    wei0 = e0 / (e0 + e1)
    wei1 = e1 / (e0 + e1)
    # in the torch code the weights pass through numpy inside torch.no_grad(),
    # so they are constants w.r.t. autodiff
    wei0 = jax.lax.stop_gradient(wei0)
    wei1 = jax.lax.stop_gradient(wei1)
    n_exp = W.shape[0]
    output = jnp.zeros((x.shape[0], W.shape[2]), dtype=jnp.float32)
    for e in range(n_exp):
        coef = wei0 * (ind0 == e).astype(jnp.float32) + wei1 * (ind1 == e).astype(jnp.float32)
        y = x @ W[e] + b[e]
        output = output + coef[:, None] * y
    return output

if __name__ == "__main__":
    import jax
    _d = setup_inputs()
    print(jax.jit(kernel)(*tuple(_d.values())))

</pallas_src>

<mosaic_0001>
#map = affine_map<(d0, d1) -> (0, 0, 0)>
#map1 = affine_map<(d0, d1) -> (0, 0)>
module attributes {stable_mosaic.version = 14 : i64} {
  func.func @_combine_body(%arg0: i32, %arg1: i32, %arg2: memref<32x64x4xi32, #tpu.memory_space<hbm>>, %arg3: memref<32x64x4xi32, #tpu.memory_space<hbm>>, %arg4: memref<16384x4096xf32, #tpu.memory_space<hbm>>, %arg5: memref<8192x4096xf32, #tpu.memory_space<hbm>>, %arg6: memref<64x4xi32, #tpu.memory_space<vmem>>, %arg7: memref<64x4xi32, #tpu.memory_space<vmem>>, %arg8: memref<4x4096xf32, #tpu.memory_space<vmem>>, %arg9: memref<4x4096xf32, #tpu.memory_space<vmem>>, %arg10: memref<4x4096xf32, #tpu.memory_space<vmem>>, %arg11: memref<4x4096xf32, #tpu.memory_space<vmem>>, %arg12: memref<!tpu.dma_semaphore, #tpu.memory_space<semaphore_mem>>, %arg13: memref<!tpu.dma_semaphore, #tpu.memory_space<semaphore_mem>>) attributes {dimension_semantics = [#tpu.dimension_semantics<core_parallel>, #tpu.dimension_semantics<subcore_parallel>], iteration_bounds = array<i64: 2, 16>, scalar_prefetch = 0 : i64, scratch_operands = 8 : i64, tpu.core_type = #tpu.core_type<sc_vector_subcore>, window_params = [{transform_indices = #map}, {transform_indices = #map}, {transform_indices = #map1}, {transform_indices = #map1}]} {
    %mul3A = arith.constant 2 : i32
    %mul3A_0 = arith.muli %arg1, %mul3A : i32
    %add3A = arith.addi %mul3A_0, %arg0 : i32
    %mul3A_1 = arith.constant 256 : i32
    %mul3A_2 = arith.muli %add3A, %mul3A_1 : i32
    "tpu.region"() ({
      %run_scoped3A = tpu.sem_alloc : memref<!tpu.dma_semaphore, #tpu.memory_space<semaphore_mem>>
      %dma_start3A_20 = arith.constant 0 : i32
      %dma_start3A_21 = arith.constant 0 : i32
      %dma_start3A_22 = tpu.memref_slice %arg2[%add3A, %dma_start3A_20, %dma_start3A_21] : memref<32x64x4xi32, #tpu.memory_space<hbm>> -> memref<1x64x4xi32, #tpu.memory_space<hbm>>
      %dma_start3A_23 = tpu.memref_squeeze %dma_start3A_22 : memref<1x64x4xi32, #tpu.memory_space<hbm>> -> memref<64x4xi32, #tpu.memory_space<hbm>>
      %dma_start3A_24 = arith.constant 0 : i32
      %dma_start3A_25 = arith.constant 0 : i32
      %dma_start3A_26 = tpu.memref_slice %arg2[%add3A, %dma_start3A_24, %dma_start3A_25] : memref<32x64x4xi32, #tpu.memory_space<hbm>> -> memref<1x64x4xi32, #tpu.memory_space<hbm>>
      %dma_start3A_27 = tpu.memref_squeeze %dma_start3A_26 : memref<1x64x4xi32, #tpu.memory_space<hbm>> -> memref<64x4xi32, #tpu.memory_space<hbm>>
      tpu.enqueue_dma source(%dma_start3A_27 : memref<64x4xi32, #tpu.memory_space<hbm>>) target(%arg6 : memref<64x4xi32, #tpu.memory_space<vmem>>) target_semaphore(%run_scoped3A : memref<!tpu.dma_semaphore, #tpu.memory_space<semaphore_mem>>)
      %dma_wait3A = arith.constant 0 : i32
      %dma_wait3A_28 = arith.constant 0 : i32
      %dma_wait3A_29 = tpu.memref_slice %arg2[%add3A, %dma_wait3A, %dma_wait3A_28] : memref<32x64x4xi32, #tpu.memory_space<hbm>> -> memref<1x64x4xi32, #tpu.memory_space<hbm>>
      %dma_wait3A_30 = tpu.memref_squeeze %dma_wait3A_29 : memref<1x64x4xi32, #tpu.memory_space<hbm>> -> memref<64x4xi32, #tpu.memory_space<hbm>>
      %dma_wait3A_31 = arith.constant 0 : i32
      %dma_wait3A_32 = arith.constant 0 : i32
      %dma_wait3A_33 = tpu.memref_slice %arg2[%add3A, %dma_wait3A_31, %dma_wait3A_32] : memref<32x64x4xi32, #tpu.memory_space<hbm>> -> memref<1x64x4xi32, #tpu.memory_space<hbm>>
      %dma_wait3A_34 = tpu.memref_squeeze %dma_wait3A_33 : memref<1x64x4xi32, #tpu.memory_space<hbm>> -> memref<64x4xi32, #tpu.memory_space<hbm>>
      tpu.wait_dma2 semaphore(%run_scoped3A : memref<!tpu.dma_semaphore, #tpu.memory_space<semaphore_mem>>) src(%dma_wait3A_34 : memref<64x4xi32, #tpu.memory_space<hbm>>) dst(%arg6 : memref<64x4xi32, #tpu.memory_space<vmem>>)
      tpu.yield
    }) : () -> ()
    "tpu.region"() ({
      %run_scoped3A = tpu.sem_alloc : memref<!tpu.dma_semaphore, #tpu.memory_space<semaphore_mem>>
      %dma_start3A_20 = arith.constant 0 : i32
      %dma_start3A_21 = arith.constant 0 : i32
      %dma_start3A_22 = tpu.memref_slice %arg3[%add3A, %dma_start3A_20, %dma_start3A_21] : memref<32x64x4xi32, #tpu.memory_space<hbm>> -> memref<1x64x4xi32, #tpu.memory_space<hbm>>
      %dma_start3A_23 = tpu.memref_squeeze %dma_start3A_22 : memref<1x64x4xi32, #tpu.memory_space<hbm>> -> memref<64x4xi32, #tpu.memory_space<hbm>>
      %dma_start3A_24 = arith.constant 0 : i32
      %dma_start3A_25 = arith.constant 0 : i32
      %dma_start3A_26 = tpu.memref_slice %arg3[%add3A, %dma_start3A_24, %dma_start3A_25] : memref<32x64x4xi32, #tpu.memory_space<hbm>> -> memref<1x64x4xi32, #tpu.memory_space<hbm>>
      %dma_start3A_27 = tpu.memref_squeeze %dma_start3A_26 : memref<1x64x4xi32, #tpu.memory_space<hbm>> -> memref<64x4xi32, #tpu.memory_space<hbm>>
      tpu.enqueue_dma source(%dma_start3A_27 : memref<64x4xi32, #tpu.memory_space<hbm>>) target(%arg7 : memref<64x4xi32, #tpu.memory_space<vmem>>) target_semaphore(%run_scoped3A : memref<!tpu.dma_semaphore, #tpu.memory_space<semaphore_mem>>)
      %dma_wait3A = arith.constant 0 : i32
      %dma_wait3A_28 = arith.constant 0 : i32
      %dma_wait3A_29 = tpu.memref_slice %arg3[%add3A, %dma_wait3A, %dma_wait3A_28] : memref<32x64x4xi32, #tpu.memory_space<hbm>> -> memref<1x64x4xi32, #tpu.memory_space<hbm>>
      %dma_wait3A_30 = tpu.memref_squeeze %dma_wait3A_29 : memref<1x64x4xi32, #tpu.memory_space<hbm>> -> memref<64x4xi32, #tpu.memory_space<hbm>>
      %dma_wait3A_31 = arith.constant 0 : i32
      %dma_wait3A_32 = arith.constant 0 : i32
      %dma_wait3A_33 = tpu.memref_slice %arg3[%add3A, %dma_wait3A_31, %dma_wait3A_32] : memref<32x64x4xi32, #tpu.memory_space<hbm>> -> memref<1x64x4xi32, #tpu.memory_space<hbm>>
      %dma_wait3A_34 = tpu.memref_squeeze %dma_wait3A_33 : memref<1x64x4xi32, #tpu.memory_space<hbm>> -> memref<64x4xi32, #tpu.memory_space<hbm>>
      tpu.wait_dma2 semaphore(%run_scoped3A : memref<!tpu.dma_semaphore, #tpu.memory_space<semaphore_mem>>) src(%dma_wait3A_34 : memref<64x4xi32, #tpu.memory_space<hbm>>) dst(%arg7 : memref<64x4xi32, #tpu.memory_space<vmem>>)
      tpu.yield
    }) : () -> ()
    %dma_start3A = arith.constant 0 : i32
    %dma_start3A_3 = arith.constant 0 : i32
    %dma_start3A_4 = tpu.memref_slice %arg6[%dma_start3A, %dma_start3A_3] : memref<64x4xi32, #tpu.memory_space<vmem>> -> memref<1x4xi32, #tpu.memory_space<vmem>>
    %dma_start3A_5 = tpu.memref_squeeze %dma_start3A_4 : memref<1x4xi32, #tpu.memory_space<vmem>> -> memref<4xi32, #tpu.memory_space<vmem>>
    %dma_start3A_6 = arith.constant 0 : i32
    %dma_start3A_7 = arith.constant 0 : i32
    %dma_start3A_8 = tpu.memref_slice %arg4[%dma_start3A_6, %dma_start3A_7] : memref<16384x4096xf32, #tpu.memory_space<hbm>> -> memref<16384x4096xf32, #tpu.memory_space<hbm>>
    tpu.enqueue_indirect_dma source(%dma_start3A_8 : memref<16384x4096xf32, #tpu.memory_space<hbm>>) target(%arg8 : memref<4x4096xf32, #tpu.memory_space<vmem>>) offsets(%dma_start3A_5 : memref<4xi32, #tpu.memory_space<vmem>>) semaphore(%arg12 : memref<!tpu.dma_semaphore, #tpu.memory_space<semaphore_mem>>)
    %dma_start3A_9 = arith.constant 0 : i32
    %dma_start3A_10 = arith.constant 0 : i32
    %dma_start3A_11 = tpu.memref_slice %arg7[%dma_start3A_9, %dma_start3A_10] : memref<64x4xi32, #tpu.memory_space<vmem>> -> memref<1x4xi32, #tpu.memory_space<vmem>>
    %dma_start3A_12 = tpu.memref_squeeze %dma_start3A_11 : memref<1x4xi32, #tpu.memory_space<vmem>> -> memref<4xi32, #tpu.memory_space<vmem>>
    %dma_start3A_13 = arith.constant 0 : i32
    %dma_start3A_14 = arith.constant 0 : i32
    %dma_start3A_15 = tpu.memref_slice %arg4[%dma_start3A_13, %dma_start3A_14] : memref<16384x4096xf32, #tpu.memory_space<hbm>> -> memref<16384x4096xf32, #tpu.memory_space<hbm>>
    tpu.enqueue_indirect_dma source(%dma_start3A_15 : memref<16384x4096xf32, #tpu.memory_space<hbm>>) target(%arg9 : memref<4x4096xf32, #tpu.memory_space<vmem>>) offsets(%dma_start3A_12 : memref<4xi32, #tpu.memory_space<vmem>>) semaphore(%arg12 : memref<!tpu.dma_semaphore, #tpu.memory_space<semaphore_mem>>)
    %scan3A = arith.constant 0 : i32
    %scan3A_16 = arith.constant 32 : i32
    %scan3A_17 = arith.addi %scan3A, %scan3A_16 : i32
    %scan3A_18 = arith.constant 1 : i32
    scf.for %scan3A_20 = %scan3A to %scan3A_17 step %scan3A_18  : i32 {
      %mul3A_21 = arith.constant 1 : i32
      %mul3A_22 = arith.muli %scan3A_20, %mul3A_21 : i32
      %add3A_23 = arith.constant 0 : i32
      %add3A_24 = arith.addi %add3A_23, %mul3A_22 : i32
      %mul3A_25 = arith.constant 2 : i32
      %mul3A_26 = arith.muli %mul3A_25, %add3A_24 : i32
      %add3A_27 = arith.constant 1 : i32
      %add3A_28 = arith.addi %mul3A_26, %add3A_27 : i32
      %dma_start3A_29 = arith.constant 0 : i32
      %dma_start3A_30 = tpu.memref_slice %arg6[%add3A_28, %dma_start3A_29] : memref<64x4xi32, #tpu.memory_space<vmem>> -> memref<1x4xi32, #tpu.memory_space<vmem>>
      %dma_start3A_31 = tpu.memref_squeeze %dma_start3A_30 : memref<1x4xi32, #tpu.memory_space<vmem>> -> memref<4xi32, #tpu.memory_space<vmem>>
      %dma_start3A_32 = arith.constant 0 : i32
      %dma_start3A_33 = arith.constant 0 : i32
      %dma_start3A_34 = tpu.memref_slice %arg4[%dma_start3A_32, %dma_start3A_33] : memref<16384x4096xf32, #tpu.memory_space<hbm>> -> memref<16384x4096xf32, #tpu.memory_space<hbm>>
      tpu.enqueue_indirect_dma source(%dma_start3A_34 : memref<16384x4096xf32, #tpu.memory_space<hbm>>) target(%arg10 : memref<4x4096xf32, #tpu.memory_space<vmem>>) offsets(%dma_start3A_31 : memref<4xi32, #tpu.memory_space<vmem>>) semaphore(%arg13 : memref<!tpu.dma_semaphore, #tpu.memory_space<semaphore_mem>>)
      %dma_start3A_35 = arith.constant 0 : i32
      %dma_start3A_36 = tpu.memref_slice %arg7[%add3A_28, %dma_start3A_35] : memref<64x4xi32, #tpu.memory_space<vmem>> -> memref<1x4xi32, #tpu.memory_space<vmem>>
      %dma_start3A_37 = tpu.memref_squeeze %dma_start3A_36 : memref<1x4xi32, #tpu.memory_space<vmem>> -> memref<4xi32, #tpu.memory_space<vmem>>
      %dma_start3A_38 = arith.constant 0 : i32
      %dma_start3A_39 = arith.constant 0 : i32
      %dma_start3A_40 = tpu.memref_slice %arg4[%dma_start3A_38, %dma_start3A_39] : memref<16384x4096xf32, #tpu.memory_space<hbm>> -> memref<16384x4096xf32, #tpu.memory_space<hbm>>
      tpu.enqueue_indirect_dma source(%dma_start3A_40 : memref<16384x4096xf32, #tpu.memory_space<hbm>>) target(%arg11 : memref<4x4096xf32, #tpu.memory_space<vmem>>) offsets(%dma_start3A_37 : memref<4xi32, #tpu.memory_space<vmem>>) semaphore(%arg13 : memref<!tpu.dma_semaphore, #tpu.memory_space<semaphore_mem>>)
      %dma_wait3A = arith.constant 0 : i32
      %dma_wait3A_41 = arith.constant 0 : i32
      %dma_wait3A_42 = tpu.memref_slice %arg4[%dma_wait3A, %dma_wait3A_41] : memref<16384x4096xf32, #tpu.memory_space<hbm>> -> memref<4x4096xf32, #tpu.memory_space<hbm>>
      %dma_wait3A_43 = arith.constant 0 : i32
      %dma_wait3A_44 = arith.constant 0 : i32
      %dma_wait3A_45 = tpu.memref_slice %arg4[%dma_wait3A_43, %dma_wait3A_44] : memref<16384x4096xf32, #tpu.memory_space<hbm>> -> memref<4x4096xf32, #tpu.memory_space<hbm>>
      tpu.wait_dma2 semaphore(%arg12 : memref<!tpu.dma_semaphore, #tpu.memory_space<semaphore_mem>>) src(%dma_wait3A_45 : memref<4x4096xf32, #tpu.memory_space<hbm>>) dst(%arg8 : memref<4x4096xf32, #tpu.memory_space<vmem>>)
      %dma_wait3A_46 = arith.constant 0 : i32
      %dma_wait3A_47 = arith.constant 0 : i32
      %dma_wait3A_48 = tpu.memref_slice %arg4[%dma_wait3A_46, %dma_wait3A_47] : memref<16384x4096xf32, #tpu.memory_space<hbm>> -> memref<4x4096xf32, #tpu.memory_space<hbm>>
      %dma_wait3A_49 = arith.constant 0 : i32
      %dma_wait3A_50 = arith.constant 0 : i32
      %dma_wait3A_51 = tpu.memref_slice %arg4[%dma_wait3A_49, %dma_wait3A_50] : memref<16384x4096xf32, #tpu.memory_space<hbm>> -> memref<4x4096xf32, #tpu.memory_space<hbm>>
      tpu.wait_dma2 semaphore(%arg12 : memref<!tpu.dma_semaphore, #tpu.memory_space<semaphore_mem>>) src(%dma_wait3A_51 : memref<4x4096xf32, #tpu.memory_space<hbm>>) dst(%arg9 : memref<4x4096xf32, #tpu.memory_space<vmem>>)
      %scan3A_52 = arith.constant 0 : i32
      %scan3A_53 = arith.constant 256 : i32
      %scan3A_54 = arith.addi %scan3A_52, %scan3A_53 : i32
      %scan3A_55 = arith.constant 8 : i32
      scf.for %scan3A_114 = %scan3A_52 to %scan3A_54 step %scan3A_55  : i32 {
        %mul3A_115 = arith.constant 1 : i32
        %mul3A_116 = arith.muli %scan3A_114, %mul3A_115 : i32
        %add3A_117 = arith.constant 0 : i32
        %add3A_118 = arith.addi %add3A_117, %mul3A_116 : i32
        %mul3A_119 = arith.constant 16 : i32
        %mul3A_120 = arith.muli %add3A_118, %mul3A_119 : i32
        %get3A = arith.constant 0 : i32
        %get3A_121 = arith.index_cast %get3A : i32 to index
        %get3A_122 = arith.index_cast %mul3A_120 : i32 to index
        %get3A_123 = tpu.vector_load %arg8[%get3A_121, %get3A_122] {strides = array<i32>} : memref<4x4096xf32, #tpu.memory_space<vmem>>, vector<1x16xf32>,
        %get3A_124 = vector.shape_cast %get3A_123 : vector<1x16xf32> to vector<16xf32>
        %get3A_125 = arith.constant 0 : i32
        %get3A_126 = arith.index_cast %get3A_125 : i32 to index
        %get3A_127 = arith.index_cast %mul3A_120 : i32 to index
        %get3A_128 = tpu.vector_load %arg9[%get3A_126, %get3A_127] {strides = array<i32>} : memref<4x4096xf32, #tpu.memory_space<vmem>>, vector<1x16xf32>,
        %get3A_129 = vector.shape_cast %get3A_128 : vector<1x16xf32> to vector<16xf32>
        %add3A_130 = arith.addf %get3A_124, %get3A_129 : vector<16xf32>
        %swap3A = arith.constant 0 : i32
        %swap3A_131 = arith.index_cast %swap3A : i32 to index
        %swap3A_132 = arith.index_cast %mul3A_120 : i32 to index
        %swap3A_133 = tpu.vector_load %arg8[%swap3A_131, %swap3A_132] {strides = array<i32>} : memref<4x4096xf32, #tpu.memory_space<vmem>>, vector<1x16xf32>,
        %swap3A_134 = vector.shape_cast %swap3A_133 : vector<1x16xf32> to vector<16xf32>
        %swap3A_135 = vector.shape_cast %add3A_130 : vector<16xf32> to vector<1x16xf32>
        tpu.vector_store %arg8[%swap3A_131, %swap3A_132], %swap3A_135 {strides = array<i32>} : memref<4x4096xf32, #tpu.memory_space<vmem>>, vector<1x16xf32>,
        %scan3A_136 = arith.constant 1 : i32
        %scan3A_137 = arith.addi %scan3A_114, %scan3A_136 : i32
        %mul3A_138 = arith.constant 1 : i32
        %mul3A_139 = arith.muli %scan3A_137, %mul3A_138 : i32
        %add3A_140 = arith.constant 0 : i32
        %add3A_141 = arith.addi %add3A_140, %mul3A_139 : i32
        %mul3A_142 = arith.constant 16 : i32
        %mul3A_143 = arith.muli %add3A_141, %mul3A_142 : i32
        %get3A_144 = arith.constant 0 : i32
        %get3A_145 = arith.index_cast %get3A_144 : i32 to index
        %get3A_146 = arith.index_cast %mul3A_143 : i32 to index
        %get3A_147 = tpu.vector_load %arg8[%get3A_145, %get3A_146] {strides = array<i32>} : memref<4x4096xf32, #tpu.memory_space<vmem>>, vector<1x16xf32>,
        %get3A_148 = vector.shape_cast %get3A_147 : vector<1x16xf32> to vector<16xf32>
        %get3A_149 = arith.constant 0 : i32
        %get3A_150 = arith.index_cast %get3A_149 : i32 to index
        %get3A_151 = arith.index_cast %mul3A_143 : i32 to index
        %get3A_152 = tpu.vector_load %arg9[%get3A_150, %get3A_151] {strides = array<i32>} : memref<4x4096xf32, #tpu.memory_space<vmem>>, vector<1x16xf32>,
        %get3A_153 = vector.shape_cast %get3A_152 : vector<1x16xf32> to vector<16xf32>
        %add3A_154 = arith.addf %get3A_148, %get3A_153 : vector<16xf32>
        %swap3A_155 = arith.constant 0 : i32
        %swap3A_156 = arith.index_cast %swap3A_155 : i32 to index
        %swap3A_157 = arith.index_cast %mul3A_143 : i32 to index
        %swap3A_158 = tpu.vector_load %arg8[%swap3A_156, %swap3A_157] {strides = array<i32>} : memref<4x4096xf32, #tpu.memory_space<vmem>>, vector<1x16xf32>,
        %swap3A_159 = vector.shape_cast %swap3A_158 : vector<1x16xf32> to vector<16xf32>
        %swap3A_160 = vector.shape_cast %add3A_154 : vector<16xf32> to vector<1x16xf32>
        tpu.vector_store %arg8[%swap3A_156, %swap3A_157], %swap3A_160 {strides = array<i32>} : memref<4x4096xf32, #tpu.memory_space<vmem>>, vector<1x16xf32>,
        %scan3A_161 = arith.constant 2 : i32
        %scan3A_162 = arith.addi %scan3A_114, %scan3A_161 : i32
        %mul3A_163 = arith.constant 1 : i32
        %mul3A_164 = arith.muli %scan3A_162, %mul3A_163 : i32
        %add3A_165 = arith.constant 0 : i32
        %add3A_166 = arith.addi %add3A_165, %mul3A_164 : i32
        %mul3A_167 = arith.constant 16 : i32
        %mul3A_168 = arith.muli %add3A_166, %mul3A_167 : i32
        %get3A_169 = arith.constant 0 : i32
        %get3A_170 = arith.index_cast %get3A_169 : i32 to index
        %get3A_171 = arith.index_cast %mul3A_168 : i32 to index
        %get3A_172 = tpu.vector_load %arg8[%get3A_170, %get3A_171] {strides = array<i32>} : memref<4x4096xf32, #tpu.memory_space<vmem>>, vector<1x16xf32>,
        %get3A_173 = vector.shape_cast %get3A_172 : vector<1x16xf32> to vector<16xf32>
        %get3A_174 = arith.constant 0 : i32
        %get3A_175 = arith.index_cast %get3A_174 : i32 to index
        %get3A_176 = arith.index_cast %mul3A_168 : i32 to index
        %get3A_177 = tpu.vector_load %arg9[%get3A_175, %get3A_176] {strides = array<i32>} : memref<4x4096xf32, #tpu.memory_space<vmem>>, vector<1x16xf32>,
        %get3A_178 = vector.shape_cast %get3A_177 : vector<1x16xf32> to vector<16xf32>
        %add3A_179 = arith.addf %get3A_173, %get3A_178 : vector<16xf32>
        %swap3A_180 = arith.constant 0 : i32
        %swap3A_181 = arith.index_cast %swap3A_180 : i32 to index
        %swap3A_182 = arith.index_cast %mul3A_168 : i32 to index
        %swap3A_183 = tpu.vector_load %arg8[%swap3A_181, %swap3A_182] {strides = array<i32>} : memref<4x4096xf32, #tpu.memory_space<vmem>>, vector<1x16xf32>,
        %swap3A_184 = vector.shape_cast %swap3A_183 : vector<1x16xf32> to vector<16xf32>
        %swap3A_185 = vector.shape_cast %add3A_179 : vector<16xf32> to vector<1x16xf32>
        tpu.vector_store %arg8[%swap3A_181, %swap3A_182], %swap3A_185 {strides = array<i32>} : memref<4x4096xf32, #tpu.memory_space<vmem>>, vector<1x16xf32>,
        %scan3A_186 = arith.constant 3 : i32
        %scan3A_187 = arith.addi %scan3A_114, %scan3A_186 : i32
        %mul3A_188 = arith.constant 1 : i32
        %mul3A_189 = arith.muli %scan3A_187, %mul3A_188 : i32
        %add3A_190 = arith.constant 0 : i32
        %add3A_191 = arith.addi %add3A_190, %mul3A_189 : i32
        %mul3A_192 = arith.constant 16 : i32
        %mul3A_193 = arith.muli %add3A_191, %mul3A_192 : i32
        %get3A_194 = arith.constant 0 : i32
        %get3A_195 = arith.index_cast %get3A_194 : i32 to index
        %get3A_196 = arith.index_cast %mul3A_193 : i32 to index
        %get3A_197 = tpu.vector_load %arg8[%get3A_195, %get3A_196] {strides = array<i32>} : memref<4x4096xf32, #tpu.memory_space<vmem>>, vector<1x16xf32>,
        %get3A_198 = vector.shape_cast %get3A_197 : vector<1x16xf32> to vector<16xf32>
        %get3A_199 = arith.constant 0 : i32
        %get3A_200 = arith.index_cast %get3A_199 : i32 to index
        %get3A_201 = arith.index_cast %mul3A_193 : i32 to index
        %get3A_202 = tpu.vector_load %arg9[%get3A_200, %get3A_201] {strides = array<i32>} : memref<4x4096xf32, #tpu.memory_space<vmem>>, vector<1x16xf32>,
        %get3A_203 = vector.shape_cast %get3A_202 : vector<1x16xf32> to vector<16xf32>
        %add3A_204 = arith.addf %get3A_198, %get3A_203 : vector<16xf32>
        %swap3A_205 = arith.constant 0 : i32
        %swap3A_206 = arith.index_cast %swap3A_205 : i32 to index
        %swap3A_207 = arith.index_cast %mul3A_193 : i32 to index
        %swap3A_208 = tpu.vector_load %arg8[%swap3A_206, %swap3A_207] {strides = array<i32>} : memref<4x4096xf32, #tpu.memory_space<vmem>>, vector<1x16xf32>,
        %swap3A_209 = vector.shape_cast %swap3A_208 : vector<1x16xf32> to vector<16xf32>
        %swap3A_210 = vector.shape_cast %add3A_204 : vector<16xf32> to vector<1x16xf32>
        tpu.vector_store %arg8[%swap3A_206, %swap3A_207], %swap3A_210 {strides = array<i32>} : memref<4x4096xf32, #tpu.memory_space<vmem>>, vector<1x16xf32>,
        %scan3A_211 = arith.constant 4 : i32
        %scan3A_212 = arith.addi %scan3A_114, %scan3A_211 : i32
        %mul3A_213 = arith.constant 1 : i32
        %mul3A_214 = arith.muli %scan3A_212, %mul3A_213 : i32
        %add3A_215 = arith.constant 0 : i32
        %add3A_216 = arith.addi %add3A_215, %mul3A_214 : i32
        %mul3A_217 = arith.constant 16 : i32
        %mul3A_218 = arith.muli %add3A_216, %mul3A_217 : i32
        %get3A_219 = arith.constant 0 : i32
        %get3A_220 = arith.index_cast %get3A_219 : i32 to index
        %get3A_221 = arith.index_cast %mul3A_218 : i32 to index
        %get3A_222 = tpu.vector_load %arg8[%get3A_220, %get3A_221] {strides = array<i32>} : memref<4x4096xf32, #tpu.memory_space<vmem>>, vector<1x16xf32>,
        %get3A_223 = vector.shape_cast %get3A_222 : vector<1x16xf32> to vector<16xf32>
        %get3A_224 = arith.constant 0 : i32
        %get3A_225 = arith.index_cast %get3A_224 : i32 to index
        %get3A_226 = arith.index_cast %mul3A_218 : i32 to index
        %get3A_227 = tpu.vector_load %arg9[%get3A_225, %get3A_226] {strides = array<i32>} : memref<4x4096xf32, #tpu.memory_space<vmem>>, vector<1x16xf32>,
        %get3A_228 = vector.shape_cast %get3A_227 : vector<1x16xf32> to vector<16xf32>
        %add3A_229 = arith.addf %get3A_223, %get3A_228 : vector<16xf32>
        %swap3A_230 = arith.constant 0 : i32
        %swap3A_231 = arith.index_cast %swap3A_230 : i32 to index
        %swap3A_232 = arith.index_cast %mul3A_218 : i32 to index
        %swap3A_233 = tpu.vector_load %arg8[%swap3A_231, %swap3A_232] {strides = array<i32>} : memref<4x4096xf32, #tpu.memory_space<vmem>>, vector<1x16xf32>,
        %swap3A_234 = vector.shape_cast %swap3A_233 : vector<1x16xf32> to vector<16xf32>
        %swap3A_235 = vector.shape_cast %add3A_229 : vector<16xf32> to vector<1x16xf32>
        tpu.vector_store %arg8[%swap3A_231, %swap3A_232], %swap3A_235 {strides = array<i32>} : memref<4x4096xf32, #tpu.memory_space<vmem>>, vector<1x16xf32>,
        %scan3A_236 = arith.constant 5 : i32
        %scan3A_237 = arith.addi %scan3A_114, %scan3A_236 : i32
        %mul3A_238 = arith.constant 1 : i32
        %mul3A_239 = arith.muli %scan3A_237, %mul3A_238 : i32
        %add3A_240 = arith.constant 0 : i32
        %add3A_241 = arith.addi %add3A_240, %mul3A_239 : i32
        %mul3A_242 = arith.constant 16 : i32
        %mul3A_243 = arith.muli %add3A_241, %mul3A_242 : i32
        %get3A_244 = arith.constant 0 : i32
        %get3A_245 = arith.index_cast %get3A_244 : i32 to index
        %get3A_246 = arith.index_cast %mul3A_243 : i32 to index
        %get3A_247 = tpu.vector_load %arg8[%get3A_245, %get3A_246] {strides = array<i32>} : memref<4x4096xf32, #tpu.memory_space<vmem>>, vector<1x16xf32>,
        %get3A_248 = vector.shape_cast %get3A_247 : vector<1x16xf32> to vector<16xf32>
        %get3A_249 = arith.constant 0 : i32
        %get3A_250 = arith.index_cast %get3A_249 : i32 to index
        %get3A_251 = arith.index_cast %mul3A_243 : i32 to index
        %get3A_252 = tpu.vector_load %arg9[%get3A_250, %get3A_251] {strides = array<i32>} : memref<4x4096xf32, #tpu.memory_space<vmem>>, vector<1x16xf32>,
        %get3A_253 = vector.shape_cast %get3A_252 : vector<1x16xf32> to vector<16xf32>
        %add3A_254 = arith.addf %get3A_248, %get3A_253 : vector<16xf32>
        %swap3A_255 = arith.constant 0 : i32
        %swap3A_256 = arith.index_cast %swap3A_255 : i32 to index
        %swap3A_257 = arith.index_cast %mul3A_243 : i32 to index
        %swap3A_258 = tpu.vector_load %arg8[%swap3A_256, %swap3A_257] {strides = array<i32>} : memref<4x4096xf32, #tpu.memory_space<vmem>>, vector<1x16xf32>,
        %swap3A_259 = vector.shape_cast %swap3A_258 : vector<1x16xf32> to vector<16xf32>
        %swap3A_260 = vector.shape_cast %add3A_254 : vector<16xf32> to vector<1x16xf32>
        tpu.vector_store %arg8[%swap3A_256, %swap3A_257], %swap3A_260 {strides = array<i32>} : memref<4x4096xf32, #tpu.memory_space<vmem>>, vector<1x16xf32>,
        %scan3A_261 = arith.constant 6 : i32
        %scan3A_262 = arith.addi %scan3A_114, %scan3A_261 : i32
        %mul3A_263 = arith.constant 1 : i32
        %mul3A_264 = arith.muli %scan3A_262, %mul3A_263 : i32
        %add3A_265 = arith.constant 0 : i32
        %add3A_266 = arith.addi %add3A_265, %mul3A_264 : i32
        %mul3A_267 = arith.constant 16 : i32
        %mul3A_268 = arith.muli %add3A_266, %mul3A_267 : i32
        %get3A_269 = arith.constant 0 : i32
        %get3A_270 = arith.index_cast %get3A_269 : i32 to index
        %get3A_271 = arith.index_cast %mul3A_268 : i32 to index
        %get3A_272 = tpu.vector_load %arg8[%get3A_270, %get3A_271] {strides = array<i32>} : memref<4x4096xf32, #tpu.memory_space<vmem>>, vector<1x16xf32>,
        %get3A_273 = vector.shape_cast %get3A_272 : vector<1x16xf32> to vector<16xf32>
        %get3A_274 = arith.constant 0 : i32
        %get3A_275 = arith.index_cast %get3A_274 : i32 to index
        %get3A_276 = arith.index_cast %mul3A_268 : i32 to index
        %get3A_277 = tpu.vector_load %arg9[%get3A_275, %get3A_276] {strides = array<i32>} : memref<4x4096xf32, #tpu.memory_space<vmem>>, vector<1x16xf32>,
        %get3A_278 = vector.shape_cast %get3A_277 : vector<1x16xf32> to vector<16xf32>
        %add3A_279 = arith.addf %get3A_273, %get3A_278 : vector<16xf32>
        %swap3A_280 = arith.constant 0 : i32
        %swap3A_281 = arith.index_cast %swap3A_280 : i32 to index
        %swap3A_282 = arith.index_cast %mul3A_268 : i32 to index
        %swap3A_283 = tpu.vector_load %arg8[%swap3A_281, %swap3A_282] {strides = array<i32>} : memref<4x4096xf32, #tpu.memory_space<vmem>>, vector<1x16xf32>,
        %swap3A_284 = vector.shape_cast %swap3A_283 : vector<1x16xf32> to vector<16xf32>
        %swap3A_285 = vector.shape_cast %add3A_279 : vector<16xf32> to vector<1x16xf32>
        tpu.vector_store %arg8[%swap3A_281, %swap3A_282], %swap3A_285 {strides = array<i32>} : memref<4x4096xf32, #tpu.memory_space<vmem>>, vector<1x16xf32>,
        %scan3A_286 = arith.constant 7 : i32
        %scan3A_287 = arith.addi %scan3A_114, %scan3A_286 : i32
        %mul3A_288 = arith.constant 1 : i32
        %mul3A_289 = arith.muli %scan3A_287, %mul3A_288 : i32
        %add3A_290 = arith.constant 0 : i32
        %add3A_291 = arith.addi %add3A_290, %mul3A_289 : i32
        %mul3A_292 = arith.constant 16 : i32
        %mul3A_293 = arith.muli %add3A_291, %mul3A_292 : i32
        %get3A_294 = arith.constant 0 : i32
        %get3A_295 = arith.index_cast %get3A_294 : i32 to index
        %get3A_296 = arith.index_cast %mul3A_293 : i32 to index
        %get3A_297 = tpu.vector_load %arg8[%get3A_295, %get3A_296] {strides = array<i32>} : memref<4x4096xf32, #tpu.memory_space<vmem>>, vector<1x16xf32>,
        %get3A_298 = vector.shape_cast %get3A_297 : vector<1x16xf32> to vector<16xf32>
        %get3A_299 = arith.constant 0 : i32
        %get3A_300 = arith.index_cast %get3A_299 : i32 to index
        %get3A_301 = arith.index_cast %mul3A_293 : i32 to index
        %get3A_302 = tpu.vector_load %arg9[%get3A_300, %get3A_301] {strides = array<i32>} : memref<4x4096xf32, #tpu.memory_space<vmem>>, vector<1x16xf32>,
        %get3A_303 = vector.shape_cast %get3A_302 : vector<1x16xf32> to vector<16xf32>
        %add3A_304 = arith.addf %get3A_298, %get3A_303 : vector<16xf32>
        %swap3A_305 = arith.constant 0 : i32
        %swap3A_306 = arith.index_cast %swap3A_305 : i32 to index
        %swap3A_307 = arith.index_cast %mul3A_293 : i32 to index
        %swap3A_308 = tpu.vector_load %arg8[%swap3A_306, %swap3A_307] {strides = array<i32>} : memref<4x4096xf32, #tpu.memory_space<vmem>>, vector<1x16xf32>,
        %swap3A_309 = vector.shape_cast %swap3A_308 : vector<1x16xf32> to vector<16xf32>
        %swap3A_310 = vector.shape_cast %add3A_304 : vector<16xf32> to vector<1x16xf32>
        tpu.vector_store %arg8[%swap3A_306, %swap3A_307], %swap3A_310 {strides = array<i32>} : memref<4x4096xf32, #tpu.memory_space<vmem>>, vector<1x16xf32>,
      }
      %scan3A_56 = arith.constant 256 : i32
      %scan3A_57 = arith.constant 0 : i32
      %scan3A_58 = arith.constant 256 : i32
      %scan3A_59 = arith.addi %scan3A_57, %scan3A_58 : i32
      %scan3A_60 = arith.constant 8 : i32
      scf.for %scan3A_114 = %scan3A_57 to %scan3A_59 step %scan3A_60  : i32 {
        %mul3A_115 = arith.constant 1 : i32
        %mul3A_116 = arith.muli %scan3A_114, %mul3A_115 : i32
        %add3A_117 = arith.constant 0 : i32
        %add3A_118 = arith.addi %add3A_117, %mul3A_116 : i32
        %mul3A_119 = arith.constant 16 : i32
        %mul3A_120 = arith.muli %add3A_118, %mul3A_119 : i32
        %get3A = arith.constant 1 : i32
        %get3A_121 = arith.index_cast %get3A : i32 to index
        %get3A_122 = arith.index_cast %mul3A_120 : i32 to index
        %get3A_123 = tpu.vector_load %arg8[%get3A_121, %get3A_122] {strides = array<i32>} : memref<4x4096xf32, #tpu.memory_space<vmem>>, vector<1x16xf32>,
        %get3A_124 = vector.shape_cast %get3A_123 : vector<1x16xf32> to vector<16xf32>
        %get3A_125 = arith.constant 1 : i32
        %get3A_126 = arith.index_cast %get3A_125 : i32 to index
        %get3A_127 = arith.index_cast %mul3A_120 : i32 to index
        %get3A_128 = tpu.vector_load %arg9[%get3A_126, %get3A_127] {strides = array<i32>} : memref<4x4096xf32, #tpu.memory_space<vmem>>, vector<1x16xf32>,
        %get3A_129 = vector.shape_cast %get3A_128 : vector<1x16xf32> to vector<16xf32>
        %add3A_130 = arith.addf %get3A_124, %get3A_129 : vector<16xf32>
        %swap3A = arith.constant 1 : i32
        %swap3A_131 = arith.index_cast %swap3A : i32 to index
        %swap3A_132 = arith.index_cast %mul3A_120 : i32 to index
        %swap3A_133 = tpu.vector_load %arg8[%swap3A_131, %swap3A_132] {strides = array<i32>} : memref<4x4096xf32, #tpu.memory_space<vmem>>, vector<1x16xf32>,
        %swap3A_134 = vector.shape_cast %swap3A_133 : vector<1x16xf32> to vector<16xf32>
        %swap3A_135 = vector.shape_cast %add3A_130 : vector<16xf32> to vector<1x16xf32>
        tpu.vector_store %arg8[%swap3A_131, %swap3A_132], %swap3A_135 {strides = array<i32>} : memref<4x4096xf32, #tpu.memory_space<vmem>>, vector<1x16xf32>,
        %scan3A_136 = arith.constant 1 : i32
        %scan3A_137 = arith.addi %scan3A_114, %scan3A_136 : i32
        %mul3A_138 = arith.constant 1 : i32
        %mul3A_139 = arith.muli %scan3A_137, %mul3A_138 : i32
        %add3A_140 = arith.constant 0 : i32
        %add3A_141 = arith.addi %add3A_140, %mul3A_139 : i32
        %mul3A_142 = arith.constant 16 : i32
        %mul3A_143 = arith.muli %add3A_141, %mul3A_142 : i32
        %get3A_144 = arith.constant 1 : i32
        %get3A_145 = arith.index_cast %get3A_144 : i32 to index
        %get3A_146 = arith.index_cast %mul3A_143 : i32 to index
        %get3A_147 = tpu.vector_load %arg8[%get3A_145, %get3A_146] {strides = array<i32>} : memref<4x4096xf32, #tpu.memory_space<vmem>>, vector<1x16xf32>,
        %get3A_148 = vector.shape_cast %get3A_147 : vector<1x16xf32> to vector<16xf32>
        %get3A_149 = arith.constant 1 : i32
        %get3A_150 = arith.index_cast %get3A_149 : i32 to index
        %get3A_151 = arith.index_cast %mul3A_143 : i32 to index
        %get3A_152 = tpu.vector_load %arg9[%get3A_150, %get3A_151] {strides = array<i32>} : memref<4x4096xf32, #tpu.memory_space<vmem>>, vector<1x16xf32>,
        %get3A_153 = vector.shape_cast %get3A_152 : vector<1x16xf32> to vector<16xf32>
        %add3A_154 = arith.addf %get3A_148, %get3A_153 : vector<16xf32>
        %swap3A_155 = arith.constant 1 : i32
        %swap3A_156 = arith.index_cast %swap3A_155 : i32 to index
        %swap3A_157 = arith.index_cast %mul3A_143 : i32 to index
        %swap3A_158 = tpu.vector_load %arg8[%swap3A_156, %swap3A_157] {strides = array<i32>} : memref<4x4096xf32, #tpu.memory_space<vmem>>, vector<1x16xf32>,
        %swap3A_159 = vector.shape_cast %swap3A_158 : vector<1x16xf32> to vector<16xf32>
        %swap3A_160 = vector.shape_cast %add3A_154 : vector<16xf32> to vector<1x16xf32>
        tpu.vector_store %arg8[%swap3A_156, %swap3A_157], %swap3A_160 {strides = array<i32>} : memref<4x4096xf32, #tpu.memory_space<vmem>>, vector<1x16xf32>,
        %scan3A_161 = arith.constant 2 : i32
        %scan3A_162 = arith.addi %scan3A_114, %scan3A_161 : i32
        %mul3A_163 = arith.constant 1 : i32
        %mul3A_164 = arith.muli %scan3A_162, %mul3A_163 : i32
        %add3A_165 = arith.constant 0 : i32
        %add3A_166 = arith.addi %add3A_165, %mul3A_164 : i32
        %mul3A_167 = arith.constant 16 : i32
        %mul3A_168 = arith.muli %add3A_166, %mul3A_167 : i32
        %get3A_169 = arith.constant 1 : i32
        %get3A_170 = arith.index_cast %get3A_169 : i32 to index
        %get3A_171 = arith.index_cast %mul3A_168 : i32 to index
        %get3A_172 = tpu.vector_load %arg8[%get3A_170, %get3A_171] {strides = array<i32>} : memref<4x4096xf32, #tpu.memory_space<vmem>>, vector<1x16xf32>,
        %get3A_173 = vector.shape_cast %get3A_172 : vector<1x16xf32> to vector<16xf32>
        %get3A_174 = arith.constant 1 : i32
        %get3A_175 = arith.index_cast %get3A_174 : i32 to index
        %get3A_176 = arith.index_cast %mul3A_168 : i32 to index
        %get3A_177 = tpu.vector_load %arg9[%get3A_175, %get3A_176] {strides = array<i32>} : memref<4x4096xf32, #tpu.memory_space<vmem>>, vector<1x16xf32>,
        %get3A_178 = vector.shape_cast %get3A_177 : vector<1x16xf32> to vector<16xf32>
        %add3A_179 = arith.addf %get3A_173, %get3A_178 : vector<16xf32>
        %swap3A_180 = arith.constant 1 : i32
        %swap3A_181 = arith.index_cast %swap3A_180 : i32 to index
        %swap3A_182 = arith.index_cast %mul3A_168 : i32 to index
        %swap3A_183 = tpu.vector_load %arg8[%swap3A_181, %swap3A_182] {strides = array<i32>} : memref<4x4096xf32, #tpu.memory_space<vmem>>, vector<1x16xf32>,
        %swap3A_184 = vector.shape_cast %swap3A_183 : vector<1x16xf32> to vector<16xf32>
        %swap3A_185 = vector.shape_cast %add3A_179 : vector<16xf32> to vector<1x16xf32>
        tpu.vector_store %arg8[%swap3A_181, %swap3A_182], %swap3A_185 {strides = array<i32>} : memref<4x4096xf32, #tpu.memory_space<vmem>>, vector<1x16xf32>,
        %scan3A_186 = arith.constant 3 : i32
        %scan3A_187 = arith.addi %scan3A_114, %scan3A_186 : i32
        %mul3A_188 = arith.constant 1 : i32
        %mul3A_189 = arith.muli %scan3A_187, %mul3A_188 : i32
        %add3A_190 = arith.constant 0 : i32
        %add3A_191 = arith.addi %add3A_190, %mul3A_189 : i32
        %mul3A_192 = arith.constant 16 : i32
        %mul3A_193 = arith.muli %add3A_191, %mul3A_192 : i32
        %get3A_194 = arith.constant 1 : i32
        %get3A_195 = arith.index_cast %get3A_194 : i32 to index
        %get3A_196 = arith.index_cast %mul3A_193 : i32 to index
        %get3A_197 = tpu.vector_load %arg8[%get3A_195, %get3A_196] {strides = array<i32>} : memref<4x4096xf32, #tpu.memory_space<vmem>>, vector<1x16xf32>,
        %get3A_198 = vector.shape_cast %get3A_197 : vector<1x16xf32> to vector<16xf32>
        %get3A_199 = arith.constant 1 : i32
        %get3A_200 = arith.index_cast %get3A_199 : i32 to index
        %get3A_201 = arith.index_cast %mul3A_193 : i32 to index
        %get3A_202 = tpu.vector_load %arg9[%get3A_200, %get3A_201] {strides = array<i32>} : memref<4x4096xf32, #tpu.memory_space<vmem>>, vector<1x16xf32>,
        %get3A_203 = vector.shape_cast %get3A_202 : vector<1x16xf32> to vector<16xf32>
        %add3A_204 = arith.addf %get3A_198, %get3A_203 : vector<16xf32>
        %swap3A_205 = arith.constant 1 : i32
        %swap3A_206 = arith.index_cast %swap3A_205 : i32 to index
        %swap3A_207 = arith.index_cast %mul3A_193 : i32 to index
        %swap3A_208 = tpu.vector_load %arg8[%swap3A_206, %swap3A_207] {strides = array<i32>} : memref<4x4096xf32, #tpu.memory_space<vmem>>, vector<1x16xf32>,
        %swap3A_209 = vector.shape_cast %swap3A_208 : vector<1x16xf32> to vector<16xf32>
        %swap3A_210 = vector.shape_cast %add3A_204 : vector<16xf32> to vector<1x16xf32>
        tpu.vector_store %arg8[%swap3A_206, %swap3A_207], %swap3A_210 {strides = array<i32>} : memref<4x4096xf32, #tpu.memory_space<vmem>>, vector<1x16xf32>,
        %scan3A_211 = arith.constant 4 : i32
        %scan3A_212 = arith.addi %scan3A_114, %scan3A_211 : i32
        %mul3A_213 = arith.constant 1 : i32
        %mul3A_214 = arith.muli %scan3A_212, %mul3A_213 : i32
        %add3A_215 = arith.constant 0 : i32
        %add3A_216 = arith.addi %add3A_215, %mul3A_214 : i32
        %mul3A_217 = arith.constant 16 : i32
        %mul3A_218 = arith.muli %add3A_216, %mul3A_217 : i32
        %get3A_219 = arith.constant 1 : i32
        %get3A_220 = arith.index_cast %get3A_219 : i32 to index
        %get3A_221 = arith.index_cast %mul3A_218 : i32 to index
        %get3A_222 = tpu.vector_load %arg8[%get3A_220, %get3A_221] {strides = array<i32>} : memref<4x4096xf32, #tpu.memory_space<vmem>>, vector<1x16xf32>,
        %get3A_223 = vector.shape_cast %get3A_222 : vector<1x16xf32> to vector<16xf32>
        %get3A_224 = arith.constant 1 : i32
        %get3A_225 = arith.index_cast %get3A_224 : i32 to index
        %get3A_226 = arith.index_cast %mul3A_218 : i32 to index
        %get3A_227 = tpu.vector_load %arg9[%get3A_225, %get3A_226] {strides = array<i32>} : memref<4x4096xf32, #tpu.memory_space<vmem>>, vector<1x16xf32>,
        %get3A_228 = vector.shape_cast %get3A_227 : vector<1x16xf32> to vector<16xf32>
        %add3A_229 = arith.addf %get3A_223, %get3A_228 : vector<16xf32>
        %swap3A_230 = arith.constant 1 : i32
        %swap3A_231 = arith.index_cast %swap3A_230 : i32 to index
        %swap3A_232 = arith.index_cast %mul3A_218 : i32 to index
        %swap3A_233 = tpu.vector_load %arg8[%swap3A_231, %swap3A_232] {strides = array<i32>} : memref<4x4096xf32, #tpu.memory_space<vmem>>, vector<1x16xf32>,
        %swap3A_234 = vector.shape_cast %swap3A_233 : vector<1x16xf32> to vector<16xf32>
        %swap3A_235 = vector.shape_cast %add3A_229 : vector<16xf32> to vector<1x16xf32>
        tpu.vector_store %arg8[%swap3A_231, %swap3A_232], %swap3A_235 {strides = array<i32>} : memref<4x4096xf32, #tpu.memory_space<vmem>>, vector<1x16xf32>,
        %scan3A_236 = arith.constant 5 : i32
        %scan3A_237 = arith.addi %scan3A_114, %scan3A_236 : i32
        %mul3A_238 = arith.constant 1 : i32
        %mul3A_239 = arith.muli %scan3A_237, %mul3A_238 : i32
        %add3A_240 = arith.constant 0 : i32
        %add3A_241 = arith.addi %add3A_240, %mul3A_239 : i32
        %mul3A_242 = arith.constant 16 : i32
        %mul3A_243 = arith.muli %add3A_241, %mul3A_242 : i32
        %get3A_244 = arith.constant 1 : i32
        %get3A_245 = arith.index_cast %get3A_244 : i32 to index
        %get3A_246 = arith.index_cast %mul3A_243 : i32 to index
        %get3A_247 = tpu.vector_load %arg8[%get3A_245, %get3A_246] {strides = array<i32>} : memref<4x4096xf32, #tpu.memory_space<vmem>>, vector<1x16xf32>,
        %get3A_248 = vector.shape_cast %get3A_247 : vector<1x16xf32> to vector<16xf32>
        %get3A_249 = arith.constant 1 : i32
        %get3A_250 = arith.index_cast %get3A_249 : i32 to index
        %get3A_251 = arith.index_cast %mul3A_243 : i32 to index
        %get3A_252 = tpu.vector_load %arg9[%get3A_250, %get3A_251] {strides = array<i32>} : memref<4x4096xf32, #tpu.memory_space<vmem>>, vector<1x16xf32>,
        %get3A_253 = vector.shape_cast %get3A_252 : vector<1x16xf32> to vector<16xf32>
        %add3A_254 = arith.addf %get3A_248, %get3A_253 : vector<16xf32>
        %swap3A_255 = arith.constant 1 : i32
        %swap3A_256 = arith.index_cast %swap3A_255 : i32 to index
        %swap3A_257 = arith.index_cast %mul3A_243 : i32 to index
        %swap3A_258 = tpu.vector_load %arg8[%swap3A_256, %swap3A_257] {strides = array<i32>} : memref<4x4096xf32, #tpu.memory_space<vmem>>, vector<1x16xf32>,
        %swap3A_259 = vector.shape_cast %swap3A_258 : vector<1x16xf32> to vector<16xf32>
        %swap3A_260 = vector.shape_cast %add3A_254 : vector<16xf32> to vector<1x16xf32>
        tpu.vector_store %arg8[%swap3A_256, %swap3A_257], %swap3A_260 {strides = array<i32>} : memref<4x4096xf32, #tpu.memory_space<vmem>>, vector<1x16xf32>,
        %scan3A_261 = arith.constant 6 : i32
        %scan3A_262 = arith.addi %scan3A_114, %scan3A_261 : i32
        %mul3A_263 = arith.constant 1 : i32
        %mul3A_264 = arith.muli %scan3A_262, %mul3A_263 : i32
        %add3A_265 = arith.constant 0 : i32
        %add3A_266 = arith.addi %add3A_265, %mul3A_264 : i32
        %mul3A_267 = arith.constant 16 : i32
        %mul3A_268 = arith.muli %add3A_266, %mul3A_267 : i32
        %get3A_269 = arith.constant 1 : i32
        %get3A_270 = arith.index_cast %get3A_269 : i32 to index
        %get3A_271 = arith.index_cast %mul3A_268 : i32 to index
        %get3A_272 = tpu.vector_load %arg8[%get3A_270, %get3A_271] {strides = array<i32>} : memref<4x4096xf32, #tpu.memory_space<vmem>>, vector<1x16xf32>,
        %get3A_273 = vector.shape_cast %get3A_272 : vector<1x16xf32> to vector<16xf32>
        %get3A_274 = arith.constant 1 : i32
        %get3A_275 = arith.index_cast %get3A_274 : i32 to index
        %get3A_276 = arith.index_cast %mul3A_268 : i32 to index
        %get3A_277 = tpu.vector_load %arg9[%get3A_275, %get3A_276] {strides = array<i32>} : memref<4x4096xf32, #tpu.memory_space<vmem>>, vector<1x16xf32>,
        %get3A_278 = vector.shape_cast %get3A_277 : vector<1x16xf32> to vector<16xf32>
        %add3A_279 = arith.addf %get3A_273, %get3A_278 : vector<16xf32>
        %swap3A_280 = arith.constant 1 : i32
        %swap3A_281 = arith.index_cast %swap3A_280 : i32 to index
        %swap3A_282 = arith.index_cast %mul3A_268 : i32 to index
        %swap3A_283 = tpu.vector_load %arg8[%swap3A_281, %swap3A_282] {strides = array<i32>} : memref<4x4096xf32, #tpu.memory_space<vmem>>, vector<1x16xf32>,
        %swap3A_284 = vector.shape_cast %swap3A_283 : vector<1x16xf32> to vector<16xf32>
        %swap3A_285 = vector.shape_cast %add3A_279 : vector<16xf32> to vector<1x16xf32>
        tpu.vector_store %arg8[%swap3A_281, %swap3A_282], %swap3A_285 {strides = array<i32>} : memref<4x4096xf32, #tpu.memory_space<vmem>>, vector<1x16xf32>,
        %scan3A_286 = arith.constant 7 : i32
        %scan3A_287 = arith.addi %scan3A_114, %scan3A_286 : i32
        %mul3A_288 = arith.constant 1 : i32
        %mul3A_289 = arith.muli %scan3A_287, %mul3A_288 : i32
        %add3A_290 = arith.constant 0 : i32
        %add3A_291 = arith.addi %add3A_290, %mul3A_289 : i32
        %mul3A_292 = arith.constant 16 : i32
        %mul3A_293 = arith.muli %add3A_291, %mul3A_292 : i32
        %get3A_294 = arith.constant 1 : i32
        %get3A_295 = arith.index_cast %get3A_294 : i32 to index
        %get3A_296 = arith.index_cast %mul3A_293 : i32 to index
        %get3A_297 = tpu.vector_load %arg8[%get3A_295, %get3A_296] {strides = array<i32>} : memref<4x4096xf32, #tpu.memory_space<vmem>>, vector<1x16xf32>,
        %get3A_298 = vector.shape_cast %get3A_297 : vector<1x16xf32> to vector<16xf32>
        %get3A_299 = arith.constant 1 : i32
        %get3A_300 = arith.index_cast %get3A_299 : i32 to index
        %get3A_301 = arith.index_cast %mul3A_293 : i32 to index
        %get3A_302 = tpu.vector_load %arg9[%get3A_300, %get3A_301] {strides = array<i32>} : memref<4x4096xf32, #tpu.memory_space<vmem>>, vector<1x16xf32>,
        %get3A_303 = vector.shape_cast %get3A_302 : vector<1x16xf32> to vector<16xf32>
        %add3A_304 = arith.addf %get3A_298, %get3A_303 : vector<16xf32>
        %swap3A_305 = arith.constant 1 : i32
        %swap3A_306 = arith.index_cast %swap3A_305 : i32 to index
        %swap3A_307 = arith.index_cast %mul3A_293 : i32 to index
        %swap3A_308 = tpu.vector_load %arg8[%swap3A_306, %swap3A_307] {strides = array<i32>} : memref<4x4096xf32, #tpu.memory_space<vmem>>, vector<1x16xf32>,
        %swap3A_309 = vector.shape_cast %swap3A_308 : vector<1x16xf32> to vector<16xf32>
        %swap3A_310 = vector.shape_cast %add3A_304 : vector<16xf32> to vector<1x16xf32>
        tpu.vector_store %arg8[%swap3A_306, %swap3A_307], %swap3A_310 {strides = array<i32>} : memref<4x4096xf32, #tpu.memory_space<vmem>>, vector<1x16xf32>,
      }
      %scan3A_61 = arith.constant 256 : i32
      %scan3A_62 = arith.constant 0 : i32
      %scan3A_63 = arith.constant 256 : i32
      %scan3A_64 = arith.addi %scan3A_62, %scan3A_63 : i32
      %scan3A_65 = arith.constant 8 : i32
      scf.for %scan3A_114 = %scan3A_62 to %scan3A_64 step %scan3A_65  : i32 {
        %mul3A_115 = arith.constant 1 : i32
        %mul3A_116 = arith.muli %scan3A_114, %mul3A_115 : i32
        %add3A_117 = arith.constant 0 : i32
        %add3A_118 = arith.addi %add3A_117, %mul3A_116 : i32
        %mul3A_119 = arith.constant 16 : i32
        %mul3A_120 = arith.muli %add3A_118, %mul3A_119 : i32
        %get3A = arith.constant 2 : i32
        %get3A_121 = arith.index_cast %get3A : i32 to index
        %get3A_122 = arith.index_cast %mul3A_120 : i32 to index
        %get3A_123 = tpu.vector_load %arg8[%get3A_121, %get3A_122] {strides = array<i32>} : memref<4x4096xf32, #tpu.memory_space<vmem>>, vector<1x16xf32>,
        %get3A_124 = vector.shape_cast %get3A_123 : vector<1x16xf32> to vector<16xf32>
        %get3A_125 = arith.constant 2 : i32
        %get3A_126 = arith.index_cast %get3A_125 : i32 to index
        %get3A_127 = arith.index_cast %mul3A_120 : i32 to index
        %get3A_128 = tpu.vector_load %arg9[%get3A_126, %get3A_127] {strides = array<i32>} : memref<4x4096xf32, #tpu.memory_space<vmem>>, vector<1x16xf32>,
        %get3A_129 = vector.shape_cast %get3A_128 : vector<1x16xf32> to vector<16xf32>
        %add3A_130 = arith.addf %get3A_124, %get3A_129 : vector<16xf32>
        %swap3A = arith.constant 2 : i32
        %swap3A_131 = arith.index_cast %swap3A : i32 to index
        %swap3A_132 = arith.index_cast %mul3A_120 : i32 to index
        %swap3A_133 = tpu.vector_load %arg8[%swap3A_131, %swap3A_132] {strides = array<i32>} : memref<4x4096xf32, #tpu.memory_space<vmem>>, vector<1x16xf32>,
        %swap3A_134 = vector.shape_cast %swap3A_133 : vector<1x16xf32> to vector<16xf32>
        %swap3A_135 = vector.shape_cast %add3A_130 : vector<16xf32> to vector<1x16xf32>
        tpu.vector_store %arg8[%swap3A_131, %swap3A_132], %swap3A_135 {strides = array<i32>} : memref<4x4096xf32, #tpu.memory_space<vmem>>, vector<1x16xf32>,
        %scan3A_136 = arith.constant 1 : i32
        %scan3A_137 = arith.addi %scan3A_114, %scan3A_136 : i32
        %mul3A_138 = arith.constant 1 : i32
        %mul3A_139 = arith.muli %scan3A_137, %mul3A_138 : i32
        %add3A_140 = arith.constant 0 : i32
        %add3A_141 = arith.addi %add3A_140, %mul3A_139 : i32
        %mul3A_142 = arith.constant 16 : i32
        %mul3A_143 = arith.muli %add3A_141, %mul3A_142 : i32
        %get3A_144 = arith.constant 2 : i32
        %get3A_145 = arith.index_cast %get3A_144 : i32 to index
        %get3A_146 = arith.index_cast %mul3A_143 : i32 to index
        %get3A_147 = tpu.vector_load %arg8[%get3A_145, %get3A_146] {strides = array<i32>} : memref<4x4096xf32, #tpu.memory_space<vmem>>, vector<1x16xf32>,
        %get3A_148 = vector.shape_cast %get3A_147 : vector<1x16xf32> to vector<16xf32>
        %get3A_149 = arith.constant 2 : i32
        %get3A_150 = arith.index_cast %get3A_149 : i32 to index
        %get3A_151 = arith.index_cast %mul3A_143 : i32 to index
        %get3A_152 = tpu.vector_load %arg9[%get3A_150, %get3A_151] {strides = array<i32>} : memref<4x4096xf32, #tpu.memory_space<vmem>>, vector<1x16xf32>,
        %get3A_153 = vector.shape_cast %get3A_152 : vector<1x16xf32> to vector<16xf32>
        %add3A_154 = arith.addf %get3A_148, %get3A_153 : vector<16xf32>
        %swap3A_155 = arith.constant 2 : i32
        %swap3A_156 = arith.index_cast %swap3A_155 : i32 to index
        %swap3A_157 = arith.index_cast %mul3A_143 : i32 to index
        %swap3A_158 = tpu.vector_load %arg8[%swap3A_156, %swap3A_157] {strides = array<i32>} : memref<4x4096xf32, #tpu.memory_space<vmem>>, vector<1x16xf32>,
        %swap3A_159 = vector.shape_cast %swap3A_158 : vector<1x16xf32> to vector<16xf32>
        %swap3A_160 = vector.shape_cast %add3A_154 : vector<16xf32> to vector<1x16xf32>
        tpu.vector_store %arg8[%swap3A_156, %swap3A_157], %swap3A_160 {strides = array<i32>} : memref<4x4096xf32, #tpu.memory_space<vmem>>, vector<1x16xf32>,
        %scan3A_161 = arith.constant 2 : i32
        %scan3A_162 = arith.addi %scan3A_114, %scan3A_161 : i32
        %mul3A_163 = arith.constant 1 : i32
        %mul3A_164 = arith.muli %scan3A_162, %mul3A_163 : i32
        %add3A_165 = arith.constant 0 : i32
        %add3A_166 = arith.addi %add3A_165, %mul3A_164 : i32
        %mul3A_167 = arith.constant 16 : i32
        %mul3A_168 = arith.muli %add3A_166, %mul3A_167 : i32
        %get3A_169 = arith.constant 2 : i32
        %get3A_170 = arith.index_cast %get3A_169 : i32 to index
        %get3A_171 = arith.index_cast %mul3A_168 : i32 to index
        %get3A_172 = tpu.vector_load %arg8[%get3A_170, %get3A_171] {strides = array<i32>} : memref<4x4096xf32, #tpu.memory_space<vmem>>, vector<1x16xf32>,
        %get3A_173 = vector.shape_cast %get3A_172 : vector<1x16xf32> to vector<16xf32>
        %get3A_174 = arith.constant 2 : i32
        %get3A_175 = arith.index_cast %get3A_174 : i32 to index
        %get3A_176 = arith.index_cast %mul3A_168 : i32 to index
        %get3A_177 = tpu.vector_load %arg9[%get3A_175, %get3A_176] {strides = array<i32>} : memref<4x4096xf32, #tpu.memory_space<vmem>>, vector<1x16xf32>,
        %get3A_178 = vector.shape_cast %get3A_177 : vector<1x16xf32> to vector<16xf32>
        %add3A_179 = arith.addf %get3A_173, %get3A_178 : vector<16xf32>
        %swap3A_180 = arith.constant 2 : i32
        %swap3A_181 = arith.index_cast %swap3A_180 : i32 to index
        %swap3A_182 = arith.index_cast %mul3A_168 : i32 to index
        %swap3A_183 = tpu.vector_load %arg8[%swap3A_181, %swap3A_182] {strides = array<i32>} : memref<4x4096xf32, #tpu.memory_space<vmem>>, vector<1x16xf32>,
        %swap3A_184 = vector.shape_cast %swap3A_183 : vector<1x16xf32> to vector<16xf32>
        %swap3A_185 = vector.shape_cast %add3A_179 : vector<16xf32> to vector<1x16xf32>
        tpu.vector_store %arg8[%swap3A_181, %swap3A_182], %swap3A_185 {strides = array<i32>} : memref<4x4096xf32, #tpu.memory_space<vmem>>, vector<1x16xf32>,
        %scan3A_186 = arith.constant 3 : i32
        %scan3A_187 = arith.addi %scan3A_114, %scan3A_186 : i32
        %mul3A_188 = arith.constant 1 : i32
        %mul3A_189 = arith.muli %scan3A_187, %mul3A_188 : i32
        %add3A_190 = arith.constant 0 : i32
        %add3A_191 = arith.addi %add3A_190, %mul3A_189 : i32
        %mul3A_192 = arith.constant 16 : i32
        %mul3A_193 = arith.muli %add3A_191, %mul3A_192 : i32
        %get3A_194 = arith.constant 2 : i32
        %get3A_195 = arith.index_cast %get3A_194 : i32 to index
        %get3A_196 = arith.index_cast %mul3A_193 : i32 to index
        %get3A_197 = tpu.vector_load %arg8[%get3A_195, %get3A_196] {strides = array<i32>} : memref<4x4096xf32, #tpu.memory_space<vmem>>, vector<1x16xf32>,
        %get3A_198 = vector.shape_cast %get3A_197 : vector<1x16xf32> to vector<16xf32>
        %get3A_199 = arith.constant 2 : i32
        %get3A_200 = arith.index_cast %get3A_199 : i32 to index
        %get3A_201 = arith.index_cast %mul3A_193 : i32 to index
        %get3A_202 = tpu.vector_load %arg9[%get3A_200, %get3A_201] {strides = array<i32>} : memref<4x4096xf32, #tpu.memory_space<vmem>>, vector<1x16xf32>,
        %get3A_203 = vector.shape_cast %get3A_202 : vector<1x16xf32> to vector<16xf32>
        %add3A_204 = arith.addf %get3A_198, %get3A_203 : vector<16xf32>
        %swap3A_205 = arith.constant 2 : i32
        %swap3A_206 = arith.index_cast %swap3A_205 : i32 to index
        %swap3A_207 = arith.index_cast %mul3A_193 : i32 to index
        %swap3A_208 = tpu.vector_load %arg8[%swap3A_206, %swap3A_207] {strides = array<i32>} : memref<4x4096xf32, #tpu.memory_space<vmem>>, vector<1x16xf32>,
        %swap3A_209 = vector.shape_cast %swap3A_208 : vector<1x16xf32> to vector<16xf32>
        %swap3A_210 = vector.shape_cast %add3A_204 : vector<16xf32> to vector<1x16xf32>
        tpu.vector_store %arg8[%swap3A_206, %swap3A_207], %swap3A_210 {strides = array<i32>} : memref<4x4096xf32, #tpu.memory_space<vmem>>, vector<1x16xf32>,
        %scan3A_211 = arith.constant 4 : i32
        %scan3A_212 = arith.addi %scan3A_114, %scan3A_211 : i32
        %mul3A_213 = arith.constant 1 : i32
        %mul3A_214 = arith.muli %scan3A_212, %mul3A_213 : i32
        %add3A_215 = arith.constant 0 : i32
        %add3A_216 = arith.addi %add3A_215, %mul3A_214 : i32
        %mul3A_217 = arith.constant 16 : i32
        %mul3A_218 = arith.muli %add3A_216, %mul3A_217 : i32
        %get3A_219 = arith.constant 2 : i32
        %get3A_220 = arith.index_cast %get3A_219 : i32 to index
        %get3A_221 = arith.index_cast %mul3A_218 : i32 to index
        %get3A_222 = tpu.vector_load %arg8[%get3A_220, %get3A_221] {strides = array<i32>} : memref<4x4096xf32, #tpu.memory_space<vmem>>, vector<1x16xf32>,
        %get3A_223 = vector.shape_cast %get3A_222 : vector<1x16xf32> to vector<16xf32>
        %get3A_224 = arith.constant 2 : i32
        %get3A_225 = arith.index_cast %get3A_224 : i32 to index
        %get3A_226 = arith.index_cast %mul3A_218 : i32 to index
        %get3A_227 = tpu.vector_load %arg9[%get3A_225, %get3A_226] {strides = array<i32>} : memref<4x4096xf32, #tpu.memory_space<vmem>>, vector<1x16xf32>,
        %get3A_228 = vector.shape_cast %get3A_227 : vector<1x16xf32> to vector<16xf32>
        %add3A_229 = arith.addf %get3A_223, %get3A_228 : vector<16xf32>
        %swap3A_230 = arith.constant 2 : i32
        %swap3A_231 = arith.index_cast %swap3A_230 : i32 to index
        %swap3A_232 = arith.index_cast %mul3A_218 : i32 to index
        %swap3A_233 = tpu.vector_load %arg8[%swap3A_231, %swap3A_232] {strides = array<i32>} : memref<4x4096xf32, #tpu.memory_space<vmem>>, vector<1x16xf32>,
        %swap3A_234 = vector.shape_cast %swap3A_233 : vector<1x16xf32> to vector<16xf32>
        %swap3A_235 = vector.shape_cast %add3A_229 : vector<16xf32> to vector<1x16xf32>
        tpu.vector_store %arg8[%swap3A_231, %swap3A_232], %swap3A_235 {strides = array<i32>} : memref<4x4096xf32, #tpu.memory_space<vmem>>, vector<1x16xf32>,
        %scan3A_236 = arith.constant 5 : i32
        %scan3A_237 = arith.addi %scan3A_114, %scan3A_236 : i32
        %mul3A_238 = arith.constant 1 : i32
        %mul3A_239 = arith.muli %scan3A_237, %mul3A_238 : i32
        %add3A_240 = arith.constant 0 : i32
        %add3A_241 = arith.addi %add3A_240, %mul3A_239 : i32
        %mul3A_242 = arith.constant 16 : i32
        %mul3A_243 = arith.muli %add3A_241, %mul3A_242 : i32
        %get3A_244 = arith.constant 2 : i32
        %get3A_245 = arith.index_cast %get3A_244 : i32 to index
        %get3A_246 = arith.index_cast %mul3A_243 : i32 to index
        %get3A_247 = tpu.vector_load %arg8[%get3A_245, %get3A_246] {strides = array<i32>} : memref<4x4096xf32, #tpu.memory_space<vmem>>, vector<1x16xf32>,
        %get3A_248 = vector.shape_cast %get3A_247 : vector<1x16xf32> to vector<16xf32>
        %get3A_249 = arith.constant 2 : i32
        %get3A_250 = arith.index_cast %get3A_249 : i32 to index
        %get3A_251 = arith.index_cast %mul3A_243 : i32 to index
        %get3A_252 = tpu.vector_load %arg9[%get3A_250, %get3A_251] {strides = array<i32>} : memref<4x4096xf32, #tpu.memory_space<vmem>>, vector<1x16xf32>,
        %get3A_253 = vector.shape_cast %get3A_252 : vector<1x16xf32> to vector<16xf32>
        %add3A_254 = arith.addf %get3A_248, %get3A_253 : vector<16xf32>
        %swap3A_255 = arith.constant 2 : i32
        %swap3A_256 = arith.index_cast %swap3A_255 : i32 to index
        %swap3A_257 = arith.index_cast %mul3A_243 : i32 to index
        %swap3A_258 = tpu.vector_load %arg8[%swap3A_256, %swap3A_257] {strides = array<i32>} : memref<4x4096xf32, #tpu.memory_space<vmem>>, vector<1x16xf32>,
        %swap3A_259 = vector.shape_cast %swap3A_258 : vector<1x16xf32> to vector<16xf32>
        %swap3A_260 = vector.shape_cast %add3A_254 : vector<16xf32> to vector<1x16xf32>
        tpu.vector_store %arg8[%swap3A_256, %swap3A_257], %swap3A_260 {strides = array<i32>} : memref<4x4096xf32, #tpu.memory_space<vmem>>, vector<1x16xf32>,
        %scan3A_261 = arith.constant 6 : i32
        %scan3A_262 = arith.addi %scan3A_114, %scan3A_261 : i32
        %mul3A_263 = arith.constant 1 : i32
        %mul3A_264 = arith.muli %scan3A_262, %mul3A_263 : i32
        %add3A_265 = arith.constant 0 : i32
        %add3A_266 = arith.addi %add3A_265, %mul3A_264 : i32
        %mul3A_267 = arith.constant 16 : i32
        %mul3A_268 = arith.muli %add3A_266, %mul3A_267 : i32
        %get3A_269 = arith.constant 2 : i32
        %get3A_270 = arith.index_cast %get3A_269 : i32 to index
        %get3A_271 = arith.index_cast %mul3A_268 : i32 to index
        %get3A_272 = tpu.vector_load %arg8[%get3A_270, %get3A_271] {strides = array<i32>} : memref<4x4096xf32, #tpu.memory_space<vmem>>, vector<1x16xf32>,
        %get3A_273 = vector.shape_cast %get3A_272 : vector<1x16xf32> to vector<16xf32>
        %get3A_274 = arith.constant 2 : i32
        %get3A_275 = arith.index_cast %get3A_274 : i32 to index
        %get3A_276 = arith.index_cast %mul3A_268 : i32 to index
        %get3A_277 = tpu.vector_load %arg9[%get3A_275, %get3A_276] {strides = array<i32>} : memref<4x4096xf32, #tpu.memory_space<vmem>>, vector<1x16xf32>,
        %get3A_278 = vector.shape_cast %get3A_277 : vector<1x16xf32> to vector<16xf32>
        %add3A_279 = arith.addf %get3A_273, %get3A_278 : vector<16xf32>
        %swap3A_280 = arith.constant 2 : i32
        %swap3A_281 = arith.index_cast %swap3A_280 : i32 to index
        %swap3A_282 = arith.index_cast %mul3A_268 : i32 to index
        %swap3A_283 = tpu.vector_load %arg8[%swap3A_281, %swap3A_282] {strides = array<i32>} : memref<4x4096xf32, #tpu.memory_space<vmem>>, vector<1x16xf32>,
        %swap3A_284 = vector.shape_cast %swap3A_283 : vector<1x16xf32> to vector<16xf32>
        %swap3A_285 = vector.shape_cast %add3A_279 : vector<16xf32> to vector<1x16xf32>
        tpu.vector_store %arg8[%swap3A_281, %swap3A_282], %swap3A_285 {strides = array<i32>} : memref<4x4096xf32, #tpu.memory_space<vmem>>, vector<1x16xf32>,
        %scan3A_286 = arith.constant 7 : i32
        %scan3A_287 = arith.addi %scan3A_114, %scan3A_286 : i32
        %mul3A_288 = arith.constant 1 : i32
        %mul3A_289 = arith.muli %scan3A_287, %mul3A_288 : i32
        %add3A_290 = arith.constant 0 : i32
        %add3A_291 = arith.addi %add3A_290, %mul3A_289 : i32
        %mul3A_292 = arith.constant 16 : i32
        %mul3A_293 = arith.muli %add3A_291, %mul3A_292 : i32
        %get3A_294 = arith.constant 2 : i32
        %get3A_295 = arith.index_cast %get3A_294 : i32 to index
        %get3A_296 = arith.index_cast %mul3A_293 : i32 to index
        %get3A_297 = tpu.vector_load %arg8[%get3A_295, %get3A_296] {strides = array<i32>} : memref<4x4096xf32, #tpu.memory_space<vmem>>, vector<1x16xf32>,
        %get3A_298 = vector.shape_cast %get3A_297 : vector<1x16xf32> to vector<16xf32>
        %get3A_299 = arith.constant 2 : i32
        %get3A_300 = arith.index_cast %get3A_299 : i32 to index
        %get3A_301 = arith.index_cast %mul3A_293 : i32 to index
        %get3A_302 = tpu.vector_load %arg9[%get3A_300, %get3A_301] {strides = array<i32>} : memref<4x4096xf32, #tpu.memory_space<vmem>>, vector<1x16xf32>,
        %get3A_303 = vector.shape_cast %get3A_302 : vector<1x16xf32> to vector<16xf32>
        %add3A_304 = arith.addf %get3A_298, %get3A_303 : vector<16xf32>
        %swap3A_305 = arith.constant 2 : i32
        %swap3A_306 = arith.index_cast %swap3A_305 : i32 to index
        %swap3A_307 = arith.index_cast %mul3A_293 : i32 to index
        %swap3A_308 = tpu.vector_load %arg8[%swap3A_306, %swap3A_307] {strides = array<i32>} : memref<4x4096xf32, #tpu.memory_space<vmem>>, vector<1x16xf32>,
        %swap3A_309 = vector.shape_cast %swap3A_308 : vector<1x16xf32> to vector<16xf32>
        %swap3A_310 = vector.shape_cast %add3A_304 : vector<16xf32> to vector<1x16xf32>
        tpu.vector_store %arg8[%swap3A_306, %swap3A_307], %swap3A_310 {strides = array<i32>} : memref<4x4096xf32, #tpu.memory_space<vmem>>, vector<1x16xf32>,
      }
      %scan3A_66 = arith.constant 256 : i32
      %scan3A_67 = arith.constant 0 : i32
      %scan3A_68 = arith.constant 256 : i32
      %scan3A_69 = arith.addi %scan3A_67, %scan3A_68 : i32
      %scan3A_70 = arith.constant 8 : i32
      scf.for %scan3A_114 = %scan3A_67 to %scan3A_69 step %scan3A_70  : i32 {
        %mul3A_115 = arith.constant 1 : i32
        %mul3A_116 = arith.muli %scan3A_114, %mul3A_115 : i32
        %add3A_117 = arith.constant 0 : i32
        %add3A_118 = arith.addi %add3A_117, %mul3A_116 : i32
        %mul3A_119 = arith.constant 16 : i32
        %mul3A_120 = arith.muli %add3A_118, %mul3A_119 : i32
        %get3A = arith.constant 3 : i32
        %get3A_121 = arith.index_cast %get3A : i32 to index
        %get3A_122 = arith.index_cast %mul3A_120 : i32 to index
        %get3A_123 = tpu.vector_load %arg8[%get3A_121, %get3A_122] {strides = array<i32>} : memref<4x4096xf32, #tpu.memory_space<vmem>>, vector<1x16xf32>,
        %get3A_124 = vector.shape_cast %get3A_123 : vector<1x16xf32> to vector<16xf32>
        %get3A_125 = arith.constant 3 : i32
        %get3A_126 = arith.index_cast %get3A_125 : i32 to index
        %get3A_127 = arith.index_cast %mul3A_120 : i32 to index
        %get3A_128 = tpu.vector_load %arg9[%get3A_126, %get3A_127] {strides = array<i32>} : memref<4x4096xf32, #tpu.memory_space<vmem>>, vector<1x16xf32>,
        %get3A_129 = vector.shape_cast %get3A_128 : vector<1x16xf32> to vector<16xf32>
        %add3A_130 = arith.addf %get3A_124, %get3A_129 : vector<16xf32>
        %swap3A = arith.constant 3 : i32
        %swap3A_131 = arith.index_cast %swap3A : i32 to index
        %swap3A_132 = arith.index_cast %mul3A_120 : i32 to index
        %swap3A_133 = tpu.vector_load %arg8[%swap3A_131, %swap3A_132] {strides = array<i32>} : memref<4x4096xf32, #tpu.memory_space<vmem>>, vector<1x16xf32>,
        %swap3A_134 = vector.shape_cast %swap3A_133 : vector<1x16xf32> to vector<16xf32>
        %swap3A_135 = vector.shape_cast %add3A_130 : vector<16xf32> to vector<1x16xf32>
        tpu.vector_store %arg8[%swap3A_131, %swap3A_132], %swap3A_135 {strides = array<i32>} : memref<4x4096xf32, #tpu.memory_space<vmem>>, vector<1x16xf32>,
        %scan3A_136 = arith.constant 1 : i32
        %scan3A_137 = arith.addi %scan3A_114, %scan3A_136 : i32
        %mul3A_138 = arith.constant 1 : i32
        %mul3A_139 = arith.muli %scan3A_137, %mul3A_138 : i32
        %add3A_140 = arith.constant 0 : i32
        %add3A_141 = arith.addi %add3A_140, %mul3A_139 : i32
        %mul3A_142 = arith.constant 16 : i32
        %mul3A_143 = arith.muli %add3A_141, %mul3A_142 : i32
        %get3A_144 = arith.constant 3 : i32
        %get3A_145 = arith.index_cast %get3A_144 : i32 to index
        %get3A_146 = arith.index_cast %mul3A_143 : i32 to index
        %get3A_147 = tpu.vector_load %arg8[%get3A_145, %get3A_146] {strides = array<i32>} : memref<4x4096xf32, #tpu.memory_space<vmem>>, vector<1x16xf32>,
        %get3A_148 = vector.shape_cast %get3A_147 : vector<1x16xf32> to vector<16xf32>
        %get3A_149 = arith.constant 3 : i32
        %get3A_150 = arith.index_cast %get3A_149 : i32 to index
        %get3A_151 = arith.index_cast %mul3A_143 : i32 to index
        %get3A_152 = tpu.vector_load %arg9[%get3A_150, %get3A_151] {strides = array<i32>} : memref<4x4096xf32, #tpu.memory_space<vmem>>, vector<1x16xf32>,
        %get3A_153 = vector.shape_cast %get3A_152 : vector<1x16xf32> to vector<16xf32>
        %add3A_154 = arith.addf %get3A_148, %get3A_153 : vector<16xf32>
        %swap3A_155 = arith.constant 3 : i32
        %swap3A_156 = arith.index_cast %swap3A_155 : i32 to index
        %swap3A_157 = arith.index_cast %mul3A_143 : i32 to index
        %swap3A_158 = tpu.vector_load %arg8[%swap3A_156, %swap3A_157] {strides = array<i32>} : memref<4x4096xf32, #tpu.memory_space<vmem>>, vector<1x16xf32>,
        %swap3A_159 = vector.shape_cast %swap3A_158 : vector<1x16xf32> to vector<16xf32>
        %swap3A_160 = vector.shape_cast %add3A_154 : vector<16xf32> to vector<1x16xf32>
        tpu.vector_store %arg8[%swap3A_156, %swap3A_157], %swap3A_160 {strides = array<i32>} : memref<4x4096xf32, #tpu.memory_space<vmem>>, vector<1x16xf32>,
        %scan3A_161 = arith.constant 2 : i32
        %scan3A_162 = arith.addi %scan3A_114, %scan3A_161 : i32
        %mul3A_163 = arith.constant 1 : i32
        %mul3A_164 = arith.muli %scan3A_162, %mul3A_163 : i32
        %add3A_165 = arith.constant 0 : i32
        %add3A_166 = arith.addi %add3A_165, %mul3A_164 : i32
        %mul3A_167 = arith.constant 16 : i32
        %mul3A_168 = arith.muli %add3A_166, %mul3A_167 : i32
        %get3A_169 = arith.constant 3 : i32
        %get3A_170 = arith.index_cast %get3A_169 : i32 to index
        %get3A_171 = arith.index_cast %mul3A_168 : i32 to index
        %get3A_172 = tpu.vector_load %arg8[%get3A_170, %get3A_171] {strides = array<i32>} : memref<4x4096xf32, #tpu.memory_space<vmem>>, vector<1x16xf32>,
        %get3A_173 = vector.shape_cast %get3A_172 : vector<1x16xf32> to vector<16xf32>
        %get3A_174 = arith.constant 3 : i32
        %get3A_175 = arith.index_cast %get3A_174 : i32 to index
        %get3A_176 = arith.index_cast %mul3A_168 : i32 to index
        %get3A_177 = tpu.vector_load %arg9[%get3A_175, %get3A_176] {strides = array<i32>} : memref<4x4096xf32, #tpu.memory_space<vmem>>, vector<1x16xf32>,
        %get3A_178 = vector.shape_cast %get3A_177 : vector<1x16xf32> to vector<16xf32>
        %add3A_179 = arith.addf %get3A_173, %get3A_178 : vector<16xf32>
        %swap3A_180 = arith.constant 3 : i32
        %swap3A_181 = arith.index_cast %swap3A_180 : i32 to index
        %swap3A_182 = arith.index_cast %mul3A_168 : i32 to index
        %swap3A_183 = tpu.vector_load %arg8[%swap3A_181, %swap3A_182] {strides = array<i32>} : memref<4x4096xf32, #tpu.memory_space<vmem>>, vector<1x16xf32>,
        %swap3A_184 = vector.shape_cast %swap3A_183 : vector<1x16xf32> to vector<16xf32>
        %swap3A_185 = vector.shape_cast %add3A_179 : vector<16xf32> to vector<1x16xf32>
        tpu.vector_store %arg8[%swap3A_181, %swap3A_182], %swap3A_185 {strides = array<i32>} : memref<4x4096xf32, #tpu.memory_space<vmem>>, vector<1x16xf32>,
        %scan3A_186 = arith.constant 3 : i32
        %scan3A_187 = arith.addi %scan3A_114, %scan3A_186 : i32
        %mul3A_188 = arith.constant 1 : i32
        %mul3A_189 = arith.muli %scan3A_187, %mul3A_188 : i32
        %add3A_190 = arith.constant 0 : i32
        %add3A_191 = arith.addi %add3A_190, %mul3A_189 : i32
        %mul3A_192 = arith.constant 16 : i32
        %mul3A_193 = arith.muli %add3A_191, %mul3A_192 : i32
        %get3A_194 = arith.constant 3 : i32
        %get3A_195 = arith.index_cast %get3A_194 : i32 to index
        %get3A_196 = arith.index_cast %mul3A_193 : i32 to index
        %get3A_197 = tpu.vector_load %arg8[%get3A_195, %get3A_196] {strides = array<i32>} : memref<4x4096xf32, #tpu.memory_space<vmem>>, vector<1x16xf32>,
        %get3A_198 = vector.shape_cast %get3A_197 : vector<1x16xf32> to vector<16xf32>
        %get3A_199 = arith.constant 3 : i32
        %get3A_200 = arith.index_cast %get3A_199 : i32 to index
        %get3A_201 = arith.index_cast %mul3A_193 : i32 to index
        %get3A_202 = tpu.vector_load %arg9[%get3A_200, %get3A_201] {strides = array<i32>} : memref<4x4096xf32, #tpu.memory_space<vmem>>, vector<1x16xf32>,
        %get3A_203 = vector.shape_cast %get3A_202 : vector<1x16xf32> to vector<16xf32>
        %add3A_204 = arith.addf %get3A_198, %get3A_203 : vector<16xf32>
        %swap3A_205 = arith.constant 3 : i32
        %swap3A_206 = arith.index_cast %swap3A_205 : i32 to index
        %swap3A_207 = arith.index_cast %mul3A_193 : i32 to index
        %swap3A_208 = tpu.vector_load %arg8[%swap3A_206, %swap3A_207] {strides = array<i32>} : memref<4x4096xf32, #tpu.memory_space<vmem>>, vector<1x16xf32>,
        %swap3A_209 = vector.shape_cast %swap3A_208 : vector<1x16xf32> to vector<16xf32>
        %swap3A_210 = vector.shape_cast %add3A_204 : vector<16xf32> to vector<1x16xf32>
        tpu.vector_store %arg8[%swap3A_206, %swap3A_207], %swap3A_210 {strides = array<i32>} : memref<4x4096xf32, #tpu.memory_space<vmem>>, vector<1x16xf32>,
        %scan3A_211 = arith.constant 4 : i32
        %scan3A_212 = arith.addi %scan3A_114, %scan3A_211 : i32
        %mul3A_213 = arith.constant 1 : i32
        %mul3A_214 = arith.muli %scan3A_212, %mul3A_213 : i32
        %add3A_215 = arith.constant 0 : i32
        %add3A_216 = arith.addi %add3A_215, %mul3A_214 : i32
        %mul3A_217 = arith.constant 16 : i32
        %mul3A_218 = arith.muli %add3A_216, %mul3A_217 : i32
        %get3A_219 = arith.constant 3 : i32
        %get3A_220 = arith.index_cast %get3A_219 : i32 to index
        %get3A_221 = arith.index_cast %mul3A_218 : i32 to index
        %get3A_222 = tpu.vector_load %arg8[%get3A_220, %get3A_221] {strides = array<i32>} : memref<4x4096xf32, #tpu.memory_space<vmem>>, vector<1x16xf32>,
        %get3A_223 = vector.shape_cast %get3A_222 : vector<1x16xf32> to vector<16xf32>
        %get3A_224 = arith.constant 3 : i32
        %get3A_225 = arith.index_cast %get3A_224 : i32 to index
        %get3A_226 = arith.index_cast %mul3A_218 : i32 to index
        %get3A_227 = tpu.vector_load %arg9[%get3A_225, %get3A_226] {strides = array<i32>} : memref<4x4096xf32, #tpu.memory_space<vmem>>, vector<1x16xf32>,
        %get3A_228 = vector.shape_cast %get3A_227 : vector<1x16xf32> to vector<16xf32>
        %add3A_229 = arith.addf %get3A_223, %get3A_228 : vector<16xf32>
        %swap3A_230 = arith.constant 3 : i32
        %swap3A_231 = arith.index_cast %swap3A_230 : i32 to index
        %swap3A_232 = arith.index_cast %mul3A_218 : i32 to index
        %swap3A_233 = tpu.vector_load %arg8[%swap3A_231, %swap3A_232] {strides = array<i32>} : memref<4x4096xf32, #tpu.memory_space<vmem>>, vector<1x16xf32>,
        %swap3A_234 = vector.shape_cast %swap3A_233 : vector<1x16xf32> to vector<16xf32>
        %swap3A_235 = vector.shape_cast %add3A_229 : vector<16xf32> to vector<1x16xf32>
        tpu.vector_store %arg8[%swap3A_231, %swap3A_232], %swap3A_235 {strides = array<i32>} : memref<4x4096xf32, #tpu.memory_space<vmem>>, vector<1x16xf32>,
        %scan3A_236 = arith.constant 5 : i32
        %scan3A_237 = arith.addi %scan3A_114, %scan3A_236 : i32
        %mul3A_238 = arith.constant 1 : i32
        %mul3A_239 = arith.muli %scan3A_237, %mul3A_238 : i32
        %add3A_240 = arith.constant 0 : i32
        %add3A_241 = arith.addi %add3A_240, %mul3A_239 : i32
        %mul3A_242 = arith.constant 16 : i32
        %mul3A_243 = arith.muli %add3A_241, %mul3A_242 : i32
        %get3A_244 = arith.constant 3 : i32
        %get3A_245 = arith.index_cast %get3A_244 : i32 to index
        %get3A_246 = arith.index_cast %mul3A_243 : i32 to index
        %get3A_247 = tpu.vector_load %arg8[%get3A_245, %get3A_246] {strides = array<i32>} : memref<4x4096xf32, #tpu.memory_space<vmem>>, vector<1x16xf32>,
        %get3A_248 = vector.shape_cast %get3A_247 : vector<1x16xf32> to vector<16xf32>
        %get3A_249 = arith.constant 3 : i32
        %get3A_250 = arith.index_cast %get3A_249 : i32 to index
        %get3A_251 = arith.index_cast %mul3A_243 : i32 to index
        %get3A_252 = tpu.vector_load %arg9[%get3A_250, %get3A_251] {strides = array<i32>} : memref<4x4096xf32, #tpu.memory_space<vmem>>, vector<1x16xf32>,
        %get3A_253 = vector.shape_cast %get3A_252 : vector<1x16xf32> to vector<16xf32>
        %add3A_254 = arith.addf %get3A_248, %get3A_253 : vector<16xf32>
        %swap3A_255 = arith.constant 3 : i32
        %swap3A_256 = arith.index_cast %swap3A_255 : i32 to index
        %swap3A_257 = arith.index_cast %mul3A_243 : i32 to index
        %swap3A_258 = tpu.vector_load %arg8[%swap3A_256, %swap3A_257] {strides = array<i32>} : memref<4x4096xf32, #tpu.memory_space<vmem>>, vector<1x16xf32>,
        %swap3A_259 = vector.shape_cast %swap3A_258 : vector<1x16xf32> to vector<16xf32>
        %swap3A_260 = vector.shape_cast %add3A_254 : vector<16xf32> to vector<1x16xf32>
        tpu.vector_store %arg8[%swap3A_256, %swap3A_257], %swap3A_260 {strides = array<i32>} : memref<4x4096xf32, #tpu.memory_space<vmem>>, vector<1x16xf32>,
        %scan3A_261 = arith.constant 6 : i32
        %scan3A_262 = arith.addi %scan3A_114, %scan3A_261 : i32
        %mul3A_263 = arith.constant 1 : i32
        %mul3A_264 = arith.muli %scan3A_262, %mul3A_263 : i32
        %add3A_265 = arith.constant 0 : i32
        %add3A_266 = arith.addi %add3A_265, %mul3A_264 : i32
        %mul3A_267 = arith.constant 16 : i32
        %mul3A_268 = arith.muli %add3A_266, %mul3A_267 : i32
        %get3A_269 = arith.constant 3 : i32
        %get3A_270 = arith.index_cast %get3A_269 : i32 to index
        %get3A_271 = arith.index_cast %mul3A_268 : i32 to index
        %get3A_272 = tpu.vector_load %arg8[%get3A_270, %get3A_271] {strides = array<i32>} : memref<4x4096xf32, #tpu.memory_space<vmem>>, vector<1x16xf32>,
        %get3A_273 = vector.shape_cast %get3A_272 : vector<1x16xf32> to vector<16xf32>
        %get3A_274 = arith.constant 3 : i32
        %get3A_275 = arith.index_cast %get3A_274 : i32 to index
        %get3A_276 = arith.index_cast %mul3A_268 : i32 to index
        %get3A_277 = tpu.vector_load %arg9[%get3A_275, %get3A_276] {strides = array<i32>} : memref<4x4096xf32, #tpu.memory_space<vmem>>, vector<1x16xf32>,
        %get3A_278 = vector.shape_cast %get3A_277 : vector<1x16xf32> to vector<16xf32>
        %add3A_279 = arith.addf %get3A_273, %get3A_278 : vector<16xf32>
        %swap3A_280 = arith.constant 3 : i32
        %swap3A_281 = arith.index_cast %swap3A_280 : i32 to index
        %swap3A_282 = arith.index_cast %mul3A_268 : i32 to index
        %swap3A_283 = tpu.vector_load %arg8[%swap3A_281, %swap3A_282] {strides = array<i32>} : memref<4x4096xf32, #tpu.memory_space<vmem>>, vector<1x16xf32>,
        %swap3A_284 = vector.shape_cast %swap3A_283 : vector<1x16xf32> to vector<16xf32>
        %swap3A_285 = vector.shape_cast %add3A_279 : vector<16xf32> to vector<1x16xf32>
        tpu.vector_store %arg8[%swap3A_281, %swap3A_282], %swap3A_285 {strides = array<i32>} : memref<4x4096xf32, #tpu.memory_space<vmem>>, vector<1x16xf32>,
        %scan3A_286 = arith.constant 7 : i32
        %scan3A_287 = arith.addi %scan3A_114, %scan3A_286 : i32
        %mul3A_288 = arith.constant 1 : i32
        %mul3A_289 = arith.muli %scan3A_287, %mul3A_288 : i32
        %add3A_290 = arith.constant 0 : i32
        %add3A_291 = arith.addi %add3A_290, %mul3A_289 : i32
        %mul3A_292 = arith.constant 16 : i32
        %mul3A_293 = arith.muli %add3A_291, %mul3A_292 : i32
        %get3A_294 = arith.constant 3 : i32
        %get3A_295 = arith.index_cast %get3A_294 : i32 to index
        %get3A_296 = arith.index_cast %mul3A_293 : i32 to index
        %get3A_297 = tpu.vector_load %arg8[%get3A_295, %get3A_296] {strides = array<i32>} : memref<4x4096xf32, #tpu.memory_space<vmem>>, vector<1x16xf32>,
        %get3A_298 = vector.shape_cast %get3A_297 : vector<1x16xf32> to vector<16xf32>
        %get3A_299 = arith.constant 3 : i32
        %get3A_300 = arith.index_cast %get3A_299 : i32 to index
        %get3A_301 = arith.index_cast %mul3A_293 : i32 to index
        %get3A_302 = tpu.vector_load %arg9[%get3A_300, %get3A_301] {strides = array<i32>} : memref<4x4096xf32, #tpu.memory_space<vmem>>, vector<1x16xf32>,
        %get3A_303 = vector.shape_cast %get3A_302 : vector<1x16xf32> to vector<16xf32>
        %add3A_304 = arith.addf %get3A_298, %get3A_303 : vector<16xf32>
        %swap3A_305 = arith.constant 3 : i32
        %swap3A_306 = arith.index_cast %swap3A_305 : i32 to index
        %swap3A_307 = arith.index_cast %mul3A_293 : i32 to index
        %swap3A_308 = tpu.vector_load %arg8[%swap3A_306, %swap3A_307] {strides = array<i32>} : memref<4x4096xf32, #tpu.memory_space<vmem>>, vector<1x16xf32>,
        %swap3A_309 = vector.shape_cast %swap3A_308 : vector<1x16xf32> to vector<16xf32>
        %swap3A_310 = vector.shape_cast %add3A_304 : vector<16xf32> to vector<1x16xf32>
        tpu.vector_store %arg8[%swap3A_306, %swap3A_307], %swap3A_310 {strides = array<i32>} : memref<4x4096xf32, #tpu.memory_space<vmem>>, vector<1x16xf32>,
      }
      %scan3A_71 = arith.constant 256 : i32
      %mul3A_72 = arith.constant 4 : i32
      %mul3A_73 = arith.muli %mul3A_26, %mul3A_72 : i32
      %add3A_74 = arith.addi %mul3A_2, %mul3A_73 : i32
      "tpu.region"() ({
        %run_scoped3A = tpu.sem_alloc : memref<!tpu.dma_semaphore, #tpu.memory_space<semaphore_mem>>
        %dma_start3A_114 = arith.constant 0 : i32
        %dma_start3A_115 = tpu.memref_slice %arg5[%add3A_74, %dma_start3A_114] : memref<8192x4096xf32, #tpu.memory_space<hbm>> -> memref<4x4096xf32, #tpu.memory_space<hbm>>
        %dma_start3A_116 = arith.constant 0 : i32
        %dma_start3A_117 = tpu.memref_slice %arg5[%add3A_74, %dma_start3A_116] : memref<8192x4096xf32, #tpu.memory_space<hbm>> -> memref<4x4096xf32, #tpu.memory_space<hbm>>
        tpu.enqueue_dma source(%arg8 : memref<4x4096xf32, #tpu.memory_space<vmem>>) target(%dma_start3A_117 : memref<4x4096xf32, #tpu.memory_space<hbm>>) target_semaphore(%run_scoped3A : memref<!tpu.dma_semaphore, #tpu.memory_space<semaphore_mem>>)
        %dma_wait3A_118 = arith.constant 0 : i32
        %dma_wait3A_119 = tpu.memref_slice %arg5[%add3A_74, %dma_wait3A_118] : memref<8192x4096xf32, #tpu.memory_space<hbm>> -> memref<4x4096xf32, #tpu.memory_space<hbm>>
        %dma_wait3A_120 = arith.constant 0 : i32
        %dma_wait3A_121 = tpu.memref_slice %arg5[%add3A_74, %dma_wait3A_120] : memref<8192x4096xf32, #tpu.memory_space<hbm>> -> memref<4x4096xf32, #tpu.memory_space<hbm>>
        tpu.wait_dma2 semaphore(%run_scoped3A : memref<!tpu.dma_semaphore, #tpu.memory_space<semaphore_mem>>) src(%arg8 : memref<4x4096xf32, #tpu.memory_space<vmem>>) dst(%dma_wait3A_121 : memref<4x4096xf32, #tpu.memory_space<hbm>>)
        tpu.yield
      }) : () -> ()
      %lt3A = arith.constant 31 : i32
      %lt3A_75 = arith.cmpi slt, %add3A_24, %lt3A : i32
      %convert_element_type3A = arith.extui %lt3A_75 : i1 to i32
      %cond3A = arith.constant 0 : i32
      %cond3A_76 = arith.cmpi ne, %convert_element_type3A, %cond3A : i32
      scf.if %cond3A_76 {
        %add3A_114 = arith.constant 2 : i32
        %add3A_115 = arith.addi %mul3A_26, %add3A_114 : i32
        %dma_start3A_116 = arith.constant 0 : i32
        %dma_start3A_117 = tpu.memref_slice %arg6[%add3A_115, %dma_start3A_116] : memref<64x4xi32, #tpu.memory_space<vmem>> -> memref<1x4xi32, #tpu.memory_space<vmem>>
        %dma_start3A_118 = tpu.memref_squeeze %dma_start3A_117 : memref<1x4xi32, #tpu.memory_space<vmem>> -> memref<4xi32, #tpu.memory_space<vmem>>
        %dma_start3A_119 = arith.constant 0 : i32
        %dma_start3A_120 = arith.constant 0 : i32
        %dma_start3A_121 = tpu.memref_slice %arg4[%dma_start3A_119, %dma_start3A_120] : memref<16384x4096xf32, #tpu.memory_space<hbm>> -> memref<16384x4096xf32, #tpu.memory_space<hbm>>
        tpu.enqueue_indirect_dma source(%dma_start3A_121 : memref<16384x4096xf32, #tpu.memory_space<hbm>>) target(%arg8 : memref<4x4096xf32, #tpu.memory_space<vmem>>) offsets(%dma_start3A_118 : memref<4xi32, #tpu.memory_space<vmem>>) semaphore(%arg12 : memref<!tpu.dma_semaphore, #tpu.memory_space<semaphore_mem>>)
        %dma_start3A_122 = arith.constant 0 : i32
        %dma_start3A_123 = tpu.memref_slice %arg7[%add3A_115, %dma_start3A_122] : memref<64x4xi32, #tpu.memory_space<vmem>> -> memref<1x4xi32, #tpu.memory_space<vmem>>
        %dma_start3A_124 = tpu.memref_squeeze %dma_start3A_123 : memref<1x4xi32, #tpu.memory_space<vmem>> -> memref<4xi32, #tpu.memory_space<vmem>>
        %dma_start3A_125 = arith.constant 0 : i32
        %dma_start3A_126 = arith.constant 0 : i32
        %dma_start3A_127 = tpu.memref_slice %arg4[%dma_start3A_125, %dma_start3A_126] : memref<16384x4096xf32, #tpu.memory_space<hbm>> -> memref<16384x4096xf32, #tpu.memory_space<hbm>>
        tpu.enqueue_indirect_dma source(%dma_start3A_127 : memref<16384x4096xf32, #tpu.memory_space<hbm>>) target(%arg9 : memref<4x4096xf32, #tpu.memory_space<vmem>>) offsets(%dma_start3A_124 : memref<4xi32, #tpu.memory_space<vmem>>) semaphore(%arg12 : memref<!tpu.dma_semaphore, #tpu.memory_space<semaphore_mem>>)
      } else {
      }
      %dma_wait3A_77 = arith.constant 0 : i32
      %dma_wait3A_78 = arith.constant 0 : i32
      %dma_wait3A_79 = tpu.memref_slice %arg4[%dma_wait3A_77, %dma_wait3A_78] : memref<16384x4096xf32, #tpu.memory_space<hbm>> -> memref<4x4096xf32, #tpu.memory_space<hbm>>
      %dma_wait3A_80 = arith.constant 0 : i32
      %dma_wait3A_81 = arith.constant 0 : i32
      %dma_wait3A_82 = tpu.memref_slice %arg4[%dma_wait3A_80, %dma_wait3A_81] : memref<16384x4096xf32, #tpu.memory_space<hbm>> -> memref<4x4096xf32, #tpu.memory_space<hbm>>
      tpu.wait_dma2 semaphore(%arg13 : memref<!tpu.dma_semaphore, #tpu.memory_space<semaphore_mem>>) src(%dma_wait3A_82 : memref<4x4096xf32, #tpu.memory_space<hbm>>) dst(%arg10 : memref<4x4096xf32, #tpu.memory_space<vmem>>)
      %dma_wait3A_83 = arith.constant 0 : i32
      %dma_wait3A_84 = arith.constant 0 : i32
      %dma_wait3A_85 = tpu.memref_slice %arg4[%dma_wait3A_83, %dma_wait3A_84] : memref<16384x4096xf32, #tpu.memory_space<hbm>> -> memref<4x4096xf32, #tpu.memory_space<hbm>>
      %dma_wait3A_86 = arith.constant 0 : i32
      %dma_wait3A_87 = arith.constant 0 : i32
      %dma_wait3A_88 = tpu.memref_slice %arg4[%dma_wait3A_86, %dma_wait3A_87] : memref<16384x4096xf32, #tpu.memory_space<hbm>> -> memref<4x4096xf32, #tpu.memory_space<hbm>>
      tpu.wait_dma2 semaphore(%arg13 : memref<!tpu.dma_semaphore, #tpu.memory_space<semaphore_mem>>) src(%dma_wait3A_88 : memref<4x4096xf32, #tpu.memory_space<hbm>>) dst(%arg11 : memref<4x4096xf32, #tpu.memory_space<vmem>>)
      %add3A_89 = arith.constant 1 : i32
      %add3A_90 = arith.addi %mul3A_26, %add3A_89 : i32
      %scan3A_91 = arith.constant 0 : i32
      %scan3A_92 = arith.constant 256 : i32
      %scan3A_93 = arith.addi %scan3A_91, %scan3A_92 : i32
      %scan3A_94 = arith.constant 8 : i32
      scf.for %scan3A_114 = %scan3A_91 to %scan3A_93 step %scan3A_94  : i32 {
        %mul3A_115 = arith.constant 1 : i32
        %mul3A_116 = arith.muli %scan3A_114, %mul3A_115 : i32
        %add3A_117 = arith.constant 0 : i32
        %add3A_118 = arith.addi %add3A_117, %mul3A_116 : i32
        %mul3A_119 = arith.constant 16 : i32
        %mul3A_120 = arith.muli %add3A_118, %mul3A_119 : i32
        %get3A = arith.constant 0 : i32
        %get3A_121 = arith.index_cast %get3A : i32 to index
        %get3A_122 = arith.index_cast %mul3A_120 : i32 to index
        %get3A_123 = tpu.vector_load %arg10[%get3A_121, %get3A_122] {strides = array<i32>} : memref<4x4096xf32, #tpu.memory_space<vmem>>, vector<1x16xf32>,
        %get3A_124 = vector.shape_cast %get3A_123 : vector<1x16xf32> to vector<16xf32>
        %get3A_125 = arith.constant 0 : i32
        %get3A_126 = arith.index_cast %get3A_125 : i32 to index
        %get3A_127 = arith.index_cast %mul3A_120 : i32 to index
        %get3A_128 = tpu.vector_load %arg11[%get3A_126, %get3A_127] {strides = array<i32>} : memref<4x4096xf32, #tpu.memory_space<vmem>>, vector<1x16xf32>,
        %get3A_129 = vector.shape_cast %get3A_128 : vector<1x16xf32> to vector<16xf32>
        %add3A_130 = arith.addf %get3A_124, %get3A_129 : vector<16xf32>
        %swap3A = arith.constant 0 : i32
        %swap3A_131 = arith.index_cast %swap3A : i32 to index
        %swap3A_132 = arith.index_cast %mul3A_120 : i32 to index
        %swap3A_133 = tpu.vector_load %arg10[%swap3A_131, %swap3A_132] {strides = array<i32>} : memref<4x4096xf32, #tpu.memory_space<vmem>>, vector<1x16xf32>,
        %swap3A_134 = vector.shape_cast %swap3A_133 : vector<1x16xf32> to vector<16xf32>
        %swap3A_135 = vector.shape_cast %add3A_130 : vector<16xf32> to vector<1x16xf32>
        tpu.vector_store %arg10[%swap3A_131, %swap3A_132], %swap3A_135 {strides = array<i32>} : memref<4x4096xf32, #tpu.memory_space<vmem>>, vector<1x16xf32>,
        %scan3A_136 = arith.constant 1 : i32
        %scan3A_137 = arith.addi %scan3A_114, %scan3A_136 : i32
        %mul3A_138 = arith.constant 1 : i32
        %mul3A_139 = arith.muli %scan3A_137, %mul3A_138 : i32
        %add3A_140 = arith.constant 0 : i32
        %add3A_141 = arith.addi %add3A_140, %mul3A_139 : i32
        %mul3A_142 = arith.constant 16 : i32
        %mul3A_143 = arith.muli %add3A_141, %mul3A_142 : i32
        %get3A_144 = arith.constant 0 : i32
        %get3A_145 = arith.index_cast %get3A_144 : i32 to index
        %get3A_146 = arith.index_cast %mul3A_143 : i32 to index
        %get3A_147 = tpu.vector_load %arg10[%get3A_145, %get3A_146] {strides = array<i32>} : memref<4x4096xf32, #tpu.memory_space<vmem>>, vector<1x16xf32>,
        %get3A_148 = vector.shape_cast %get3A_147 : vector<1x16xf32> to vector<16xf32>
        %get3A_149 = arith.constant 0 : i32
        %get3A_150 = arith.index_cast %get3A_149 : i32 to index
        %get3A_151 = arith.index_cast %mul3A_143 : i32 to index
        %get3A_152 = tpu.vector_load %arg11[%get3A_150, %get3A_151] {strides = array<i32>} : memref<4x4096xf32, #tpu.memory_space<vmem>>, vector<1x16xf32>,
        %get3A_153 = vector.shape_cast %get3A_152 : vector<1x16xf32> to vector<16xf32>
        %add3A_154 = arith.addf %get3A_148, %get3A_153 : vector<16xf32>
        %swap3A_155 = arith.constant 0 : i32
        %swap3A_156 = arith.index_cast %swap3A_155 : i32 to index
        %swap3A_157 = arith.index_cast %mul3A_143 : i32 to index
        %swap3A_158 = tpu.vector_load %arg10[%swap3A_156, %swap3A_157] {strides = array<i32>} : memref<4x4096xf32, #tpu.memory_space<vmem>>, vector<1x16xf32>,
        %swap3A_159 = vector.shape_cast %swap3A_158 : vector<1x16xf32> to vector<16xf32>
        %swap3A_160 = vector.shape_cast %add3A_154 : vector<16xf32> to vector<1x16xf32>
        tpu.vector_store %arg10[%swap3A_156, %swap3A_157], %swap3A_160 {strides = array<i32>} : memref<4x4096xf32, #tpu.memory_space<vmem>>, vector<1x16xf32>,
        %scan3A_161 = arith.constant 2 : i32
        %scan3A_162 = arith.addi %scan3A_114, %scan3A_161 : i32
        %mul3A_163 = arith.constant 1 : i32
        %mul3A_164 = arith.muli %scan3A_162, %mul3A_163 : i32
        %add3A_165 = arith.constant 0 : i32
        %add3A_166 = arith.addi %add3A_165, %mul3A_164 : i32
        %mul3A_167 = arith.constant 16 : i32
        %mul3A_168 = arith.muli %add3A_166, %mul3A_167 : i32
        %get3A_169 = arith.constant 0 : i32
        %get3A_170 = arith.index_cast %get3A_169 : i32 to index
        %get3A_171 = arith.index_cast %mul3A_168 : i32 to index
        %get3A_172 = tpu.vector_load %arg10[%get3A_170, %get3A_171] {strides = array<i32>} : memref<4x4096xf32, #tpu.memory_space<vmem>>, vector<1x16xf32>,
        %get3A_173 = vector.shape_cast %get3A_172 : vector<1x16xf32> to vector<16xf32>
        %get3A_174 = arith.constant 0 : i32
        %get3A_175 = arith.index_cast %get3A_174 : i32 to index
        %get3A_176 = arith.index_cast %mul3A_168 : i32 to index
        %get3A_177 = tpu.vector_load %arg11[%get3A_175, %get3A_176] {strides = array<i32>} : memref<4x4096xf32, #tpu.memory_space<vmem>>, vector<1x16xf32>,
        %get3A_178 = vector.shape_cast %get3A_177 : vector<1x16xf32> to vector<16xf32>
        %add3A_179 = arith.addf %get3A_173, %get3A_178 : vector<16xf32>
        %swap3A_180 = arith.constant 0 : i32
        %swap3A_181 = arith.index_cast %swap3A_180 : i32 to index
        %swap3A_182 = arith.index_cast %mul3A_168 : i32 to index
        %swap3A_183 = tpu.vector_load %arg10[%swap3A_181, %swap3A_182] {strides = array<i32>} : memref<4x4096xf32, #tpu.memory_space<vmem>>, vector<1x16xf32>,
        %swap3A_184 = vector.shape_cast %swap3A_183 : vector<1x16xf32> to vector<16xf32>
        %swap3A_185 = vector.shape_cast %add3A_179 : vector<16xf32> to vector<1x16xf32>
        tpu.vector_store %arg10[%swap3A_181, %swap3A_182], %swap3A_185 {strides = array<i32>} : memref<4x4096xf32, #tpu.memory_space<vmem>>, vector<1x16xf32>,
        %scan3A_186 = arith.constant 3 : i32
        %scan3A_187 = arith.addi %scan3A_114, %scan3A_186 : i32
        %mul3A_188 = arith.constant 1 : i32
        %mul3A_189 = arith.muli %scan3A_187, %mul3A_188 : i32
        %add3A_190 = arith.constant 0 : i32
        %add3A_191 = arith.addi %add3A_190, %mul3A_189 : i32
        %mul3A_192 = arith.constant 16 : i32
        %mul3A_193 = arith.muli %add3A_191, %mul3A_192 : i32
        %get3A_194 = arith.constant 0 : i32
        %get3A_195 = arith.index_cast %get3A_194 : i32 to index
        %get3A_196 = arith.index_cast %mul3A_193 : i32 to index
        %get3A_197 = tpu.vector_load %arg10[%get3A_195, %get3A_196] {strides = array<i32>} : memref<4x4096xf32, #tpu.memory_space<vmem>>, vector<1x16xf32>,
        %get3A_198 = vector.shape_cast %get3A_197 : vector<1x16xf32> to vector<16xf32>
        %get3A_199 = arith.constant 0 : i32
        %get3A_200 = arith.index_cast %get3A_199 : i32 to index
        %get3A_201 = arith.index_cast %mul3A_193 : i32 to index
        %get3A_202 = tpu.vector_load %arg11[%get3A_200, %get3A_201] {strides = array<i32>} : memref<4x4096xf32, #tpu.memory_space<vmem>>, vector<1x16xf32>,
        %get3A_203 = vector.shape_cast %get3A_202 : vector<1x16xf32> to vector<16xf32>
        %add3A_204 = arith.addf %get3A_198, %get3A_203 : vector<16xf32>
        %swap3A_205 = arith.constant 0 : i32
        %swap3A_206 = arith.index_cast %swap3A_205 : i32 to index
        %swap3A_207 = arith.index_cast %mul3A_193 : i32 to index
        %swap3A_208 = tpu.vector_load %arg10[%swap3A_206, %swap3A_207] {strides = array<i32>} : memref<4x4096xf32, #tpu.memory_space<vmem>>, vector<1x16xf32>,
        %swap3A_209 = vector.shape_cast %swap3A_208 : vector<1x16xf32> to vector<16xf32>
        %swap3A_210 = vector.shape_cast %add3A_204 : vector<16xf32> to vector<1x16xf32>
        tpu.vector_store %arg10[%swap3A_206, %swap3A_207], %swap3A_210 {strides = array<i32>} : memref<4x4096xf32, #tpu.memory_space<vmem>>, vector<1x16xf32>,
        %scan3A_211 = arith.constant 4 : i32
        %scan3A_212 = arith.addi %scan3A_114, %scan3A_211 : i32
        %mul3A_213 = arith.constant 1 : i32
        %mul3A_214 = arith.muli %scan3A_212, %mul3A_213 : i32
        %add3A_215 = arith.constant 0 : i32
        %add3A_216 = arith.addi %add3A_215, %mul3A_214 : i32
        %mul3A_217 = arith.constant 16 : i32
        %mul3A_218 = arith.muli %add3A_216, %mul3A_217 : i32
        %get3A_219 = arith.constant 0 : i32
        %get3A_220 = arith.index_cast %get3A_219 : i32 to index
        %get3A_221 = arith.index_cast %mul3A_218 : i32 to index
        %get3A_222 = tpu.vector_load %arg10[%get3A_220, %get3A_221] {strides = array<i32>} : memref<4x4096xf32, #tpu.memory_space<vmem>>, vector<1x16xf32>,
        %get3A_223 = vector.shape_cast %get3A_222 : vector<1x16xf32> to vector<16xf32>
        %get3A_224 = arith.constant 0 : i32
        %get3A_225 = arith.index_cast %get3A_224 : i32 to index
        %get3A_226 = arith.index_cast %mul3A_218 : i32 to index
        %get3A_227 = tpu.vector_load %arg11[%get3A_225, %get3A_226] {strides = array<i32>} : memref<4x4096xf32, #tpu.memory_space<vmem>>, vector<1x16xf32>,
        %get3A_228 = vector.shape_cast %get3A_227 : vector<1x16xf32> to vector<16xf32>
        %add3A_229 = arith.addf %get3A_223, %get3A_228 : vector<16xf32>
        %swap3A_230 = arith.constant 0 : i32
        %swap3A_231 = arith.index_cast %swap3A_230 : i32 to index
        %swap3A_232 = arith.index_cast %mul3A_218 : i32 to index
        %swap3A_233 = tpu.vector_load %arg10[%swap3A_231, %swap3A_232] {strides = array<i32>} : memref<4x4096xf32, #tpu.memory_space<vmem>>, vector<1x16xf32>,
        %swap3A_234 = vector.shape_cast %swap3A_233 : vector<1x16xf32> to vector<16xf32>
        %swap3A_235 = vector.shape_cast %add3A_229 : vector<16xf32> to vector<1x16xf32>
        tpu.vector_store %arg10[%swap3A_231, %swap3A_232], %swap3A_235 {strides = array<i32>} : memref<4x4096xf32, #tpu.memory_space<vmem>>, vector<1x16xf32>,
        %scan3A_236 = arith.constant 5 : i32
        %scan3A_237 = arith.addi %scan3A_114, %scan3A_236 : i32
        %mul3A_238 = arith.constant 1 : i32
        %mul3A_239 = arith.muli %scan3A_237, %mul3A_238 : i32
        %add3A_240 = arith.constant 0 : i32
        %add3A_241 = arith.addi %add3A_240, %mul3A_239 : i32
        %mul3A_242 = arith.constant 16 : i32
        %mul3A_243 = arith.muli %add3A_241, %mul3A_242 : i32
        %get3A_244 = arith.constant 0 : i32
        %get3A_245 = arith.index_cast %get3A_244 : i32 to index
        %get3A_246 = arith.index_cast %mul3A_243 : i32 to index
        %get3A_247 = tpu.vector_load %arg10[%get3A_245, %get3A_246] {strides = array<i32>} : memref<4x4096xf32, #tpu.memory_space<vmem>>, vector<1x16xf32>,
        %get3A_248 = vector.shape_cast %get3A_247 : vector<1x16xf32> to vector<16xf32>
        %get3A_249 = arith.constant 0 : i32
        %get3A_250 = arith.index_cast %get3A_249 : i32 to index
        %get3A_251 = arith.index_cast %mul3A_243 : i32 to index
        %get3A_252 = tpu.vector_load %arg11[%get3A_250, %get3A_251] {strides = array<i32>} : memref<4x4096xf32, #tpu.memory_space<vmem>>, vector<1x16xf32>,
        %get3A_253 = vector.shape_cast %get3A_252 : vector<1x16xf32> to vector<16xf32>
        %add3A_254 = arith.addf %get3A_248, %get3A_253 : vector<16xf32>
        %swap3A_255 = arith.constant 0 : i32
        %swap3A_256 = arith.index_cast %swap3A_255 : i32 to index
        %swap3A_257 = arith.index_cast %mul3A_243 : i32 to index
        %swap3A_258 = tpu.vector_load %arg10[%swap3A_256, %swap3A_257] {strides = array<i32>} : memref<4x4096xf32, #tpu.memory_space<vmem>>, vector<1x16xf32>,
        %swap3A_259 = vector.shape_cast %swap3A_258 : vector<1x16xf32> to vector<16xf32>
        %swap3A_260 = vector.shape_cast %add3A_254 : vector<16xf32> to vector<1x16xf32>
        tpu.vector_store %arg10[%swap3A_256, %swap3A_257], %swap3A_260 {strides = array<i32>} : memref<4x4096xf32, #tpu.memory_space<vmem>>, vector<1x16xf32>,
        %scan3A_261 = arith.constant 6 : i32
        %scan3A_262 = arith.addi %scan3A_114, %scan3A_261 : i32
        %mul3A_263 = arith.constant 1 : i32
        %mul3A_264 = arith.muli %scan3A_262, %mul3A_263 : i32
        %add3A_265 = arith.constant 0 : i32
        %add3A_266 = arith.addi %add3A_265, %mul3A_264 : i32
        %mul3A_267 = arith.constant 16 : i32
        %mul3A_268 = arith.muli %add3A_266, %mul3A_267 : i32
        %get3A_269 = arith.constant 0 : i32
        %get3A_270 = arith.index_cast %get3A_269 : i32 to index
        %get3A_271 = arith.index_cast %mul3A_268 : i32 to index
        %get3A_272 = tpu.vector_load %arg10[%get3A_270, %get3A_271] {strides = array<i32>} : memref<4x4096xf32, #tpu.memory_space<vmem>>, vector<1x16xf32>,
        %get3A_273 = vector.shape_cast %get3A_272 : vector<1x16xf32> to vector<16xf32>
        %get3A_274 = arith.constant 0 : i32
        %get3A_275 = arith.index_cast %get3A_274 : i32 to index
        %get3A_276 = arith.index_cast %mul3A_268 : i32 to index
        %get3A_277 = tpu.vector_load %arg11[%get3A_275, %get3A_276] {strides = array<i32>} : memref<4x4096xf32, #tpu.memory_space<vmem>>, vector<1x16xf32>,
        %get3A_278 = vector.shape_cast %get3A_277 : vector<1x16xf32> to vector<16xf32>
        %add3A_279 = arith.addf %get3A_273, %get3A_278 : vector<16xf32>
        %swap3A_280 = arith.constant 0 : i32
        %swap3A_281 = arith.index_cast %swap3A_280 : i32 to index
        %swap3A_282 = arith.index_cast %mul3A_268 : i32 to index
        %swap3A_283 = tpu.vector_load %arg10[%swap3A_281, %swap3A_282] {strides = array<i32>} : memref<4x4096xf32, #tpu.memory_space<vmem>>, vector<1x16xf32>,
        %swap3A_284 = vector.shape_cast %swap3A_283 : vector<1x16xf32> to vector<16xf32>
        %swap3A_285 = vector.shape_cast %add3A_279 : vector<16xf32> to vector<1x16xf32>
        tpu.vector_store %arg10[%swap3A_281, %swap3A_282], %swap3A_285 {strides = array<i32>} : memref<4x4096xf32, #tpu.memory_space<vmem>>, vector<1x16xf32>,
        %scan3A_286 = arith.constant 7 : i32
        %scan3A_287 = arith.addi %scan3A_114, %scan3A_286 : i32
        %mul3A_288 = arith.constant 1 : i32
        %mul3A_289 = arith.muli %scan3A_287, %mul3A_288 : i32
        %add3A_290 = arith.constant 0 : i32
        %add3A_291 = arith.addi %add3A_290, %mul3A_289 : i32
        %mul3A_292 = arith.constant 16 : i32
        %mul3A_293 = arith.muli %add3A_291, %mul3A_292 : i32
        %get3A_294 = arith.constant 0 : i32
        %get3A_295 = arith.index_cast %get3A_294 : i32 to index
        %get3A_296 = arith.index_cast %mul3A_293 : i32 to index
        %get3A_297 = tpu.vector_load %arg10[%get3A_295, %get3A_296] {strides = array<i32>} : memref<4x4096xf32, #tpu.memory_space<vmem>>, vector<1x16xf32>,
        %get3A_298 = vector.shape_cast %get3A_297 : vector<1x16xf32> to vector<16xf32>
        %get3A_299 = arith.constant 0 : i32
        %get3A_300 = arith.index_cast %get3A_299 : i32 to index
        %get3A_301 = arith.index_cast %mul3A_293 : i32 to index
        %get3A_302 = tpu.vector_load %arg11[%get3A_300, %get3A_301] {strides = array<i32>} : memref<4x4096xf32, #tpu.memory_space<vmem>>, vector<1x16xf32>,
        %get3A_303 = vector.shape_cast %get3A_302 : vector<1x16xf32> to vector<16xf32>
        %add3A_304 = arith.addf %get3A_298, %get3A_303 : vector<16xf32>
        %swap3A_305 = arith.constant 0 : i32
        %swap3A_306 = arith.index_cast %swap3A_305 : i32 to index
        %swap3A_307 = arith.index_cast %mul3A_293 : i32 to index
        %swap3A_308 = tpu.vector_load %arg10[%swap3A_306, %swap3A_307] {strides = array<i32>} : memref<4x4096xf32, #tpu.memory_space<vmem>>, vector<1x16xf32>,
        %swap3A_309 = vector.shape_cast %swap3A_308 : vector<1x16xf32> to vector<16xf32>
        %swap3A_310 = vector.shape_cast %add3A_304 : vector<16xf32> to vector<1x16xf32>
        tpu.vector_store %arg10[%swap3A_306, %swap3A_307], %swap3A_310 {strides = array<i32>} : memref<4x4096xf32, #tpu.memory_space<vmem>>, vector<1x16xf32>,
      }
      %scan3A_95 = arith.constant 256 : i32
      %scan3A_96 = arith.constant 0 : i32
      %scan3A_97 = arith.constant 256 : i32
      %scan3A_98 = arith.addi %scan3A_96, %scan3A_97 : i32
      %scan3A_99 = arith.constant 8 : i32
      scf.for %scan3A_114 = %scan3A_96 to %scan3A_98 step %scan3A_99  : i32 {
        %mul3A_115 = arith.constant 1 : i32
        %mul3A_116 = arith.muli %scan3A_114, %mul3A_115 : i32
        %add3A_117 = arith.constant 0 : i32
        %add3A_118 = arith.addi %add3A_117, %mul3A_116 : i32
        %mul3A_119 = arith.constant 16 : i32
        %mul3A_120 = arith.muli %add3A_118, %mul3A_119 : i32
        %get3A = arith.constant 1 : i32
        %get3A_121 = arith.index_cast %get3A : i32 to index
        %get3A_122 = arith.index_cast %mul3A_120 : i32 to index
        %get3A_123 = tpu.vector_load %arg10[%get3A_121, %get3A_122] {strides = array<i32>} : memref<4x4096xf32, #tpu.memory_space<vmem>>, vector<1x16xf32>,
        %get3A_124 = vector.shape_cast %get3A_123 : vector<1x16xf32> to vector<16xf32>
        %get3A_125 = arith.constant 1 : i32
        %get3A_126 = arith.index_cast %get3A_125 : i32 to index
        %get3A_127 = arith.index_cast %mul3A_120 : i32 to index
        %get3A_128 = tpu.vector_load %arg11[%get3A_126, %get3A_127] {strides = array<i32>} : memref<4x4096xf32, #tpu.memory_space<vmem>>, vector<1x16xf32>,
        %get3A_129 = vector.shape_cast %get3A_128 : vector<1x16xf32> to vector<16xf32>
        %add3A_130 = arith.addf %get3A_124, %get3A_129 : vector<16xf32>
        %swap3A = arith.constant 1 : i32
        %swap3A_131 = arith.index_cast %swap3A : i32 to index
        %swap3A_132 = arith.index_cast %mul3A_120 : i32 to index
        %swap3A_133 = tpu.vector_load %arg10[%swap3A_131, %swap3A_132] {strides = array<i32>} : memref<4x4096xf32, #tpu.memory_space<vmem>>, vector<1x16xf32>,
        %swap3A_134 = vector.shape_cast %swap3A_133 : vector<1x16xf32> to vector<16xf32>
        %swap3A_135 = vector.shape_cast %add3A_130 : vector<16xf32> to vector<1x16xf32>
        tpu.vector_store %arg10[%swap3A_131, %swap3A_132], %swap3A_135 {strides = array<i32>} : memref<4x4096xf32, #tpu.memory_space<vmem>>, vector<1x16xf32>,
        %scan3A_136 = arith.constant 1 : i32
        %scan3A_137 = arith.addi %scan3A_114, %scan3A_136 : i32
        %mul3A_138 = arith.constant 1 : i32
        %mul3A_139 = arith.muli %scan3A_137, %mul3A_138 : i32
        %add3A_140 = arith.constant 0 : i32
        %add3A_141 = arith.addi %add3A_140, %mul3A_139 : i32
        %mul3A_142 = arith.constant 16 : i32
        %mul3A_143 = arith.muli %add3A_141, %mul3A_142 : i32
        %get3A_144 = arith.constant 1 : i32
        %get3A_145 = arith.index_cast %get3A_144 : i32 to index
        %get3A_146 = arith.index_cast %mul3A_143 : i32 to index
        %get3A_147 = tpu.vector_load %arg10[%get3A_145, %get3A_146] {strides = array<i32>} : memref<4x4096xf32, #tpu.memory_space<vmem>>, vector<1x16xf32>,
        %get3A_148 = vector.shape_cast %get3A_147 : vector<1x16xf32> to vector<16xf32>
        %get3A_149 = arith.constant 1 : i32
        %get3A_150 = arith.index_cast %get3A_149 : i32 to index
        %get3A_151 = arith.index_cast %mul3A_143 : i32 to index
        %get3A_152 = tpu.vector_load %arg11[%get3A_150, %get3A_151] {strides = array<i32>} : memref<4x4096xf32, #tpu.memory_space<vmem>>, vector<1x16xf32>,
        %get3A_153 = vector.shape_cast %get3A_152 : vector<1x16xf32> to vector<16xf32>
        %add3A_154 = arith.addf %get3A_148, %get3A_153 : vector<16xf32>
        %swap3A_155 = arith.constant 1 : i32
        %swap3A_156 = arith.index_cast %swap3A_155 : i32 to index
        %swap3A_157 = arith.index_cast %mul3A_143 : i32 to index
        %swap3A_158 = tpu.vector_load %arg10[%swap3A_156, %swap3A_157] {strides = array<i32>} : memref<4x4096xf32, #tpu.memory_space<vmem>>, vector<1x16xf32>,
        %swap3A_159 = vector.shape_cast %swap3A_158 : vector<1x16xf32> to vector<16xf32>
        %swap3A_160 = vector.shape_cast %add3A_154 : vector<16xf32> to vector<1x16xf32>
        tpu.vector_store %arg10[%swap3A_156, %swap3A_157], %swap3A_160 {strides = array<i32>} : memref<4x4096xf32, #tpu.memory_space<vmem>>, vector<1x16xf32>,
        %scan3A_161 = arith.constant 2 : i32
        %scan3A_162 = arith.addi %scan3A_114, %scan3A_161 : i32
        %mul3A_163 = arith.constant 1 : i32
        %mul3A_164 = arith.muli %scan3A_162, %mul3A_163 : i32
        %add3A_165 = arith.constant 0 : i32
        %add3A_166 = arith.addi %add3A_165, %mul3A_164 : i32
        %mul3A_167 = arith.constant 16 : i32
        %mul3A_168 = arith.muli %add3A_166, %mul3A_167 : i32
        %get3A_169 = arith.constant 1 : i32
        %get3A_170 = arith.index_cast %get3A_169 : i32 to index
        %get3A_171 = arith.index_cast %mul3A_168 : i32 to index
        %get3A_172 = tpu.vector_load %arg10[%get3A_170, %get3A_171] {strides = array<i32>} : memref<4x4096xf32, #tpu.memory_space<vmem>>, vector<1x16xf32>,
        %get3A_173 = vector.shape_cast %get3A_172 : vector<1x16xf32> to vector<16xf32>
        %get3A_174 = arith.constant 1 : i32
        %get3A_175 = arith.index_cast %get3A_174 : i32 to index
        %get3A_176 = arith.index_cast %mul3A_168 : i32 to index
        %get3A_177 = tpu.vector_load %arg11[%get3A_175, %get3A_176] {strides = array<i32>} : memref<4x4096xf32, #tpu.memory_space<vmem>>, vector<1x16xf32>,
        %get3A_178 = vector.shape_cast %get3A_177 : vector<1x16xf32> to vector<16xf32>
        %add3A_179 = arith.addf %get3A_173, %get3A_178 : vector<16xf32>
        %swap3A_180 = arith.constant 1 : i32
        %swap3A_181 = arith.index_cast %swap3A_180 : i32 to index
        %swap3A_182 = arith.index_cast %mul3A_168 : i32 to index
        %swap3A_183 = tpu.vector_load %arg10[%swap3A_181, %swap3A_182] {strides = array<i32>} : memref<4x4096xf32, #tpu.memory_space<vmem>>, vector<1x16xf32>,
        %swap3A_184 = vector.shape_cast %swap3A_183 : vector<1x16xf32> to vector<16xf32>
        %swap3A_185 = vector.shape_cast %add3A_179 : vector<16xf32> to vector<1x16xf32>
        tpu.vector_store %arg10[%swap3A_181, %swap3A_182], %swap3A_185 {strides = array<i32>} : memref<4x4096xf32, #tpu.memory_space<vmem>>, vector<1x16xf32>,
        %scan3A_186 = arith.constant 3 : i32
        %scan3A_187 = arith.addi %scan3A_114, %scan3A_186 : i32
        %mul3A_188 = arith.constant 1 : i32
        %mul3A_189 = arith.muli %scan3A_187, %mul3A_188 : i32
        %add3A_190 = arith.constant 0 : i32
        %add3A_191 = arith.addi %add3A_190, %mul3A_189 : i32
        %mul3A_192 = arith.constant 16 : i32
        %mul3A_193 = arith.muli %add3A_191, %mul3A_192 : i32
        %get3A_194 = arith.constant 1 : i32
        %get3A_195 = arith.index_cast %get3A_194 : i32 to index
        %get3A_196 = arith.index_cast %mul3A_193 : i32 to index
        %get3A_197 = tpu.vector_load %arg10[%get3A_195, %get3A_196] {strides = array<i32>} : memref<4x4096xf32, #tpu.memory_space<vmem>>, vector<1x16xf32>,
        %get3A_198 = vector.shape_cast %get3A_197 : vector<1x16xf32> to vector<16xf32>
        %get3A_199 = arith.constant 1 : i32
        %get3A_200 = arith.index_cast %get3A_199 : i32 to index
        %get3A_201 = arith.index_cast %mul3A_193 : i32 to index
        %get3A_202 = tpu.vector_load %arg11[%get3A_200, %get3A_201] {strides = array<i32>} : memref<4x4096xf32, #tpu.memory_space<vmem>>, vector<1x16xf32>,
        %get3A_203 = vector.shape_cast %get3A_202 : vector<1x16xf32> to vector<16xf32>
        %add3A_204 = arith.addf %get3A_198, %get3A_203 : vector<16xf32>
        %swap3A_205 = arith.constant 1 : i32
        %swap3A_206 = arith.index_cast %swap3A_205 : i32 to index
        %swap3A_207 = arith.index_cast %mul3A_193 : i32 to index
        %swap3A_208 = tpu.vector_load %arg10[%swap3A_206, %swap3A_207] {strides = array<i32>} : memref<4x4096xf32, #tpu.memory_space<vmem>>, vector<1x16xf32>,
        %swap3A_209 = vector.shape_cast %swap3A_208 : vector<1x16xf32> to vector<16xf32>
        %swap3A_210 = vector.shape_cast %add3A_204 : vector<16xf32> to vector<1x16xf32>
        tpu.vector_store %arg10[%swap3A_206, %swap3A_207], %swap3A_210 {strides = array<i32>} : memref<4x4096xf32, #tpu.memory_space<vmem>>, vector<1x16xf32>,
        %scan3A_211 = arith.constant 4 : i32
        %scan3A_212 = arith.addi %scan3A_114, %scan3A_211 : i32
        %mul3A_213 = arith.constant 1 : i32
        %mul3A_214 = arith.muli %scan3A_212, %mul3A_213 : i32
        %add3A_215 = arith.constant 0 : i32
        %add3A_216 = arith.addi %add3A_215, %mul3A_214 : i32
        %mul3A_217 = arith.constant 16 : i32
        %mul3A_218 = arith.muli %add3A_216, %mul3A_217 : i32
        %get3A_219 = arith.constant 1 : i32
        %get3A_220 = arith.index_cast %get3A_219 : i32 to index
        %get3A_221 = arith.index_cast %mul3A_218 : i32 to index
        %get3A_222 = tpu.vector_load %arg10[%get3A_220, %get3A_221] {strides = array<i32>} : memref<4x4096xf32, #tpu.memory_space<vmem>>, vector<1x16xf32>,
        %get3A_223 = vector.shape_cast %get3A_222 : vector<1x16xf32> to vector<16xf32>
        %get3A_224 = arith.constant 1 : i32
        %get3A_225 = arith.index_cast %get3A_224 : i32 to index
        %get3A_226 = arith.index_cast %mul3A_218 : i32 to index
        %get3A_227 = tpu.vector_load %arg11[%get3A_225, %get3A_226] {strides = array<i32>} : memref<4x4096xf32, #tpu.memory_space<vmem>>, vector<1x16xf32>,
        %get3A_228 = vector.shape_cast %get3A_227 : vector<1x16xf32> to vector<16xf32>
        %add3A_229 = arith.addf %get3A_223, %get3A_228 : vector<16xf32>
        %swap3A_230 = arith.constant 1 : i32
        %swap3A_231 = arith.index_cast %swap3A_230 : i32 to index
        %swap3A_232 = arith.index_cast %mul3A_218 : i32 to index
        %swap3A_233 = tpu.vector_load %arg10[%swap3A_231, %swap3A_232] {strides = array<i32>} : memref<4x4096xf32, #tpu.memory_space<vmem>>, vector<1x16xf32>,
        %swap3A_234 = vector.shape_cast %swap3A_233 : vector<1x16xf32> to vector<16xf32>
        %swap3A_235 = vector.shape_cast %add3A_229 : vector<16xf32> to vector<1x16xf32>
        tpu.vector_store %arg10[%swap3A_231, %swap3A_232], %swap3A_235 {strides = array<i32>} : memref<4x4096xf32, #tpu.memory_space<vmem>>, vector<1x16xf32>,
        %scan3A_236 = arith.constant 5 : i32
        %scan3A_237 = arith.addi %scan3A_114, %scan3A_236 : i32
        %mul3A_238 = arith.constant 1 : i32
        %mul3A_239 = arith.muli %scan3A_237, %mul3A_238 : i32
        %add3A_240 = arith.constant 0 : i32
        %add3A_241 = arith.addi %add3A_240, %mul3A_239 : i32
        %mul3A_242 = arith.constant 16 : i32
        %mul3A_243 = arith.muli %add3A_241, %mul3A_242 : i32
        %get3A_244 = arith.constant 1 : i32
        %get3A_245 = arith.index_cast %get3A_244 : i32 to index
        %get3A_246 = arith.index_cast %mul3A_243 : i32 to index
        %get3A_247 = tpu.vector_load %arg10[%get3A_245, %get3A_246] {strides = array<i32>} : memref<4x4096xf32, #tpu.memory_space<vmem>>, vector<1x16xf32>,
        %get3A_248 = vector.shape_cast %get3A_247 : vector<1x16xf32> to vector<16xf32>
        %get3A_249 = arith.constant 1 : i32
        %get3A_250 = arith.index_cast %get3A_249 : i32 to index
        %get3A_251 = arith.index_cast %mul3A_243 : i32 to index
        %get3A_252 = tpu.vector_load %arg11[%get3A_250, %get3A_251] {strides = array<i32>} : memref<4x4096xf32, #tpu.memory_space<vmem>>, vector<1x16xf32>,
        %get3A_253 = vector.shape_cast %get3A_252 : vector<1x16xf32> to vector<16xf32>
        %add3A_254 = arith.addf %get3A_248, %get3A_253 : vector<16xf32>
        %swap3A_255 = arith.constant 1 : i32
        %swap3A_256 = arith.index_cast %swap3A_255 : i32 to index
        %swap3A_257 = arith.index_cast %mul3A_243 : i32 to index
        %swap3A_258 = tpu.vector_load %arg10[%swap3A_256, %swap3A_257] {strides = array<i32>} : memref<4x4096xf32, #tpu.memory_space<vmem>>, vector<1x16xf32>,
        %swap3A_259 = vector.shape_cast %swap3A_258 : vector<1x16xf32> to vector<16xf32>
        %swap3A_260 = vector.shape_cast %add3A_254 : vector<16xf32> to vector<1x16xf32>
        tpu.vector_store %arg10[%swap3A_256, %swap3A_257], %swap3A_260 {strides = array<i32>} : memref<4x4096xf32, #tpu.memory_space<vmem>>, vector<1x16xf32>,
        %scan3A_261 = arith.constant 6 : i32
        %scan3A_262 = arith.addi %scan3A_114, %scan3A_261 : i32
        %mul3A_263 = arith.constant 1 : i32
        %mul3A_264 = arith.muli %scan3A_262, %mul3A_263 : i32
        %add3A_265 = arith.constant 0 : i32
        %add3A_266 = arith.addi %add3A_265, %mul3A_264 : i32
        %mul3A_267 = arith.constant 16 : i32
        %mul3A_268 = arith.muli %add3A_266, %mul3A_267 : i32
        %get3A_269 = arith.constant 1 : i32
        %get3A_270 = arith.index_cast %get3A_269 : i32 to index
        %get3A_271 = arith.index_cast %mul3A_268 : i32 to index
        %get3A_272 = tpu.vector_load %arg10[%get3A_270, %get3A_271] {strides = array<i32>} : memref<4x4096xf32, #tpu.memory_space<vmem>>, vector<1x16xf32>,
        %get3A_273 = vector.shape_cast %get3A_272 : vector<1x16xf32> to vector<16xf32>
        %get3A_274 = arith.constant 1 : i32
        %get3A_275 = arith.index_cast %get3A_274 : i32 to index
        %get3A_276 = arith.index_cast %mul3A_268 : i32 to index
        %get3A_277 = tpu.vector_load %arg11[%get3A_275, %get3A_276] {strides = array<i32>} : memref<4x4096xf32, #tpu.memory_space<vmem>>, vector<1x16xf32>,
        %get3A_278 = vector.shape_cast %get3A_277 : vector<1x16xf32> to vector<16xf32>
        %add3A_279 = arith.addf %get3A_273, %get3A_278 : vector<16xf32>
        %swap3A_280 = arith.constant 1 : i32
        %swap3A_281 = arith.index_cast %swap3A_280 : i32 to index
        %swap3A_282 = arith.index_cast %mul3A_268 : i32 to index
        %swap3A_283 = tpu.vector_load %arg10[%swap3A_281, %swap3A_282] {strides = array<i32>} : memref<4x4096xf32, #tpu.memory_space<vmem>>, vector<1x16xf32>,
        %swap3A_284 = vector.shape_cast %swap3A_283 : vector<1x16xf32> to vector<16xf32>
        %swap3A_285 = vector.shape_cast %add3A_279 : vector<16xf32> to vector<1x16xf32>
        tpu.vector_store %arg10[%swap3A_281, %swap3A_282], %swap3A_285 {strides = array<i32>} : memref<4x4096xf32, #tpu.memory_space<vmem>>, vector<1x16xf32>,
        %scan3A_286 = arith.constant 7 : i32
        %scan3A_287 = arith.addi %scan3A_114, %scan3A_286 : i32
        %mul3A_288 = arith.constant 1 : i32
        %mul3A_289 = arith.muli %scan3A_287, %mul3A_288 : i32
        %add3A_290 = arith.constant 0 : i32
        %add3A_291 = arith.addi %add3A_290, %mul3A_289 : i32
        %mul3A_292 = arith.constant 16 : i32
        %mul3A_293 = arith.muli %add3A_291, %mul3A_292 : i32
        %get3A_294 = arith.constant 1 : i32
        %get3A_295 = arith.index_cast %get3A_294 : i32 to index
        %get3A_296 = arith.index_cast %mul3A_293 : i32 to index
        %get3A_297 = tpu.vector_load %arg10[%get3A_295, %get3A_296] {strides = array<i32>} : memref<4x4096xf32, #tpu.memory_space<vmem>>, vector<1x16xf32>,
        %get3A_298 = vector.shape_cast %get3A_297 : vector<1x16xf32> to vector<16xf32>
        %get3A_299 = arith.constant 1 : i32
        %get3A_300 = arith.index_cast %get3A_299 : i32 to index
        %get3A_301 = arith.index_cast %mul3A_293 : i32 to index
        %get3A_302 = tpu.vector_load %arg11[%get3A_300, %get3A_301] {strides = array<i32>} : memref<4x4096xf32, #tpu.memory_space<vmem>>, vector<1x16xf32>,
        %get3A_303 = vector.shape_cast %get3A_302 : vector<1x16xf32> to vector<16xf32>
        %add3A_304 = arith.addf %get3A_298, %get3A_303 : vector<16xf32>
        %swap3A_305 = arith.constant 1 : i32
        %swap3A_306 = arith.index_cast %swap3A_305 : i32 to index
        %swap3A_307 = arith.index_cast %mul3A_293 : i32 to index
        %swap3A_308 = tpu.vector_load %arg10[%swap3A_306, %swap3A_307] {strides = array<i32>} : memref<4x4096xf32, #tpu.memory_space<vmem>>, vector<1x16xf32>,
        %swap3A_309 = vector.shape_cast %swap3A_308 : vector<1x16xf32> to vector<16xf32>
        %swap3A_310 = vector.shape_cast %add3A_304 : vector<16xf32> to vector<1x16xf32>
        tpu.vector_store %arg10[%swap3A_306, %swap3A_307], %swap3A_310 {strides = array<i32>} : memref<4x4096xf32, #tpu.memory_space<vmem>>, vector<1x16xf32>,
      }
      %scan3A_100 = arith.constant 256 : i32
      %scan3A_101 = arith.constant 0 : i32
      %scan3A_102 = arith.constant 256 : i32
      %scan3A_103 = arith.addi %scan3A_101, %scan3A_102 : i32
      %scan3A_104 = arith.constant 8 : i32
      scf.for %scan3A_114 = %scan3A_101 to %scan3A_103 step %scan3A_104  : i32 {
        %mul3A_115 = arith.constant 1 : i32
        %mul3A_116 = arith.muli %scan3A_114, %mul3A_115 : i32
        %add3A_117 = arith.constant 0 : i32
        %add3A_118 = arith.addi %add3A_117, %mul3A_116 : i32
        %mul3A_119 = arith.constant 16 : i32
        %mul3A_120 = arith.muli %add3A_118, %mul3A_119 : i32
        %get3A = arith.constant 2 : i32
        %get3A_121 = arith.index_cast %get3A : i32 to index
        %get3A_122 = arith.index_cast %mul3A_120 : i32 to index
        %get3A_123 = tpu.vector_load %arg10[%get3A_121, %get3A_122] {strides = array<i32>} : memref<4x4096xf32, #tpu.memory_space<vmem>>, vector<1x16xf32>,
        %get3A_124 = vector.shape_cast %get3A_123 : vector<1x16xf32> to vector<16xf32>
        %get3A_125 = arith.constant 2 : i32
        %get3A_126 = arith.index_cast %get3A_125 : i32 to index
        %get3A_127 = arith.index_cast %mul3A_120 : i32 to index
        %get3A_128 = tpu.vector_load %arg11[%get3A_126, %get3A_127] {strides = array<i32>} : memref<4x4096xf32, #tpu.memory_space<vmem>>, vector<1x16xf32>,
        %get3A_129 = vector.shape_cast %get3A_128 : vector<1x16xf32> to vector<16xf32>
        %add3A_130 = arith.addf %get3A_124, %get3A_129 : vector<16xf32>
        %swap3A = arith.constant 2 : i32
        %swap3A_131 = arith.index_cast %swap3A : i32 to index
        %swap3A_132 = arith.index_cast %mul3A_120 : i32 to index
        %swap3A_133 = tpu.vector_load %arg10[%swap3A_131, %swap3A_132] {strides = array<i32>} : memref<4x4096xf32, #tpu.memory_space<vmem>>, vector<1x16xf32>,
        %swap3A_134 = vector.shape_cast %swap3A_133 : vector<1x16xf32> to vector<16xf32>
        %swap3A_135 = vector.shape_cast %add3A_130 : vector<16xf32> to vector<1x16xf32>
        tpu.vector_store %arg10[%swap3A_131, %swap3A_132], %swap3A_135 {strides = array<i32>} : memref<4x4096xf32, #tpu.memory_space<vmem>>, vector<1x16xf32>,
        %scan3A_136 = arith.constant 1 : i32
        %scan3A_137 = arith.addi %scan3A_114, %scan3A_136 : i32
        %mul3A_138 = arith.constant 1 : i32
        %mul3A_139 = arith.muli %scan3A_137, %mul3A_138 : i32
        %add3A_140 = arith.constant 0 : i32
        %add3A_141 = arith.addi %add3A_140, %mul3A_139 : i32
        %mul3A_142 = arith.constant 16 : i32
        %mul3A_143 = arith.muli %add3A_141, %mul3A_142 : i32
        %get3A_144 = arith.constant 2 : i32
        %get3A_145 = arith.index_cast %get3A_144 : i32 to index
        %get3A_146 = arith.index_cast %mul3A_143 : i32 to index
        %get3A_147 = tpu.vector_load %arg10[%get3A_145, %get3A_146] {strides = array<i32>} : memref<4x4096xf32, #tpu.memory_space<vmem>>, vector<1x16xf32>,
        %get3A_148 = vector.shape_cast %get3A_147 : vector<1x16xf32> to vector<16xf32>
        %get3A_149 = arith.constant 2 : i32
        %get3A_150 = arith.index_cast %get3A_149 : i32 to index
        %get3A_151 = arith.index_cast %mul3A_143 : i32 to index
        %get3A_152 = tpu.vector_load %arg11[%get3A_150, %get3A_151] {strides = array<i32>} : memref<4x4096xf32, #tpu.memory_space<vmem>>, vector<1x16xf32>,
        %get3A_153 = vector.shape_cast %get3A_152 : vector<1x16xf32> to vector<16xf32>
        %add3A_154 = arith.addf %get3A_148, %get3A_153 : vector<16xf32>
        %swap3A_155 = arith.constant 2 : i32
        %swap3A_156 = arith.index_cast %swap3A_155 : i32 to index
        %swap3A_157 = arith.index_cast %mul3A_143 : i32 to index
        %swap3A_158 = tpu.vector_load %arg10[%swap3A_156, %swap3A_157] {strides = array<i32>} : memref<4x4096xf32, #tpu.memory_space<vmem>>, vector<1x16xf32>,
        %swap3A_159 = vector.shape_cast %swap3A_158 : vector<1x16xf32> to vector<16xf32>
        %swap3A_160 = vector.shape_cast %add3A_154 : vector<16xf32> to vector<1x16xf32>
        tpu.vector_store %arg10[%swap3A_156, %swap3A_157], %swap3A_160 {strides = array<i32>} : memref<4x4096xf32, #tpu.memory_space<vmem>>, vector<1x16xf32>,
        %scan3A_161 = arith.constant 2 : i32
        %scan3A_162 = arith.addi %scan3A_114, %scan3A_161 : i32
        %mul3A_163 = arith.constant 1 : i32
        %mul3A_164 = arith.muli %scan3A_162, %mul3A_163 : i32
        %add3A_165 = arith.constant 0 : i32
        %add3A_166 = arith.addi %add3A_165, %mul3A_164 : i32
        %mul3A_167 = arith.constant 16 : i32
        %mul3A_168 = arith.muli %add3A_166, %mul3A_167 : i32
        %get3A_169 = arith.constant 2 : i32
        %get3A_170 = arith.index_cast %get3A_169 : i32 to index
        %get3A_171 = arith.index_cast %mul3A_168 : i32 to index
        %get3A_172 = tpu.vector_load %arg10[%get3A_170, %get3A_171] {strides = array<i32>} : memref<4x4096xf32, #tpu.memory_space<vmem>>, vector<1x16xf32>,
        %get3A_173 = vector.shape_cast %get3A_172 : vector<1x16xf32> to vector<16xf32>
        %get3A_174 = arith.constant 2 : i32
        %get3A_175 = arith.index_cast %get3A_174 : i32 to index
        %get3A_176 = arith.index_cast %mul3A_168 : i32 to index
        %get3A_177 = tpu.vector_load %arg11[%get3A_175, %get3A_176] {strides = array<i32>} : memref<4x4096xf32, #tpu.memory_space<vmem>>, vector<1x16xf32>,
        %get3A_178 = vector.shape_cast %get3A_177 : vector<1x16xf32> to vector<16xf32>
        %add3A_179 = arith.addf %get3A_173, %get3A_178 : vector<16xf32>
        %swap3A_180 = arith.constant 2 : i32
        %swap3A_181 = arith.index_cast %swap3A_180 : i32 to index
        %swap3A_182 = arith.index_cast %mul3A_168 : i32 to index
        %swap3A_183 = tpu.vector_load %arg10[%swap3A_181, %swap3A_182] {strides = array<i32>} : memref<4x4096xf32, #tpu.memory_space<vmem>>, vector<1x16xf32>,
        %swap3A_184 = vector.shape_cast %swap3A_183 : vector<1x16xf32> to vector<16xf32>
        %swap3A_185 = vector.shape_cast %add3A_179 : vector<16xf32> to vector<1x16xf32>
        tpu.vector_store %arg10[%swap3A_181, %swap3A_182], %swap3A_185 {strides = array<i32>} : memref<4x4096xf32, #tpu.memory_space<vmem>>, vector<1x16xf32>,
        %scan3A_186 = arith.constant 3 : i32
        %scan3A_187 = arith.addi %scan3A_114, %scan3A_186 : i32
        %mul3A_188 = arith.constant 1 : i32
        %mul3A_189 = arith.muli %scan3A_187, %mul3A_188 : i32
        %add3A_190 = arith.constant 0 : i32
        %add3A_191 = arith.addi %add3A_190, %mul3A_189 : i32
        %mul3A_192 = arith.constant 16 : i32
        %mul3A_193 = arith.muli %add3A_191, %mul3A_192 : i32
        %get3A_194 = arith.constant 2 : i32
        %get3A_195 = arith.index_cast %get3A_194 : i32 to index
        %get3A_196 = arith.index_cast %mul3A_193 : i32 to index
        %get3A_197 = tpu.vector_load %arg10[%get3A_195, %get3A_196] {strides = array<i32>} : memref<4x4096xf32, #tpu.memory_space<vmem>>, vector<1x16xf32>,
        %get3A_198 = vector.shape_cast %get3A_197 : vector<1x16xf32> to vector<16xf32>
        %get3A_199 = arith.constant 2 : i32
        %get3A_200 = arith.index_cast %get3A_199 : i32 to index
        %get3A_201 = arith.index_cast %mul3A_193 : i32 to index
        %get3A_202 = tpu.vector_load %arg11[%get3A_200, %get3A_201] {strides = array<i32>} : memref<4x4096xf32, #tpu.memory_space<vmem>>, vector<1x16xf32>,
        %get3A_203 = vector.shape_cast %get3A_202 : vector<1x16xf32> to vector<16xf32>
        %add3A_204 = arith.addf %get3A_198, %get3A_203 : vector<16xf32>
        %swap3A_205 = arith.constant 2 : i32
        %swap3A_206 = arith.index_cast %swap3A_205 : i32 to index
        %swap3A_207 = arith.index_cast %mul3A_193 : i32 to index
        %swap3A_208 = tpu.vector_load %arg10[%swap3A_206, %swap3A_207] {strides = array<i32>} : memref<4x4096xf32, #tpu.memory_space<vmem>>, vector<1x16xf32>,
        %swap3A_209 = vector.shape_cast %swap3A_208 : vector<1x16xf32> to vector<16xf32>
        %swap3A_210 = vector.shape_cast %add3A_204 : vector<16xf32> to vector<1x16xf32>
        tpu.vector_store %arg10[%swap3A_206, %swap3A_207], %swap3A_210 {strides = array<i32>} : memref<4x4096xf32, #tpu.memory_space<vmem>>, vector<1x16xf32>,
        %scan3A_211 = arith.constant 4 : i32
        %scan3A_212 = arith.addi %scan3A_114, %scan3A_211 : i32
        %mul3A_213 = arith.constant 1 : i32
        %mul3A_214 = arith.muli %scan3A_212, %mul3A_213 : i32
        %add3A_215 = arith.constant 0 : i32
        %add3A_216 = arith.addi %add3A_215, %mul3A_214 : i32
        %mul3A_217 = arith.constant 16 : i32
        %mul3A_218 = arith.muli %add3A_216, %mul3A_217 : i32
        %get3A_219 = arith.constant 2 : i32
        %get3A_220 = arith.index_cast %get3A_219 : i32 to index
        %get3A_221 = arith.index_cast %mul3A_218 : i32 to index
        %get3A_222 = tpu.vector_load %arg10[%get3A_220, %get3A_221] {strides = array<i32>} : memref<4x4096xf32, #tpu.memory_space<vmem>>, vector<1x16xf32>,
        %get3A_223 = vector.shape_cast %get3A_222 : vector<1x16xf32> to vector<16xf32>
        %get3A_224 = arith.constant 2 : i32
        %get3A_225 = arith.index_cast %get3A_224 : i32 to index
        %get3A_226 = arith.index_cast %mul3A_218 : i32 to index
        %get3A_227 = tpu.vector_load %arg11[%get3A_225, %get3A_226] {strides = array<i32>} : memref<4x4096xf32, #tpu.memory_space<vmem>>, vector<1x16xf32>,
        %get3A_228 = vector.shape_cast %get3A_227 : vector<1x16xf32> to vector<16xf32>
        %add3A_229 = arith.addf %get3A_223, %get3A_228 : vector<16xf32>
        %swap3A_230 = arith.constant 2 : i32
        %swap3A_231 = arith.index_cast %swap3A_230 : i32 to index
        %swap3A_232 = arith.index_cast %mul3A_218 : i32 to index
        %swap3A_233 = tpu.vector_load %arg10[%swap3A_231, %swap3A_232] {strides = array<i32>} : memref<4x4096xf32, #tpu.memory_space<vmem>>, vector<1x16xf32>,
        %swap3A_234 = vector.shape_cast %swap3A_233 : vector<1x16xf32> to vector<16xf32>
        %swap3A_235 = vector.shape_cast %add3A_229 : vector<16xf32> to vector<1x16xf32>
        tpu.vector_store %arg10[%swap3A_231, %swap3A_232], %swap3A_235 {strides = array<i32>} : memref<4x4096xf32, #tpu.memory_space<vmem>>, vector<1x16xf32>,
        %scan3A_236 = arith.constant 5 : i32
        %scan3A_237 = arith.addi %scan3A_114, %scan3A_236 : i32
        %mul3A_238 = arith.constant 1 : i32
        %mul3A_239 = arith.muli %scan3A_237, %mul3A_238 : i32
        %add3A_240 = arith.constant 0 : i32
        %add3A_241 = arith.addi %add3A_240, %mul3A_239 : i32
        %mul3A_242 = arith.constant 16 : i32
        %mul3A_243 = arith.muli %add3A_241, %mul3A_242 : i32
        %get3A_244 = arith.constant 2 : i32
        %get3A_245 = arith.index_cast %get3A_244 : i32 to index
        %get3A_246 = arith.index_cast %mul3A_243 : i32 to index
        %get3A_247 = tpu.vector_load %arg10[%get3A_245, %get3A_246] {strides = array<i32>} : memref<4x4096xf32, #tpu.memory_space<vmem>>, vector<1x16xf32>,
        %get3A_248 = vector.shape_cast %get3A_247 : vector<1x16xf32> to vector<16xf32>
        %get3A_249 = arith.constant 2 : i32
        %get3A_250 = arith.index_cast %get3A_249 : i32 to index
        %get3A_251 = arith.index_cast %mul3A_243 : i32 to index
        %get3A_252 = tpu.vector_load %arg11[%get3A_250, %get3A_251] {strides = array<i32>} : memref<4x4096xf32, #tpu.memory_space<vmem>>, vector<1x16xf32>,
        %get3A_253 = vector.shape_cast %get3A_252 : vector<1x16xf32> to vector<16xf32>
        %add3A_254 = arith.addf %get3A_248, %get3A_253 : vector<16xf32>
        %swap3A_255 = arith.constant 2 : i32
        %swap3A_256 = arith.index_cast %swap3A_255 : i32 to index
        %swap3A_257 = arith.index_cast %mul3A_243 : i32 to index
        %swap3A_258 = tpu.vector_load %arg10[%swap3A_256, %swap3A_257] {strides = array<i32>} : memref<4x4096xf32, #tpu.memory_space<vmem>>, vector<1x16xf32>,
        %swap3A_259 = vector.shape_cast %swap3A_258 : vector<1x16xf32> to vector<16xf32>
        %swap3A_260 = vector.shape_cast %add3A_254 : vector<16xf32> to vector<1x16xf32>
        tpu.vector_store %arg10[%swap3A_256, %swap3A_257], %swap3A_260 {strides = array<i32>} : memref<4x4096xf32, #tpu.memory_space<vmem>>, vector<1x16xf32>,
        %scan3A_261 = arith.constant 6 : i32
        %scan3A_262 = arith.addi %scan3A_114, %scan3A_261 : i32
        %mul3A_263 = arith.constant 1 : i32
        %mul3A_264 = arith.muli %scan3A_262, %mul3A_263 : i32
        %add3A_265 = arith.constant 0 : i32
        %add3A_266 = arith.addi %add3A_265, %mul3A_264 : i32
        %mul3A_267 = arith.constant 16 : i32
        %mul3A_268 = arith.muli %add3A_266, %mul3A_267 : i32
        %get3A_269 = arith.constant 2 : i32
        %get3A_270 = arith.index_cast %get3A_269 : i32 to index
        %get3A_271 = arith.index_cast %mul3A_268 : i32 to index
        %get3A_272 = tpu.vector_load %arg10[%get3A_270, %get3A_271] {strides = array<i32>} : memref<4x4096xf32, #tpu.memory_space<vmem>>, vector<1x16xf32>,
        %get3A_273 = vector.shape_cast %get3A_272 : vector<1x16xf32> to vector<16xf32>
        %get3A_274 = arith.constant 2 : i32
        %get3A_275 = arith.index_cast %get3A_274 : i32 to index
        %get3A_276 = arith.index_cast %mul3A_268 : i32 to index
        %get3A_277 = tpu.vector_load %arg11[%get3A_275, %get3A_276] {strides = array<i32>} : memref<4x4096xf32, #tpu.memory_space<vmem>>, vector<1x16xf32>,
        %get3A_278 = vector.shape_cast %get3A_277 : vector<1x16xf32> to vector<16xf32>
        %add3A_279 = arith.addf %get3A_273, %get3A_278 : vector<16xf32>
        %swap3A_280 = arith.constant 2 : i32
        %swap3A_281 = arith.index_cast %swap3A_280 : i32 to index
        %swap3A_282 = arith.index_cast %mul3A_268 : i32 to index
        %swap3A_283 = tpu.vector_load %arg10[%swap3A_281, %swap3A_282] {strides = array<i32>} : memref<4x4096xf32, #tpu.memory_space<vmem>>, vector<1x16xf32>,
        %swap3A_284 = vector.shape_cast %swap3A_283 : vector<1x16xf32> to vector<16xf32>
        %swap3A_285 = vector.shape_cast %add3A_279 : vector<16xf32> to vector<1x16xf32>
        tpu.vector_store %arg10[%swap3A_281, %swap3A_282], %swap3A_285 {strides = array<i32>} : memref<4x4096xf32, #tpu.memory_space<vmem>>, vector<1x16xf32>,
        %scan3A_286 = arith.constant 7 : i32
        %scan3A_287 = arith.addi %scan3A_114, %scan3A_286 : i32
        %mul3A_288 = arith.constant 1 : i32
        %mul3A_289 = arith.muli %scan3A_287, %mul3A_288 : i32
        %add3A_290 = arith.constant 0 : i32
        %add3A_291 = arith.addi %add3A_290, %mul3A_289 : i32
        %mul3A_292 = arith.constant 16 : i32
        %mul3A_293 = arith.muli %add3A_291, %mul3A_292 : i32
        %get3A_294 = arith.constant 2 : i32
        %get3A_295 = arith.index_cast %get3A_294 : i32 to index
        %get3A_296 = arith.index_cast %mul3A_293 : i32 to index
        %get3A_297 = tpu.vector_load %arg10[%get3A_295, %get3A_296] {strides = array<i32>} : memref<4x4096xf32, #tpu.memory_space<vmem>>, vector<1x16xf32>,
        %get3A_298 = vector.shape_cast %get3A_297 : vector<1x16xf32> to vector<16xf32>
        %get3A_299 = arith.constant 2 : i32
        %get3A_300 = arith.index_cast %get3A_299 : i32 to index
        %get3A_301 = arith.index_cast %mul3A_293 : i32 to index
        %get3A_302 = tpu.vector_load %arg11[%get3A_300, %get3A_301] {strides = array<i32>} : memref<4x4096xf32, #tpu.memory_space<vmem>>, vector<1x16xf32>,
        %get3A_303 = vector.shape_cast %get3A_302 : vector<1x16xf32> to vector<16xf32>
        %add3A_304 = arith.addf %get3A_298, %get3A_303 : vector<16xf32>
        %swap3A_305 = arith.constant 2 : i32
        %swap3A_306 = arith.index_cast %swap3A_305 : i32 to index
        %swap3A_307 = arith.index_cast %mul3A_293 : i32 to index
        %swap3A_308 = tpu.vector_load %arg10[%swap3A_306, %swap3A_307] {strides = array<i32>} : memref<4x4096xf32, #tpu.memory_space<vmem>>, vector<1x16xf32>,
        %swap3A_309 = vector.shape_cast %swap3A_308 : vector<1x16xf32> to vector<16xf32>
        %swap3A_310 = vector.shape_cast %add3A_304 : vector<16xf32> to vector<1x16xf32>
        tpu.vector_store %arg10[%swap3A_306, %swap3A_307], %swap3A_310 {strides = array<i32>} : memref<4x4096xf32, #tpu.memory_space<vmem>>, vector<1x16xf32>,
      }
      %scan3A_105 = arith.constant 256 : i32
      %scan3A_106 = arith.constant 0 : i32
      %scan3A_107 = arith.constant 256 : i32
      %scan3A_108 = arith.addi %scan3A_106, %scan3A_107 : i32
      %scan3A_109 = arith.constant 8 : i32
      scf.for %scan3A_114 = %scan3A_106 to %scan3A_108 step %scan3A_109  : i32 {
        %mul3A_115 = arith.constant 1 : i32
        %mul3A_116 = arith.muli %scan3A_114, %mul3A_115 : i32
        %add3A_117 = arith.constant 0 : i32
        %add3A_118 = arith.addi %add3A_117, %mul3A_116 : i32
        %mul3A_119 = arith.constant 16 : i32
        %mul3A_120 = arith.muli %add3A_118, %mul3A_119 : i32
        %get3A = arith.constant 3 : i32
        %get3A_121 = arith.index_cast %get3A : i32 to index
        %get3A_122 = arith.index_cast %mul3A_120 : i32 to index
        %get3A_123 = tpu.vector_load %arg10[%get3A_121, %get3A_122] {strides = array<i32>} : memref<4x4096xf32, #tpu.memory_space<vmem>>, vector<1x16xf32>,
        %get3A_124 = vector.shape_cast %get3A_123 : vector<1x16xf32> to vector<16xf32>
        %get3A_125 = arith.constant 3 : i32
        %get3A_126 = arith.index_cast %get3A_125 : i32 to index
        %get3A_127 = arith.index_cast %mul3A_120 : i32 to index
        %get3A_128 = tpu.vector_load %arg11[%get3A_126, %get3A_127] {strides = array<i32>} : memref<4x4096xf32, #tpu.memory_space<vmem>>, vector<1x16xf32>,
        %get3A_129 = vector.shape_cast %get3A_128 : vector<1x16xf32> to vector<16xf32>
        %add3A_130 = arith.addf %get3A_124, %get3A_129 : vector<16xf32>
        %swap3A = arith.constant 3 : i32
        %swap3A_131 = arith.index_cast %swap3A : i32 to index
        %swap3A_132 = arith.index_cast %mul3A_120 : i32 to index
        %swap3A_133 = tpu.vector_load %arg10[%swap3A_131, %swap3A_132] {strides = array<i32>} : memref<4x4096xf32, #tpu.memory_space<vmem>>, vector<1x16xf32>,
        %swap3A_134 = vector.shape_cast %swap3A_133 : vector<1x16xf32> to vector<16xf32>
        %swap3A_135 = vector.shape_cast %add3A_130 : vector<16xf32> to vector<1x16xf32>
        tpu.vector_store %arg10[%swap3A_131, %swap3A_132], %swap3A_135 {strides = array<i32>} : memref<4x4096xf32, #tpu.memory_space<vmem>>, vector<1x16xf32>,
        %scan3A_136 = arith.constant 1 : i32
        %scan3A_137 = arith.addi %scan3A_114, %scan3A_136 : i32
        %mul3A_138 = arith.constant 1 : i32
        %mul3A_139 = arith.muli %scan3A_137, %mul3A_138 : i32
        %add3A_140 = arith.constant 0 : i32
        %add3A_141 = arith.addi %add3A_140, %mul3A_139 : i32
        %mul3A_142 = arith.constant 16 : i32
        %mul3A_143 = arith.muli %add3A_141, %mul3A_142 : i32
        %get3A_144 = arith.constant 3 : i32
        %get3A_145 = arith.index_cast %get3A_144 : i32 to index
        %get3A_146 = arith.index_cast %mul3A_143 : i32 to index
        %get3A_147 = tpu.vector_load %arg10[%get3A_145, %get3A_146] {strides = array<i32>} : memref<4x4096xf32, #tpu.memory_space<vmem>>, vector<1x16xf32>,
        %get3A_148 = vector.shape_cast %get3A_147 : vector<1x16xf32> to vector<16xf32>
        %get3A_149 = arith.constant 3 : i32
        %get3A_150 = arith.index_cast %get3A_149 : i32 to index
        %get3A_151 = arith.index_cast %mul3A_143 : i32 to index
        %get3A_152 = tpu.vector_load %arg11[%get3A_150, %get3A_151] {strides = array<i32>} : memref<4x4096xf32, #tpu.memory_space<vmem>>, vector<1x16xf32>,
        %get3A_153 = vector.shape_cast %get3A_152 : vector<1x16xf32> to vector<16xf32>
        %add3A_154 = arith.addf %get3A_148, %get3A_153 : vector<16xf32>
        %swap3A_155 = arith.constant 3 : i32
        %swap3A_156 = arith.index_cast %swap3A_155 : i32 to index
        %swap3A_157 = arith.index_cast %mul3A_143 : i32 to index
        %swap3A_158 = tpu.vector_load %arg10[%swap3A_156, %swap3A_157] {strides = array<i32>} : memref<4x4096xf32, #tpu.memory_space<vmem>>, vector<1x16xf32>,
        %swap3A_159 = vector.shape_cast %swap3A_158 : vector<1x16xf32> to vector<16xf32>
        %swap3A_160 = vector.shape_cast %add3A_154 : vector<16xf32> to vector<1x16xf32>
        tpu.vector_store %arg10[%swap3A_156, %swap3A_157], %swap3A_160 {strides = array<i32>} : memref<4x4096xf32, #tpu.memory_space<vmem>>, vector<1x16xf32>,
        %scan3A_161 = arith.constant 2 : i32
        %scan3A_162 = arith.addi %scan3A_114, %scan3A_161 : i32
        %mul3A_163 = arith.constant 1 : i32
        %mul3A_164 = arith.muli %scan3A_162, %mul3A_163 : i32
        %add3A_165 = arith.constant 0 : i32
        %add3A_166 = arith.addi %add3A_165, %mul3A_164 : i32
        %mul3A_167 = arith.constant 16 : i32
        %mul3A_168 = arith.muli %add3A_166, %mul3A_167 : i32
        %get3A_169 = arith.constant 3 : i32
        %get3A_170 = arith.index_cast %get3A_169 : i32 to index
        %get3A_171 = arith.index_cast %mul3A_168 : i32 to index
        %get3A_172 = tpu.vector_load %arg10[%get3A_170, %get3A_171] {strides = array<i32>} : memref<4x4096xf32, #tpu.memory_space<vmem>>, vector<1x16xf32>,
        %get3A_173 = vector.shape_cast %get3A_172 : vector<1x16xf32> to vector<16xf32>
        %get3A_174 = arith.constant 3 : i32
        %get3A_175 = arith.index_cast %get3A_174 : i32 to index
        %get3A_176 = arith.index_cast %mul3A_168 : i32 to index
        %get3A_177 = tpu.vector_load %arg11[%get3A_175, %get3A_176] {strides = array<i32>} : memref<4x4096xf32, #tpu.memory_space<vmem>>, vector<1x16xf32>,
        %get3A_178 = vector.shape_cast %get3A_177 : vector<1x16xf32> to vector<16xf32>
        %add3A_179 = arith.addf %get3A_173, %get3A_178 : vector<16xf32>
        %swap3A_180 = arith.constant 3 : i32
        %swap3A_181 = arith.index_cast %swap3A_180 : i32 to index
        %swap3A_182 = arith.index_cast %mul3A_168 : i32 to index
        %swap3A_183 = tpu.vector_load %arg10[%swap3A_181, %swap3A_182] {strides = array<i32>} : memref<4x4096xf32, #tpu.memory_space<vmem>>, vector<1x16xf32>,
        %swap3A_184 = vector.shape_cast %swap3A_183 : vector<1x16xf32> to vector<16xf32>
        %swap3A_185 = vector.shape_cast %add3A_179 : vector<16xf32> to vector<1x16xf32>
        tpu.vector_store %arg10[%swap3A_181, %swap3A_182], %swap3A_185 {strides = array<i32>} : memref<4x4096xf32, #tpu.memory_space<vmem>>, vector<1x16xf32>,
        %scan3A_186 = arith.constant 3 : i32
        %scan3A_187 = arith.addi %scan3A_114, %scan3A_186 : i32
        %mul3A_188 = arith.constant 1 : i32
        %mul3A_189 = arith.muli %scan3A_187, %mul3A_188 : i32
        %add3A_190 = arith.constant 0 : i32
        %add3A_191 = arith.addi %add3A_190, %mul3A_189 : i32
        %mul3A_192 = arith.constant 16 : i32
        %mul3A_193 = arith.muli %add3A_191, %mul3A_192 : i32
        %get3A_194 = arith.constant 3 : i32
        %get3A_195 = arith.index_cast %get3A_194 : i32 to index
        %get3A_196 = arith.index_cast %mul3A_193 : i32 to index
        %get3A_197 = tpu.vector_load %arg10[%get3A_195, %get3A_196] {strides = array<i32>} : memref<4x4096xf32, #tpu.memory_space<vmem>>, vector<1x16xf32>,
        %get3A_198 = vector.shape_cast %get3A_197 : vector<1x16xf32> to vector<16xf32>
        %get3A_199 = arith.constant 3 : i32
        %get3A_200 = arith.index_cast %get3A_199 : i32 to index
        %get3A_201 = arith.index_cast %mul3A_193 : i32 to index
        %get3A_202 = tpu.vector_load %arg11[%get3A_200, %get3A_201] {strides = array<i32>} : memref<4x4096xf32, #tpu.memory_space<vmem>>, vector<1x16xf32>,
        %get3A_203 = vector.shape_cast %get3A_202 : vector<1x16xf32> to vector<16xf32>
        %add3A_204 = arith.addf %get3A_198, %get3A_203 : vector<16xf32>
        %swap3A_205 = arith.constant 3 : i32
        %swap3A_206 = arith.index_cast %swap3A_205 : i32 to index
        %swap3A_207 = arith.index_cast %mul3A_193 : i32 to index
        %swap3A_208 = tpu.vector_load %arg10[%swap3A_206, %swap3A_207] {strides = array<i32>} : memref<4x4096xf32, #tpu.memory_space<vmem>>, vector<1x16xf32>,
        %swap3A_209 = vector.shape_cast %swap3A_208 : vector<1x16xf32> to vector<16xf32>
        %swap3A_210 = vector.shape_cast %add3A_204 : vector<16xf32> to vector<1x16xf32>
        tpu.vector_store %arg10[%swap3A_206, %swap3A_207], %swap3A_210 {strides = array<i32>} : memref<4x4096xf32, #tpu.memory_space<vmem>>, vector<1x16xf32>,
        %scan3A_211 = arith.constant 4 : i32
        %scan3A_212 = arith.addi %scan3A_114, %scan3A_211 : i32
        %mul3A_213 = arith.constant 1 : i32
        %mul3A_214 = arith.muli %scan3A_212, %mul3A_213 : i32
        %add3A_215 = arith.constant 0 : i32
        %add3A_216 = arith.addi %add3A_215, %mul3A_214 : i32
        %mul3A_217 = arith.constant 16 : i32
        %mul3A_218 = arith.muli %add3A_216, %mul3A_217 : i32
        %get3A_219 = arith.constant 3 : i32
        %get3A_220 = arith.index_cast %get3A_219 : i32 to index
        %get3A_221 = arith.index_cast %mul3A_218 : i32 to index
        %get3A_222 = tpu.vector_load %arg10[%get3A_220, %get3A_221] {strides = array<i32>} : memref<4x4096xf32, #tpu.memory_space<vmem>>, vector<1x16xf32>,
        %get3A_223 = vector.shape_cast %get3A_222 : vector<1x16xf32> to vector<16xf32>
        %get3A_224 = arith.constant 3 : i32
        %get3A_225 = arith.index_cast %get3A_224 : i32 to index
        %get3A_226 = arith.index_cast %mul3A_218 : i32 to index
        %get3A_227 = tpu.vector_load %arg11[%get3A_225, %get3A_226] {strides = array<i32>} : memref<4x4096xf32, #tpu.memory_space<vmem>>, vector<1x16xf32>,
        %get3A_228 = vector.shape_cast %get3A_227 : vector<1x16xf32> to vector<16xf32>
        %add3A_229 = arith.addf %get3A_223, %get3A_228 : vector<16xf32>
        %swap3A_230 = arith.constant 3 : i32
        %swap3A_231 = arith.index_cast %swap3A_230 : i32 to index
        %swap3A_232 = arith.index_cast %mul3A_218 : i32 to index
        %swap3A_233 = tpu.vector_load %arg10[%swap3A_231, %swap3A_232] {strides = array<i32>} : memref<4x4096xf32, #tpu.memory_space<vmem>>, vector<1x16xf32>,
        %swap3A_234 = vector.shape_cast %swap3A_233 : vector<1x16xf32> to vector<16xf32>
        %swap3A_235 = vector.shape_cast %add3A_229 : vector<16xf32> to vector<1x16xf32>
        tpu.vector_store %arg10[%swap3A_231, %swap3A_232], %swap3A_235 {strides = array<i32>} : memref<4x4096xf32, #tpu.memory_space<vmem>>, vector<1x16xf32>,
        %scan3A_236 = arith.constant 5 : i32
        %scan3A_237 = arith.addi %scan3A_114, %scan3A_236 : i32
        %mul3A_238 = arith.constant 1 : i32
        %mul3A_239 = arith.muli %scan3A_237, %mul3A_238 : i32
        %add3A_240 = arith.constant 0 : i32
        %add3A_241 = arith.addi %add3A_240, %mul3A_239 : i32
        %mul3A_242 = arith.constant 16 : i32
        %mul3A_243 = arith.muli %add3A_241, %mul3A_242 : i32
        %get3A_244 = arith.constant 3 : i32
        %get3A_245 = arith.index_cast %get3A_244 : i32 to index
        %get3A_246 = arith.index_cast %mul3A_243 : i32 to index
        %get3A_247 = tpu.vector_load %arg10[%get3A_245, %get3A_246] {strides = array<i32>} : memref<4x4096xf32, #tpu.memory_space<vmem>>, vector<1x16xf32>,
        %get3A_248 = vector.shape_cast %get3A_247 : vector<1x16xf32> to vector<16xf32>
        %get3A_249 = arith.constant 3 : i32
        %get3A_250 = arith.index_cast %get3A_249 : i32 to index
        %get3A_251 = arith.index_cast %mul3A_243 : i32 to index
        %get3A_252 = tpu.vector_load %arg11[%get3A_250, %get3A_251] {strides = array<i32>} : memref<4x4096xf32, #tpu.memory_space<vmem>>, vector<1x16xf32>,
        %get3A_253 = vector.shape_cast %get3A_252 : vector<1x16xf32> to vector<16xf32>
        %add3A_254 = arith.addf %get3A_248, %get3A_253 : vector<16xf32>
        %swap3A_255 = arith.constant 3 : i32
        %swap3A_256 = arith.index_cast %swap3A_255 : i32 to index
        %swap3A_257 = arith.index_cast %mul3A_243 : i32 to index
        %swap3A_258 = tpu.vector_load %arg10[%swap3A_256, %swap3A_257] {strides = array<i32>} : memref<4x4096xf32, #tpu.memory_space<vmem>>, vector<1x16xf32>,
        %swap3A_259 = vector.shape_cast %swap3A_258 : vector<1x16xf32> to vector<16xf32>
        %swap3A_260 = vector.shape_cast %add3A_254 : vector<16xf32> to vector<1x16xf32>
        tpu.vector_store %arg10[%swap3A_256, %swap3A_257], %swap3A_260 {strides = array<i32>} : memref<4x4096xf32, #tpu.memory_space<vmem>>, vector<1x16xf32>,
        %scan3A_261 = arith.constant 6 : i32
        %scan3A_262 = arith.addi %scan3A_114, %scan3A_261 : i32
        %mul3A_263 = arith.constant 1 : i32
        %mul3A_264 = arith.muli %scan3A_262, %mul3A_263 : i32
        %add3A_265 = arith.constant 0 : i32
        %add3A_266 = arith.addi %add3A_265, %mul3A_264 : i32
        %mul3A_267 = arith.constant 16 : i32
        %mul3A_268 = arith.muli %add3A_266, %mul3A_267 : i32
        %get3A_269 = arith.constant 3 : i32
        %get3A_270 = arith.index_cast %get3A_269 : i32 to index
        %get3A_271 = arith.index_cast %mul3A_268 : i32 to index
        %get3A_272 = tpu.vector_load %arg10[%get3A_270, %get3A_271] {strides = array<i32>} : memref<4x4096xf32, #tpu.memory_space<vmem>>, vector<1x16xf32>,
        %get3A_273 = vector.shape_cast %get3A_272 : vector<1x16xf32> to vector<16xf32>
        %get3A_274 = arith.constant 3 : i32
        %get3A_275 = arith.index_cast %get3A_274 : i32 to index
        %get3A_276 = arith.index_cast %mul3A_268 : i32 to index
        %get3A_277 = tpu.vector_load %arg11[%get3A_275, %get3A_276] {strides = array<i32>} : memref<4x4096xf32, #tpu.memory_space<vmem>>, vector<1x16xf32>,
        %get3A_278 = vector.shape_cast %get3A_277 : vector<1x16xf32> to vector<16xf32>
        %add3A_279 = arith.addf %get3A_273, %get3A_278 : vector<16xf32>
        %swap3A_280 = arith.constant 3 : i32
        %swap3A_281 = arith.index_cast %swap3A_280 : i32 to index
        %swap3A_282 = arith.index_cast %mul3A_268 : i32 to index
        %swap3A_283 = tpu.vector_load %arg10[%swap3A_281, %swap3A_282] {strides = array<i32>} : memref<4x4096xf32, #tpu.memory_space<vmem>>, vector<1x16xf32>,
        %swap3A_284 = vector.shape_cast %swap3A_283 : vector<1x16xf32> to vector<16xf32>
        %swap3A_285 = vector.shape_cast %add3A_279 : vector<16xf32> to vector<1x16xf32>
        tpu.vector_store %arg10[%swap3A_281, %swap3A_282], %swap3A_285 {strides = array<i32>} : memref<4x4096xf32, #tpu.memory_space<vmem>>, vector<1x16xf32>,
        %scan3A_286 = arith.constant 7 : i32
        %scan3A_287 = arith.addi %scan3A_114, %scan3A_286 : i32
        %mul3A_288 = arith.constant 1 : i32
        %mul3A_289 = arith.muli %scan3A_287, %mul3A_288 : i32
        %add3A_290 = arith.constant 0 : i32
        %add3A_291 = arith.addi %add3A_290, %mul3A_289 : i32
        %mul3A_292 = arith.constant 16 : i32
        %mul3A_293 = arith.muli %add3A_291, %mul3A_292 : i32
        %get3A_294 = arith.constant 3 : i32
        %get3A_295 = arith.index_cast %get3A_294 : i32 to index
        %get3A_296 = arith.index_cast %mul3A_293 : i32 to index
        %get3A_297 = tpu.vector_load %arg10[%get3A_295, %get3A_296] {strides = array<i32>} : memref<4x4096xf32, #tpu.memory_space<vmem>>, vector<1x16xf32>,
        %get3A_298 = vector.shape_cast %get3A_297 : vector<1x16xf32> to vector<16xf32>
        %get3A_299 = arith.constant 3 : i32
        %get3A_300 = arith.index_cast %get3A_299 : i32 to index
        %get3A_301 = arith.index_cast %mul3A_293 : i32 to index
        %get3A_302 = tpu.vector_load %arg11[%get3A_300, %get3A_301] {strides = array<i32>} : memref<4x4096xf32, #tpu.memory_space<vmem>>, vector<1x16xf32>,
        %get3A_303 = vector.shape_cast %get3A_302 : vector<1x16xf32> to vector<16xf32>
        %add3A_304 = arith.addf %get3A_298, %get3A_303 : vector<16xf32>
        %swap3A_305 = arith.constant 3 : i32
        %swap3A_306 = arith.index_cast %swap3A_305 : i32 to index
        %swap3A_307 = arith.index_cast %mul3A_293 : i32 to index
        %swap3A_308 = tpu.vector_load %arg10[%swap3A_306, %swap3A_307] {strides = array<i32>} : memref<4x4096xf32, #tpu.memory_space<vmem>>, vector<1x16xf32>,
        %swap3A_309 = vector.shape_cast %swap3A_308 : vector<1x16xf32> to vector<16xf32>
        %swap3A_310 = vector.shape_cast %add3A_304 : vector<16xf32> to vector<1x16xf32>
        tpu.vector_store %arg10[%swap3A_306, %swap3A_307], %swap3A_310 {strides = array<i32>} : memref<4x4096xf32, #tpu.memory_space<vmem>>, vector<1x16xf32>,
      }
      %scan3A_110 = arith.constant 256 : i32
      %mul3A_111 = arith.constant 4 : i32
      %mul3A_112 = arith.muli %add3A_90, %mul3A_111 : i32
      %add3A_113 = arith.addi %mul3A_2, %mul3A_112 : i32
      "tpu.region"() ({
        %run_scoped3A = tpu.sem_alloc : memref<!tpu.dma_semaphore, #tpu.memory_space<semaphore_mem>>
        %dma_start3A_114 = arith.constant 0 : i32
        %dma_start3A_115 = tpu.memref_slice %arg5[%add3A_113, %dma_start3A_114] : memref<8192x4096xf32, #tpu.memory_space<hbm>> -> memref<4x4096xf32, #tpu.memory_space<hbm>>
        %dma_start3A_116 = arith.constant 0 : i32
        %dma_start3A_117 = tpu.memref_slice %arg5[%add3A_113, %dma_start3A_116] : memref<8192x4096xf32, #tpu.memory_space<hbm>> -> memref<4x4096xf32, #tpu.memory_space<hbm>>
        tpu.enqueue_dma source(%arg10 : memref<4x4096xf32, #tpu.memory_space<vmem>>) target(%dma_start3A_117 : memref<4x4096xf32, #tpu.memory_space<hbm>>) target_semaphore(%run_scoped3A : memref<!tpu.dma_semaphore, #tpu.memory_space<semaphore_mem>>)
        %dma_wait3A_118 = arith.constant 0 : i32
        %dma_wait3A_119 = tpu.memref_slice %arg5[%add3A_113, %dma_wait3A_118] : memref<8192x4096xf32, #tpu.memory_space<hbm>> -> memref<4x4096xf32, #tpu.memory_space<hbm>>
        %dma_wait3A_120 = arith.constant 0 : i32
        %dma_wait3A_121 = tpu.memref_slice %arg5[%add3A_113, %dma_wait3A_120] : memref<8192x4096xf32, #tpu.memory_space<hbm>> -> memref<4x4096xf32, #tpu.memory_space<hbm>>
        tpu.wait_dma2 semaphore(%run_scoped3A : memref<!tpu.dma_semaphore, #tpu.memory_space<semaphore_mem>>) src(%arg10 : memref<4x4096xf32, #tpu.memory_space<vmem>>) dst(%dma_wait3A_121 : memref<4x4096xf32, #tpu.memory_space<hbm>>)
        tpu.yield
      }) : () -> ()
    }
    %scan3A_19 = arith.constant 32 : i32
    return
  }
}

#map = affine_map<(d0, d1) -> (0)>
#map1 = affine_map<(d0, d1) -> (0, 0)>
module attributes {stable_mosaic.version = 14 : i64} {
  func.func @_dispatch_body(%arg0: i32, %arg1: i32, %arg2: memref<16384xi32, #tpu.memory_space<hbm>>, %arg3: memref<8192x4096xf32, #tpu.memory_space<hbm>>, %arg4: memref<16384x4096xf32, #tpu.memory_space<hbm>>, %arg5: memref<512xi32, #tpu.memory_space<vmem>>, %arg6: memref<8x4096xf32, #tpu.memory_space<vmem>>, %arg7: memref<8x4096xf32, #tpu.memory_space<vmem>>, %arg8: memref<!tpu.dma_semaphore, #tpu.memory_space<semaphore_mem>>, %arg9: memref<!tpu.dma_semaphore, #tpu.memory_space<semaphore_mem>>) attributes {dimension_semantics = [#tpu.dimension_semantics<core_parallel>, #tpu.dimension_semantics<subcore_parallel>], iteration_bounds = array<i64: 2, 16>, scalar_prefetch = 0 : i64, scratch_operands = 5 : i64, tpu.core_type = #tpu.core_type<sc_vector_subcore>, window_params = [{transform_indices = #map}, {transform_indices = #map1}, {transform_indices = #map1}]} {
    %mul3A = arith.constant 2 : i32
    %mul3A_0 = arith.muli %arg1, %mul3A : i32
    %add3A = arith.addi %mul3A_0, %arg0 : i32
    %mul3A_1 = arith.constant 512 : i32
    %mul3A_2 = arith.muli %add3A, %mul3A_1 : i32
    "tpu.region"() ({
      %run_scoped3A = tpu.sem_alloc : memref<!tpu.dma_semaphore, #tpu.memory_space<semaphore_mem>>
      %dma_start3A_11 = tpu.memref_slice %arg2[%mul3A_2] : memref<16384xi32, #tpu.memory_space<hbm>> -> memref<512xi32, #tpu.memory_space<hbm>>
      %dma_start3A_12 = tpu.memref_slice %arg2[%mul3A_2] : memref<16384xi32, #tpu.memory_space<hbm>> -> memref<512xi32, #tpu.memory_space<hbm>>
      tpu.enqueue_dma source(%dma_start3A_12 : memref<512xi32, #tpu.memory_space<hbm>>) target(%arg5 : memref<512xi32, #tpu.memory_space<vmem>>) target_semaphore(%run_scoped3A : memref<!tpu.dma_semaphore, #tpu.memory_space<semaphore_mem>>)
      %dma_wait3A = tpu.memref_slice %arg2[%mul3A_2] : memref<16384xi32, #tpu.memory_space<hbm>> -> memref<512xi32, #tpu.memory_space<hbm>>
      %dma_wait3A_13 = tpu.memref_slice %arg2[%mul3A_2] : memref<16384xi32, #tpu.memory_space<hbm>> -> memref<512xi32, #tpu.memory_space<hbm>>
      tpu.wait_dma2 semaphore(%run_scoped3A : memref<!tpu.dma_semaphore, #tpu.memory_space<semaphore_mem>>) src(%dma_wait3A_13 : memref<512xi32, #tpu.memory_space<hbm>>) dst(%arg5 : memref<512xi32, #tpu.memory_space<vmem>>)
      tpu.yield
    }) : () -> ()
    %dma_start3A = arith.constant 0 : i32
    %dma_start3A_3 = tpu.memref_slice %arg5[%dma_start3A] : memref<512xi32, #tpu.memory_space<vmem>> -> memref<8xi32, #tpu.memory_space<vmem>>
    %dma_start3A_4 = arith.constant 0 : i32
    %dma_start3A_5 = arith.constant 0 : i32
    %dma_start3A_6 = tpu.memref_slice %arg3[%dma_start3A_4, %dma_start3A_5] : memref<8192x4096xf32, #tpu.memory_space<hbm>> -> memref<8192x4096xf32, #tpu.memory_space<hbm>>
    tpu.enqueue_indirect_dma source(%dma_start3A_6 : memref<8192x4096xf32, #tpu.memory_space<hbm>>) target(%arg6 : memref<8x4096xf32, #tpu.memory_space<vmem>>) offsets(%dma_start3A_3 : memref<8xi32, #tpu.memory_space<vmem>>) semaphore(%arg8 : memref<!tpu.dma_semaphore, #tpu.memory_space<semaphore_mem>>)
    %scan3A = arith.constant 0 : i32
    %scan3A_7 = arith.constant 32 : i32
    %scan3A_8 = arith.addi %scan3A, %scan3A_7 : i32
    %scan3A_9 = arith.constant 1 : i32
    scf.for %scan3A_11 = %scan3A to %scan3A_8 step %scan3A_9  : i32 {
      %mul3A_12 = arith.constant 1 : i32
      %mul3A_13 = arith.muli %scan3A_11, %mul3A_12 : i32
      %add3A_14 = arith.constant 0 : i32
      %add3A_15 = arith.addi %add3A_14, %mul3A_13 : i32
      %mul3A_16 = arith.constant 2 : i32
      %mul3A_17 = arith.muli %mul3A_16, %add3A_15 : i32
      %add3A_18 = arith.constant 1 : i32
      %add3A_19 = arith.addi %mul3A_17, %add3A_18 : i32
      %mul3A_20 = arith.constant 8 : i32
      %mul3A_21 = arith.muli %add3A_19, %mul3A_20 : i32
      %dma_start3A_22 = tpu.memref_slice %arg5[%mul3A_21] : memref<512xi32, #tpu.memory_space<vmem>> -> memref<8xi32, #tpu.memory_space<vmem>>
      %dma_start3A_23 = arith.constant 0 : i32
      %dma_start3A_24 = arith.constant 0 : i32
      %dma_start3A_25 = tpu.memref_slice %arg3[%dma_start3A_23, %dma_start3A_24] : memref<8192x4096xf32, #tpu.memory_space<hbm>> -> memref<8192x4096xf32, #tpu.memory_space<hbm>>
      tpu.enqueue_indirect_dma source(%dma_start3A_25 : memref<8192x4096xf32, #tpu.memory_space<hbm>>) target(%arg7 : memref<8x4096xf32, #tpu.memory_space<vmem>>) offsets(%dma_start3A_22 : memref<8xi32, #tpu.memory_space<vmem>>) semaphore(%arg9 : memref<!tpu.dma_semaphore, #tpu.memory_space<semaphore_mem>>)
      %dma_wait3A = arith.constant 0 : i32
      %dma_wait3A_26 = arith.constant 0 : i32
      %dma_wait3A_27 = tpu.memref_slice %arg3[%dma_wait3A, %dma_wait3A_26] : memref<8192x4096xf32, #tpu.memory_space<hbm>> -> memref<8x4096xf32, #tpu.memory_space<hbm>>
      %dma_wait3A_28 = arith.constant 0 : i32
      %dma_wait3A_29 = arith.constant 0 : i32
      %dma_wait3A_30 = tpu.memref_slice %arg3[%dma_wait3A_28, %dma_wait3A_29] : memref<8192x4096xf32, #tpu.memory_space<hbm>> -> memref<8x4096xf32, #tpu.memory_space<hbm>>
      tpu.wait_dma2 semaphore(%arg8 : memref<!tpu.dma_semaphore, #tpu.memory_space<semaphore_mem>>) src(%dma_wait3A_30 : memref<8x4096xf32, #tpu.memory_space<hbm>>) dst(%arg6 : memref<8x4096xf32, #tpu.memory_space<vmem>>)
      %mul3A_31 = arith.constant 8 : i32
      %mul3A_32 = arith.muli %mul3A_17, %mul3A_31 : i32
      %add3A_33 = arith.addi %mul3A_2, %mul3A_32 : i32
      "tpu.region"() ({
        %run_scoped3A = tpu.sem_alloc : memref<!tpu.dma_semaphore, #tpu.memory_space<semaphore_mem>>
        %dma_start3A_47 = arith.constant 0 : i32
        %dma_start3A_48 = tpu.memref_slice %arg4[%add3A_33, %dma_start3A_47] : memref<16384x4096xf32, #tpu.memory_space<hbm>> -> memref<8x4096xf32, #tpu.memory_space<hbm>>
        %dma_start3A_49 = arith.constant 0 : i32
        %dma_start3A_50 = tpu.memref_slice %arg4[%add3A_33, %dma_start3A_49] : memref<16384x4096xf32, #tpu.memory_space<hbm>> -> memref<8x4096xf32, #tpu.memory_space<hbm>>
        tpu.enqueue_dma source(%arg6 : memref<8x4096xf32, #tpu.memory_space<vmem>>) target(%dma_start3A_50 : memref<8x4096xf32, #tpu.memory_space<hbm>>) target_semaphore(%run_scoped3A : memref<!tpu.dma_semaphore, #tpu.memory_space<semaphore_mem>>)
        %dma_wait3A_51 = arith.constant 0 : i32
        %dma_wait3A_52 = tpu.memref_slice %arg4[%add3A_33, %dma_wait3A_51] : memref<16384x4096xf32, #tpu.memory_space<hbm>> -> memref<8x4096xf32, #tpu.memory_space<hbm>>
        %dma_wait3A_53 = arith.constant 0 : i32
        %dma_wait3A_54 = tpu.memref_slice %arg4[%add3A_33, %dma_wait3A_53] : memref<16384x4096xf32, #tpu.memory_space<hbm>> -> memref<8x4096xf32, #tpu.memory_space<hbm>>
        tpu.wait_dma2 semaphore(%run_scoped3A : memref<!tpu.dma_semaphore, #tpu.memory_space<semaphore_mem>>) src(%arg6 : memref<8x4096xf32, #tpu.memory_space<vmem>>) dst(%dma_wait3A_54 : memref<8x4096xf32, #tpu.memory_space<hbm>>)
        tpu.yield
      }) : () -> ()
      %lt3A = arith.constant 31 : i32
      %lt3A_34 = arith.cmpi slt, %add3A_15, %lt3A : i32
      %convert_element_type3A = arith.extui %lt3A_34 : i1 to i32
      %cond3A = arith.constant 0 : i32
      %cond3A_35 = arith.cmpi ne, %convert_element_type3A, %cond3A : i32
      scf.if %cond3A_35 {
        %add3A_47 = arith.constant 2 : i32
        %add3A_48 = arith.addi %mul3A_17, %add3A_47 : i32
        %mul3A_49 = arith.constant 8 : i32
        %mul3A_50 = arith.muli %add3A_48, %mul3A_49 : i32
        %dma_start3A_51 = tpu.memref_slice %arg5[%mul3A_50] : memref<512xi32, #tpu.memory_space<vmem>> -> memref<8xi32, #tpu.memory_space<vmem>>
        %dma_start3A_52 = arith.constant 0 : i32
        %dma_start3A_53 = arith.constant 0 : i32
        %dma_start3A_54 = tpu.memref_slice %arg3[%dma_start3A_52, %dma_start3A_53] : memref<8192x4096xf32, #tpu.memory_space<hbm>> -> memref<8192x4096xf32, #tpu.memory_space<hbm>>
        tpu.enqueue_indirect_dma source(%dma_start3A_54 : memref<8192x4096xf32, #tpu.memory_space<hbm>>) target(%arg6 : memref<8x4096xf32, #tpu.memory_space<vmem>>) offsets(%dma_start3A_51 : memref<8xi32, #tpu.memory_space<vmem>>) semaphore(%arg8 : memref<!tpu.dma_semaphore, #tpu.memory_space<semaphore_mem>>)
      } else {
      }
      %dma_wait3A_36 = arith.constant 0 : i32
      %dma_wait3A_37 = arith.constant 0 : i32
      %dma_wait3A_38 = tpu.memref_slice %arg3[%dma_wait3A_36, %dma_wait3A_37] : memref<8192x4096xf32, #tpu.memory_space<hbm>> -> memref<8x4096xf32, #tpu.memory_space<hbm>>
      %dma_wait3A_39 = arith.constant 0 : i32
      %dma_wait3A_40 = arith.constant 0 : i32
      %dma_wait3A_41 = tpu.memref_slice %arg3[%dma_wait3A_39, %dma_wait3A_40] : memref<8192x4096xf32, #tpu.memory_space<hbm>> -> memref<8x4096xf32, #tpu.memory_space<hbm>>
      tpu.wait_dma2 semaphore(%arg9 : memref<!tpu.dma_semaphore, #tpu.memory_space<semaphore_mem>>) src(%dma_wait3A_41 : memref<8x4096xf32, #tpu.memory_space<hbm>>) dst(%arg7 : memref<8x4096xf32, #tpu.memory_space<vmem>>)
      %add3A_42 = arith.constant 1 : i32
      %add3A_43 = arith.addi %mul3A_17, %add3A_42 : i32
      %mul3A_44 = arith.constant 8 : i32
      %mul3A_45 = arith.muli %add3A_43, %mul3A_44 : i32
      %add3A_46 = arith.addi %mul3A_2, %mul3A_45 : i32
      "tpu.region"() ({
        %run_scoped3A = tpu.sem_alloc : memref<!tpu.dma_semaphore, #tpu.memory_space<semaphore_mem>>
        %dma_start3A_47 = arith.constant 0 : i32
        %dma_start3A_48 = tpu.memref_slice %arg4[%add3A_46, %dma_start3A_47] : memref<16384x4096xf32, #tpu.memory_space<hbm>> -> memref<8x4096xf32, #tpu.memory_space<hbm>>
        %dma_start3A_49 = arith.constant 0 : i32
        %dma_start3A_50 = tpu.memref_slice %arg4[%add3A_46, %dma_start3A_49] : memref<16384x4096xf32, #tpu.memory_space<hbm>> -> memref<8x4096xf32, #tpu.memory_space<hbm>>
        tpu.enqueue_dma source(%arg7 : memref<8x4096xf32, #tpu.memory_space<vmem>>) target(%dma_start3A_50 : memref<8x4096xf32, #tpu.memory_space<hbm>>) target_semaphore(%run_scoped3A : memref<!tpu.dma_semaphore, #tpu.memory_space<semaphore_mem>>)
        %dma_wait3A_51 = arith.constant 0 : i32
        %dma_wait3A_52 = tpu.memref_slice %arg4[%add3A_46, %dma_wait3A_51] : memref<16384x4096xf32, #tpu.memory_space<hbm>> -> memref<8x4096xf32, #tpu.memory_space<hbm>>
        %dma_wait3A_53 = arith.constant 0 : i32
        %dma_wait3A_54 = tpu.memref_slice %arg4[%add3A_46, %dma_wait3A_53] : memref<16384x4096xf32, #tpu.memory_space<hbm>> -> memref<8x4096xf32, #tpu.memory_space<hbm>>
        tpu.wait_dma2 semaphore(%run_scoped3A : memref<!tpu.dma_semaphore, #tpu.memory_space<semaphore_mem>>) src(%arg7 : memref<8x4096xf32, #tpu.memory_space<vmem>>) dst(%dma_wait3A_54 : memref<8x4096xf32, #tpu.memory_space<hbm>>)
        tpu.yield
      }) : () -> ()
    }
    %scan3A_10 = arith.constant 32 : i32
    return
  }
}

module attributes {stable_mosaic.version = 14 : i64} {
  func.func @_gating_body(%arg0: i32, %arg1: memref<512x4096xf32, #tpu.memory_space<vmem>>, %arg2: memref<4096x128xf32, #tpu.memory_space<vmem>>, %arg3: memref<1x128xf32, #tpu.memory_space<vmem>>, %arg4: memref<512x1xi32, #tpu.memory_space<vmem>>, %arg5: memref<512x1xi32, #tpu.memory_space<vmem>>, %arg6: memref<512x1xf32, #tpu.memory_space<vmem>>, %arg7: memref<512x1xf32, #tpu.memory_space<vmem>>) attributes {dimension_semantics = [#tpu.dimension_semantics<arbitrary>], iteration_bounds = array<i64: 16>, scalar_prefetch = 0 : i64, scratch_operands = 0 : i64, tpu.core_type = #tpu.core_type<tc>, window_params = [{transform_indices = @transform_0, window_bounds = array<i64: 512, 4096>}, {pipeline_mode = #tpu.pipeline_mode<synchronous>, transform_indices = @transform_1, window_bounds = array<i64: 4096, 128>}, {pipeline_mode = #tpu.pipeline_mode<synchronous>, transform_indices = @transform_2, window_bounds = array<i64: 1, 128>}, {transform_indices = @transform_3, window_bounds = array<i64: 512, 1>}, {transform_indices = @transform_4, window_bounds = array<i64: 512, 1>}, {transform_indices = @transform_5, window_bounds = array<i64: 512, 1>}, {transform_indices = @transform_6, window_bounds = array<i64: 512, 1>}]} {
    %get3A = arith.constant 0 : index
    %get3A_0 = arith.constant 0 : index
    %get3A_1 = vector.load %arg1[%get3A, %get3A_0] : memref<512x4096xf32, #tpu.memory_space<vmem>>, vector<512x4096xf32>
    %get3A_2 = arith.constant 0 : index
    %get3A_3 = arith.constant 0 : index
    %get3A_4 = vector.load %arg2[%get3A_2, %get3A_3] : memref<4096x128xf32, #tpu.memory_space<vmem>>, vector<4096x128xf32>
    %dot_general3A = arith.constant dense<0.000000e+00> : vector<512x128xf32>
    %dot_general3A_5 = tpu.matmul %get3A_1, %get3A_4, %dot_general3A {dimension_numbers = #tpu.dot_dimension_numbers<[1], [0], [0], [1], [0, 0, 1, 1], [], []>, transpose_lhs_hint = false} : vector<512x4096xf32>, vector<4096x128xf32>, vector<512x128xf32> -> vector<512x128xf32>
    %get3A_6 = arith.constant 0 : index
    %get3A_7 = arith.constant 0 : index
    %get3A_8 = vector.load %arg3[%get3A_6, %get3A_7] : memref<1x128xf32, #tpu.memory_space<vmem>>, vector<1x128xf32>
    %add3A = vector.broadcast %get3A_8 : vector<1x128xf32> to vector<512x128xf32>
    %add3A_9 = arith.addf %dot_general3A_5, %add3A : vector<512x128xf32>
    %iota3A = tpu.iota {dimensions = array<i32: 1>} : vector<512x128xi32>
    %lt3A = arith.constant 8 : i32
    %lt3A_10 = vector.broadcast %lt3A : i32 to vector<512x128xi32>
    %lt3A_11 = arith.cmpi slt, %iota3A, %lt3A_10 : vector<512x128xi32>
    %jit3A = arith.constant 0xFF800000 : f32
    %broadcast_in_dim3A = vector.broadcast %jit3A : f32 to vector<512x128xf32>
    %select_n3A = arith.select %lt3A_11, %add3A_9, %broadcast_in_dim3A : vector<512x128xi1>, vector<512x128xf32>
    %reduce_max3A = arith.constant dense<0xFF800000> : vector<512xf32>
    %reduce_max3A_12 = vector.multi_reduction <maximumf>, %select_n3A, %reduce_max3A [1] : vector<512x128xf32> to vector<512xf32>
    %broadcast_in_dim3A_13 = vector.shape_cast %reduce_max3A_12 : vector<512xf32> to vector<512x1xf32>
    %eq3A = vector.broadcast %broadcast_in_dim3A_13 : vector<512x1xf32> to vector<512x128xf32>
    %eq3A_14 = arith.cmpf oeq, %select_n3A, %eq3A : vector<512x128xf32>
    %and3A = arith.andi %eq3A_14, %lt3A_11 : vector<512x128xi1>
    %jit3A_15 = arith.constant -1 : i32
    %broadcast_in_dim3A_16 = vector.broadcast %jit3A_15 : i32 to vector<512x128xi32>
    %select_n3A_17 = arith.select %and3A, %iota3A, %broadcast_in_dim3A_16 : vector<512x128xi1>, vector<512x128xi32>
    %reduce_max3A_18 = arith.constant dense<-2147483648> : vector<512xi32>
    %reduce_max3A_19 = vector.multi_reduction <maxsi>, %select_n3A_17, %reduce_max3A_18 [1] : vector<512x128xi32> to vector<512xi32>
    %broadcast_in_dim3A_20 = vector.shape_cast %reduce_max3A_19 : vector<512xi32> to vector<512x1xi32>
    %eq3A_21 = vector.broadcast %broadcast_in_dim3A_20 : vector<512x1xi32> to vector<512x128xi32>
    %eq3A_22 = arith.cmpi eq, %iota3A, %eq3A_21 : vector<512x128xi32>
    %jit3A_23 = arith.constant 0xFF800000 : f32
    %broadcast_in_dim3A_24 = vector.broadcast %jit3A_23 : f32 to vector<512x128xf32>
    %select_n3A_25 = arith.select %eq3A_22, %broadcast_in_dim3A_24, %select_n3A : vector<512x128xi1>, vector<512x128xf32>
    %reduce_max3A_26 = arith.constant dense<0xFF800000> : vector<512xf32>
    %reduce_max3A_27 = vector.multi_reduction <maximumf>, %select_n3A_25, %reduce_max3A_26 [1] : vector<512x128xf32> to vector<512xf32>
    %broadcast_in_dim3A_28 = vector.shape_cast %reduce_max3A_27 : vector<512xf32> to vector<512x1xf32>
    %eq3A_29 = vector.broadcast %broadcast_in_dim3A_28 : vector<512x1xf32> to vector<512x128xf32>
    %eq3A_30 = arith.cmpf oeq, %select_n3A_25, %eq3A_29 : vector<512x128xf32>
    %and3A_31 = arith.andi %eq3A_30, %lt3A_11 : vector<512x128xi1>
    %jit3A_32 = arith.constant -1 : i32
    %broadcast_in_dim3A_33 = vector.broadcast %jit3A_32 : i32 to vector<512x128xi32>
    %select_n3A_34 = arith.select %and3A_31, %iota3A, %broadcast_in_dim3A_33 : vector<512x128xi1>, vector<512x128xi32>
    %reduce_max3A_35 = arith.constant dense<-2147483648> : vector<512xi32>
    %reduce_max3A_36 = vector.multi_reduction <maxsi>, %select_n3A_34, %reduce_max3A_35 [1] : vector<512x128xi32> to vector<512xi32>
    %broadcast_in_dim3A_37 = vector.shape_cast %reduce_max3A_36 : vector<512xi32> to vector<512x1xi32>
    %sub3A = arith.subf %broadcast_in_dim3A_28, %broadcast_in_dim3A_13 : vector<512x1xf32>
    %exp3A = math.exp %sub3A : vector<512x1xf32>
    %add3A_38 = arith.constant 1.000000e+00 : f32
    %add3A_39 = vector.broadcast %add3A_38 : f32 to vector<512x1xf32>
    %add3A_40 = arith.addf %add3A_39, %exp3A : vector<512x1xf32>
    %swap3A = arith.constant 0 : index
    %swap3A_41 = arith.constant 0 : index
    %swap3A_42 = vector.load %arg4[%swap3A, %swap3A_41] : memref<512x1xi32, #tpu.memory_space<vmem>>, vector<512x1xi32>
    tpu.vector_store %arg4[%swap3A, %swap3A_41], %broadcast_in_dim3A_20 {strides = array<i32>} : memref<512x1xi32, #tpu.memory_space<vmem>>, vector<512x1xi32>,
    %swap3A_43 = arith.constant 0 : index
    %swap3A_44 = arith.constant 0 : index
    %swap3A_45 = vector.load %arg5[%swap3A_43, %swap3A_44] : memref<512x1xi32, #tpu.memory_space<vmem>>, vector<512x1xi32>
    tpu.vector_store %arg5[%swap3A_43, %swap3A_44], %broadcast_in_dim3A_37 {strides = array<i32>} : memref<512x1xi32, #tpu.memory_space<vmem>>, vector<512x1xi32>,
    %div3A = arith.constant 1.000000e+00 : f32
    %div3A_46 = vector.broadcast %div3A : f32 to vector<512x1xf32>
    %div3A_47 = arith.divf %div3A_46, %add3A_40 : vector<512x1xf32>
    %swap3A_48 = arith.constant 0 : index
    %swap3A_49 = arith.constant 0 : index
    %swap3A_50 = vector.load %arg6[%swap3A_48, %swap3A_49] : memref<512x1xf32, #tpu.memory_space<vmem>>, vector<512x1xf32>
    tpu.vector_store %arg6[%swap3A_48, %swap3A_49], %div3A_47 {strides = array<i32>} : memref<512x1xf32, #tpu.memory_space<vmem>>, vector<512x1xf32>,
    %div3A_51 = arith.divf %exp3A, %add3A_40 : vector<512x1xf32>
    %swap3A_52 = arith.constant 0 : index
    %swap3A_53 = arith.constant 0 : index
    %swap3A_54 = vector.load %arg7[%swap3A_52, %swap3A_53] : memref<512x1xf32, #tpu.memory_space<vmem>>, vector<512x1xf32>
    tpu.vector_store %arg7[%swap3A_52, %swap3A_53], %div3A_51 {strides = array<i32>} : memref<512x1xf32, #tpu.memory_space<vmem>>, vector<512x1xf32>,
    return
  }
  func.func @transform_0(%arg0: i32) -> (i32, i32) {
    %c0_i32 = arith.constant 0 : i32
    %c0_i32_0 = arith.constant 0 : i32
    return %arg0, %c0_i32 : i32, i32
  }
  func.func @transform_1(%arg0: i32) -> (i32, i32) {
    %c0_i32 = arith.constant 0 : i32
    %c0_i32_0 = arith.constant 0 : i32
    %c0_i32_1 = arith.constant 0 : i32
    return %c0_i32, %c0_i32_0 : i32, i32
  }
  func.func @transform_2(%arg0: i32) -> (i32, i32) {
    %c0_i32 = arith.constant 0 : i32
    %c0_i32_0 = arith.constant 0 : i32
    %c0_i32_1 = arith.constant 0 : i32
    return %c0_i32, %c0_i32_0 : i32, i32
  }
  func.func @transform_3(%arg0: i32) -> (i32, i32) {
    %c0_i32 = arith.constant 0 : i32
    %c0_i32_0 = arith.constant 0 : i32
    return %arg0, %c0_i32 : i32, i32
  }
  func.func @transform_4(%arg0: i32) -> (i32, i32) {
    %c0_i32 = arith.constant 0 : i32
    %c0_i32_0 = arith.constant 0 : i32
    return %arg0, %c0_i32 : i32, i32
  }
  func.func @transform_5(%arg0: i32) -> (i32, i32) {
    %c0_i32 = arith.constant 0 : i32
    %c0_i32_0 = arith.constant 0 : i32
    return %arg0, %c0_i32 : i32, i32
  }
  func.func @transform_6(%arg0: i32) -> (i32, i32) {
    %c0_i32 = arith.constant 0 : i32
    %c0_i32_0 = arith.constant 0 : i32
    return %arg0, %c0_i32 : i32, i32
  }
}

module attributes {stable_mosaic.version = 14 : i64} {
  func.func @_gmm_body(%arg0: i32, %arg1: i32, %arg2: memref<39xi32, #tpu.memory_space<smem>>, %arg3: memref<39xi32, #tpu.memory_space<smem>>, %arg4: memref<9xi32, #tpu.memory_space<smem>>, %arg5: memref<512x4096xf32, #tpu.memory_space<vmem>>, %arg6: memref<1x4096x2048xbf16, #tpu.memory_space<vmem>>, %arg7: memref<1x1x2048xf32, #tpu.memory_space<vmem>>, %arg8: memref<512x1xf32, #tpu.memory_space<vmem>>, %arg9: memref<512x2048xf32, #tpu.memory_space<vmem>>) attributes {dimension_semantics = [#tpu.dimension_semantics<arbitrary>, #tpu.dimension_semantics<arbitrary>], iteration_bounds = array<i64: 2, 39>, scalar_prefetch = 3 : i64, scratch_operands = 0 : i64, tpu.core_type = #tpu.core_type<tc>, window_params = [{transform_indices = @transform_0, window_bounds = array<i64: 512, 4096>}, {transform_indices = @transform_1, window_bounds = array<i64: 1, 4096, 2048>}, {transform_indices = @transform_2, window_bounds = array<i64: 1, 1, 2048>}, {transform_indices = @transform_3, window_bounds = array<i64: 512, 1>}, {transform_indices = @transform_4, window_bounds = array<i64: 512, 2048>}]} {
    %get3A = arith.index_cast %arg1 : i32 to index
    %get3A_0 = memref.load %arg3[%get3A] : memref<39xi32, #tpu.memory_space<smem>>
    %get3A_1 = arith.index_cast %arg1 : i32 to index
    %get3A_2 = memref.load %arg2[%get3A_1] : memref<39xi32, #tpu.memory_space<smem>>
    %mul3A = arith.constant 512 : i32
    %mul3A_3 = arith.muli %get3A_2, %mul3A : i32
    %get3A_4 = arith.index_cast %get3A_0 : i32 to index
    %get3A_5 = memref.load %arg4[%get3A_4] : memref<9xi32, #tpu.memory_space<smem>>
    %sub3A = arith.subi %get3A_5, %mul3A_3 : i32
    %add3A = arith.constant 1 : i32
    %add3A_6 = arith.addi %get3A_0, %add3A : i32
    %get3A_7 = arith.index_cast %add3A_6 : i32 to index
    %get3A_8 = memref.load %arg4[%get3A_7] : memref<9xi32, #tpu.memory_space<smem>>
    %sub3A_9 = arith.subi %get3A_8, %mul3A_3 : i32
    %get3A_10 = arith.constant 0 : index
    %get3A_11 = arith.constant 0 : index
    %get3A_12 = vector.load %arg5[%get3A_10, %get3A_11] : memref<512x4096xf32, #tpu.memory_space<vmem>>, vector<512x4096xf32>
    %convert_element_type3A = arith.truncf %get3A_12 : vector<512x4096xf32> to vector<512x4096xbf16>
    %get3A_13 = arith.constant 0 : index
    %get3A_14 = arith.constant 0 : index
    %get3A_15 = arith.constant 0 : index
    %get3A_16 = vector.load %arg6[%get3A_13, %get3A_14, %get3A_15] : memref<1x4096x2048xbf16, #tpu.memory_space<vmem>>, vector<1x4096x2048xbf16>
    %get3A_17 = vector.shape_cast %get3A_16 : vector<1x4096x2048xbf16> to vector<4096x2048xbf16>
    %dot_general3A = arith.constant dense<0.000000e+00> : vector<512x2048xf32>
    %dot_general3A_18 = tpu.matmul %convert_element_type3A, %get3A_17, %dot_general3A {dimension_numbers = #tpu.dot_dimension_numbers<[1], [0], [0], [1], [0, 0, 1, 1], [], []>, transpose_lhs_hint = false} : vector<512x4096xbf16>, vector<4096x2048xbf16>, vector<512x2048xf32> -> vector<512x2048xf32>
    %get3A_19 = arith.constant 0 : index
    %get3A_20 = arith.constant 0 : index
    %get3A_21 = arith.constant 0 : index
    %get3A_22 = vector.load %arg7[%get3A_19, %get3A_20, %get3A_21] : memref<1x1x2048xf32, #tpu.memory_space<vmem>>, vector<1x1x2048xf32>
    %get3A_23 = vector.shape_cast %get3A_22 : vector<1x1x2048xf32> to vector<1x2048xf32>
    %add3A_24 = vector.broadcast %get3A_23 : vector<1x2048xf32> to vector<512x2048xf32>
    %add3A_25 = arith.addf %dot_general3A_18, %add3A_24 : vector<512x2048xf32>
    %get3A_26 = arith.constant 0 : index
    %get3A_27 = arith.constant 0 : index
    %get3A_28 = vector.load %arg8[%get3A_26, %get3A_27] : memref<512x1xf32, #tpu.memory_space<vmem>>, vector<512x1xf32>
    %mul3A_29 = vector.broadcast %get3A_28 : vector<512x1xf32> to vector<512x2048xf32>
    %mul3A_30 = arith.mulf %add3A_25, %mul3A_29 : vector<512x2048xf32>
    %iota3A = tpu.iota {dimensions = array<i32: 0>} : vector<512x2048xi32>
    %ge3A = vector.broadcast %sub3A : i32 to vector<512x2048xi32>
    %ge3A_31 = arith.cmpi sge, %iota3A, %ge3A : vector<512x2048xi32>
    %lt3A = vector.broadcast %sub3A_9 : i32 to vector<512x2048xi32>
    %lt3A_32 = arith.cmpi slt, %iota3A, %lt3A : vector<512x2048xi32>
    %and3A = arith.andi %ge3A_31, %lt3A_32 : vector<512x2048xi1>
    %get3A_33 = arith.constant 0 : index
    %get3A_34 = arith.constant 0 : index
    %get3A_35 = vector.load %arg9[%get3A_33, %get3A_34] : memref<512x2048xf32, #tpu.memory_space<vmem>>, vector<512x2048xf32>
    %select_n3A = arith.select %and3A, %mul3A_30, %get3A_35 : vector<512x2048xi1>, vector<512x2048xf32>
    %swap3A = arith.constant 0 : index
    %swap3A_36 = arith.constant 0 : index
    %swap3A_37 = vector.load %arg9[%swap3A, %swap3A_36] : memref<512x2048xf32, #tpu.memory_space<vmem>>, vector<512x2048xf32>
    tpu.vector_store %arg9[%swap3A, %swap3A_36], %select_n3A {strides = array<i32>} : memref<512x2048xf32, #tpu.memory_space<vmem>>, vector<512x2048xf32>,
    return
  }
  func.func @transform_0(%arg0: i32, %arg1: i32, %arg2: memref<39xi32, #tpu.memory_space<smem>>, %arg3: memref<39xi32, #tpu.memory_space<smem>>, %arg4: memref<9xi32, #tpu.memory_space<smem>>) -> (i32, i32) {
    %get3A = arith.index_cast %arg1 : i32 to index
    %get3A_0 = memref.load %arg2[%get3A] : memref<39xi32, #tpu.memory_space<smem>>
    %c0_i32 = arith.constant 0 : i32
    %c0_i32_1 = arith.constant 0 : i32
    return %get3A_0, %c0_i32 : i32, i32
  }
  func.func @transform_1(%arg0: i32, %arg1: i32, %arg2: memref<39xi32, #tpu.memory_space<smem>>, %arg3: memref<39xi32, #tpu.memory_space<smem>>, %arg4: memref<9xi32, #tpu.memory_space<smem>>) -> (i32, i32, i32) {
    %get3A = arith.index_cast %arg1 : i32 to index
    %get3A_0 = memref.load %arg3[%get3A] : memref<39xi32, #tpu.memory_space<smem>>
    %c0_i32 = arith.constant 0 : i32
    %c0_i32_1 = arith.constant 0 : i32
    return %get3A_0, %c0_i32, %arg0 : i32, i32, i32
  }
  func.func @transform_2(%arg0: i32, %arg1: i32, %arg2: memref<39xi32, #tpu.memory_space<smem>>, %arg3: memref<39xi32, #tpu.memory_space<smem>>, %arg4: memref<9xi32, #tpu.memory_space<smem>>) -> (i32, i32, i32) {
    %get3A = arith.index_cast %arg1 : i32 to index
    %get3A_0 = memref.load %arg3[%get3A] : memref<39xi32, #tpu.memory_space<smem>>
    %c0_i32 = arith.constant 0 : i32
    %c0_i32_1 = arith.constant 0 : i32
    return %get3A_0, %c0_i32, %arg0 : i32, i32, i32
  }
  func.func @transform_3(%arg0: i32, %arg1: i32, %arg2: memref<39xi32, #tpu.memory_space<smem>>, %arg3: memref<39xi32, #tpu.memory_space<smem>>, %arg4: memref<9xi32, #tpu.memory_space<smem>>) -> (i32, i32) {
    %get3A = arith.index_cast %arg1 : i32 to index
    %get3A_0 = memref.load %arg2[%get3A] : memref<39xi32, #tpu.memory_space<smem>>
    %c0_i32 = arith.constant 0 : i32
    %c0_i32_1 = arith.constant 0 : i32
    return %get3A_0, %c0_i32 : i32, i32
  }
  func.func @transform_4(%arg0: i32, %arg1: i32, %arg2: memref<39xi32, #tpu.memory_space<smem>>, %arg3: memref<39xi32, #tpu.memory_space<smem>>, %arg4: memref<9xi32, #tpu.memory_space<smem>>) -> (i32, i32) {
    %get3A = arith.index_cast %arg1 : i32 to index
    %get3A_0 = memref.load %arg2[%get3A] : memref<39xi32, #tpu.memory_space<smem>>
    %c0_i32 = arith.constant 0 : i32
    return %get3A_0, %arg0 : i32, i32
  }
}

</mosaic_0001>

<sc_bundles>
// kernel: gather_offload_async_start
scs
__scs_entry_jumppad:
0x0: {  	(pc) =	sbr.rel $0x88, $3  }
0x1: {  	(tag) =	ssettag $0x0;
	lr =	simm.s32 $0x1  }
0x2: {  	[smem:$0x3F9C] =	sst lr;
	_ =	strace $0xD0000000  }
0x3: {  	_ = 	snop  }
0x4: {  	_ = 	snop  }
0x5: {  	_ = 	snop  }
0x6: {  	_ = 	snop  }
0x7: {  	_ = 	snop  }
__scs_overlays_trampoline_lowered:
0x8: {  	[smem:$0x3FAB] =	sst s0  }
0x9: {  	[smem:$0x3FAC] =	sst s1  }
0xa: {  	[smem:$0x3FAD] =	sst s2  }
0xb: {  	[smem:$0x3FAE] =	sst s3  }
0xc: {  	[smem:$0x3FAF] =	sst s4  }
0xd: {  	[smem:$0x3FB0] =	sst s5  }
0xe: {  	[smem:$0x3FB1] =	sst s6  }
0xf: {  	[smem:$0x3FB2] =	sst s7  }
0x10: {  	[smem:$0x3FB3] =	sst s8  }
0x11: {  	[smem:$0x3FB4] =	sst s9;
	s0 =	simm.s32 @!p0 $0x0  }
0x12: {  	s1 =	sld [smem:$0x3F9A];
	s0 =	simm.s32 @p0 $0x1  }
0x13: {  	[smem:$0x3FB5] =	sst s0;
	s0 =	simm.s32 @!p1 $0x0  }
0x14: {  	s2 =	sld [smem:$0x3F99];
	s0 =	simm.s32 @p1 $0x1  }
0x15: {  	[smem:$0x3FB6] =	sst s0;
	s0 =	simm.s32 @!p2 $0x0  }
0x16: {  	s3 =	sld [smem:$0x3FDB];
	s0 =	simm.s32 @p2 $0x1  }
0x17: {  	s4 =	simm.s32 $0x1BF5;
	[smem:$0x3FB8] =	sst s0  }
0x18: {  	s0 =	sld [smem:$0x3F9B];
	_ =	swait.ge [sflag:s4], $0x0  }
0x19: {  	s7 =	sld [smem:$0x3F9C]  }
0x1a: {  	s8 =	sadd.s32 $0xFFFFE003, lr  }
0x1b: {  	s9 =	sadd.s32 $0xFFFFFEF7, lr;
	s5 =	simm.s32 $0xFFFFFFFF;
	p2 =	slt.u32 s8, $0xFFFFF086  }
0x1c: {  	p1 =	slt.u32 s9, $0xF7A;
	s5 =	simm.s32 @!p2 $0x0  }
0x1d: {  	s5 =	simm.s32 @p1 $0x1;
	p0 =	seq.s32 s7, s2  }
0x1e: {  	s7 =	smul.u32 @!p0 $0xF7A, s2;
	p2 =	seq.s32 @!p0 s5, $0x0  }
0x1f: {  	s9 =	smul.u32 $0xF7A, s1;
	s8 =	simm.s32 @!p0 $0x1BF5;
	p2 =	por !p2, p0  }
0x20: {  	[sflag:s8] =	ssyncset.s32 @!p0 $0xFFFFF086;
	s6 =	sadd.s32 @!p0 s3, s7;
	s7 =	simm.s32 @!p0 $0x108  }
0x21: {  	s3 =	sadd.s32 s3, s9;
	s6 =	sadd.s32 @!p0 $0x88, s6;
	s7 =	simm.s32 @p2 $0x1082  }
0x22: {  	[simem:s7], [sflag:s8] =	dma.local @!p0 [hbm:s6], $0xF7A  }
0x23: {  	s9 =	sor.u32 $0xD0000000, s2;
	s6 =	simm.s32 $0x108;
	_ =	swait.ge @!p0 [sflag:s8], $0x0  }
0x24: {  	s3 =	sadd.s32 $0x88, s3;
	s6 =	simm.s32 @!p1 $0x1082;
	[sflag:s4] =	ssyncset.s32 $0xFFFFF086  }
0x25: {  	[simem:s6], [sflag:s4] =	dma.local [hbm:s3], $0xF7A  }
0x26: {  	[smem:$0x3F9C] =	sst s1;
	(tag) =	ssettag s2;
	_ =	strace s9  }
0x27: {  	s1 =	sld [smem:$0x3FAC]  }
0x28: {  	s2 =	sld [smem:$0x3FAD]  }
0x29: {  	s4 =	sld [smem:$0x3FAF]  }
0x2a: {  	p0 =	seq.s32 s5, $0x0;
	s5 =	sld [smem:$0x3FB0]  }
0x2b: {  	s6 =	sld [smem:$0x3FB1]  }
0x2c: {  	s7 =	sld [smem:$0x3FB2]  }
0x2d: {  	s3 =	simm.s32 $0x108;
	s8 =	sld [smem:$0x3FB3]  }
0x2e: {  	s3 =	simm.s32 @!p0 $0x1082;
	s9 =	sld [smem:$0x3FB4]  }
0x2f: {  	lr =	sadd.s32 s0, s3;
	s0 =	sld [smem:$0x3FAB]  }
0x30: {  	s3 =	sld [smem:$0x3FAE]  }
0x31: {  	[smem:$0x3FB7] =	sst s10  }
0x32: {  	s10 =	sld [smem:$0x3FB5];
	_ =	sdelay $0x3  }
0x33: {  	p0 =	seq.s32 s10, $0x1;
	s10 =	sld [smem:$0x3FB7];
	_ =	sdelay $0x3  }
0x34: {  	[smem:$0x3FB7] =	sst s10  }
0x35: {  	s10 =	sld [smem:$0x3FB6];
	_ =	sdelay $0x3  }
0x36: {  	p1 =	seq.s32 s10, $0x1;
	s10 =	sld [smem:$0x3FB7];
	_ =	sdelay $0x3  }
0x37: {  	[smem:$0x3FB7] =	sst s10  }
0x38: {  	s10 =	sld [smem:$0x3FB8]  }
0x39: {  	_ = 	snop;
	(pc) =	sbr.ind lr, $3  }
0x3a: {  	_ = 	snop  }
0x3b: {  	_ = 	snop  }
0x3c: {  	p2 =	seq.s32 s10, $0x1;
	s10 =	sld [smem:$0x3FB7]  }
0x3d: {  	_ =	shalt  }
0x3e: {  	_ =	shalt  }
0x3f: {  	_ =	shalt  }
0x40: {  	_ =	shalt  }
0x41: {  	_ =	shalt  }
0x42: {  	_ =	shalt  }
0x43: {  	_ =	shalt  }
0x44: {  	_ =	shalt  }
0x45: {  	_ =	shalt  }
0x46: {  	_ =	shalt  }
0x47: {  	_ =	shalt  }
0x48: {  	_ =	shalt  }
0x49: {  	_ =	shalt  }
0x4a: {  	_ =	shalt  }
0x4b: {  	_ =	shalt  }
0x4c: {  	_ =	shalt  }
0x4d: {  	_ =	shalt  }
0x4e: {  	_ =	shalt  }
0x4f: {  	_ =	shalt  }
0x50: {  	_ =	shalt  }
0x51: {  	_ =	shalt  }
0x52: {  	_ =	shalt  }
0x53: {  	_ =	shalt  }
0x54: {  	_ =	shalt  }
0x55: {  	_ =	shalt  }
0x56: {  	_ =	shalt  }
0x57: {  	_ =	shalt  }
0x58: {  	_ =	shalt  }
0x59: {  	_ =	shalt  }
0x5a: {  	_ =	shalt  }
0x5b: {  	_ =	shalt  }
0x5c: {  	_ =	shalt  }
0x5d: {  	_ =	shalt  }
0x5e: {  	_ =	shalt  }
0x5f: {  	_ =	shalt  }
0x60: {  	_ =	shalt  }
0x61: {  	_ =	shalt  }
0x62: {  	_ =	shalt  }
0x63: {  	_ =	shalt  }
0x64: {  	_ =	shalt  }
0x65: {  	_ =	shalt  }
0x66: {  	_ =	shalt  }
0x67: {  	_ =	shalt  }
0x68: {  	_ =	shalt  }
0x69: {  	_ =	shalt  }
0x6a: {  	_ =	shalt  }
0x6b: {  	_ =	shalt  }
0x6c: {  	_ =	shalt  }
0x6d: {  	_ =	shalt  }
0x6e: {  	_ =	shalt  }
0x6f: {  	_ =	shalt  }
0x70: {  	_ =	shalt  }
0x71: {  	_ =	shalt  }
0x72: {  	_ =	shalt  }
0x73: {  	_ =	shalt  }
0x74: {  	_ =	shalt  }
0x75: {  	_ =	shalt  }
0x76: {  	_ =	shalt  }
0x77: {  	_ =	shalt  }
0x78: {  	_ =	shalt  }
0x79: {  	_ =	shalt  }
0x7a: {  	_ =	shalt  }
0x7b: {  	_ =	shalt  }
0x7c: {  	_ =	shalt  }
0x7d: {  	_ =	shalt  }
0x7e: {  	_ =	shalt  }
0x7f: {  	_ =	shalt  }
0x80: {  	_ =	shalt  }
0x81: {  	_ =	shalt  }
0x82: {  	_ =	shalt  }
0x83: {  	_ =	shalt  }
0x84: {  	_ =	shalt  }
0x85: {  	_ =	shalt  }
0x86: {  	_ =	shalt  }
0x87: {  	_ =	shalt  }
.Lfunc_end0:
.L_simem_size_0:
called_computation_lowered:
.L_overlay_start_0:
0x88: {  	s2 =	sld [smem:$0x3FD9]  }
0x89: {  	s3 =	sld [smem:$0x3FFE];
	_ =	sdelay $0x1  }
0x8a: {  	s1 =	srdreg.scid  }
0x8b: {  	s0 =	sand.u32 $0x1, s1  }
0x8c: {  	s17 =	sshll.u32 s0, $0xA;
	s2 =	sadd.s32 s3, s2  }
0x8d: {  	s2 =	sadd.s32 s2, s17  }
0x8e: {  	[smem:$0x3FC3] =	sst s2  }
0x8f: {  	_ = 	snop  }
0x90: {  	s2 =	sld [smem:$0x3FD0];
	(tm) =	ssettm $0x1  }
0x91: {  	s18 =	sld [smem:$0x3FFB];
	_ =	sdelay $0x3  }
0x92: {  	_ =	strace s18  }
0x93: {  	s3 =	sld [smem:$0x3FFC];
	_ =	sdelay $0x3  }
0x94: {  	_ =	strace s3  }
0x95: {  	s3 =	sld [smem:$0x3FFD];
	_ =	sdelay $0x3  }
0x96: {  	_ =	strace s3  }
0x97: {  	_ =	strace $0x8FFFFFFF  }
0x98: {  	s19 =	sld [smem:$0x3FDB];
	_ =	sdelay $0x1  }
0x99: {  	s4 =	simm.s32 $_scs_section_size  }
0x9a: {  	s5 =	simm.s32 $_size__tile_overlayer_lowered;
	s6 =	simm.s32 $_tile_overlayer_lowered  }
0x9b: {  	s22 =	simm.s32 $0x1BFF;
	s21 =	sshll.u32 s6, $0x1;
	s3 =	sadd.s32 s4, s19  }
0x9c: {  	s7 =	simm.s32 $0x0;
	s20 =	sshll.u32 s5, $0x1;
	s5 =	sadd.s32 s21, s3  }
0x9d: {  	[timem:s7], [sflag:s22] =	dma.local [hbm:s5], s20  }
0x9e: {  	_ =	swait.ge [sflag:s22], s20  }
0x9f: {  	s4 =	ssub.s32 $0x0, s20;
	[sflag:s22] =	ssyncset.done $0x0  }
0xa0: {  	[sflag:s22] =	ssyncadd.s32 s4;
	_ =	sdelay $0x1  }
0xa1: {  	s23 =	simm.s32 $0x1B8B  }
0xa2: {  	_ =	swait.ge [sflag:s23], $0x1  }
0xa3: {  	[sflag:s23] =	ssyncset.done $0x0  }
0xa4: {  	s25 =	simm.s32 $0x1B8E;
	s24 =	sld [smem:$0x3FFE];
	[sflag:s23] =	ssyncadd.s32 $0xFFFFFFFF  }
0xa5: {  	s26 =	simm.s32 $execute0_lowered;
	[smem:$0x3FD2] =	sst s25  }
0xa6: {  	s5 =	sshll.u32 s26, $0x1;
	_ =	strace $0x80000046;
	[dreg:$0x1] =	wrdreg $0xFFFFFFFF  }
0xa7: {  	s28 =	simm.s32 $_size_execute0_lowered;
	s3 =	sadd.s32 s3, s5;
	[dreg:$0x0] =	wrdreg $0x0  }
0xa8: {  	s5 =	sshll.u32 s28, $0x1;
	[dreg:$0x2] =	wrdreg s3  }
0xa9: {  	[dreg:$0x3] =	wrdreg s5  }
0xaa: {  	[dreg:$0x4] =	wrdreg $0xC0  }
0xab: {  	_ =	task [dreg:s7], $0x5FFFF  }
0xac: {  	[dreg:$0x1] =	wrdreg $0xFFFFFFFF  }
0xad: {  	[dreg:$0x0] =	wrdreg $0x60  }
0xae: {  	[dreg:$0x2] =	wrdreg s2  }
0xaf: {  	[dreg:$0x3] =	wrdreg s24  }
0xb0: {  	[dreg:$0x4] =	wrdreg $0x9  }
0xb1: {  	_ =	task.clear_ibuf [dreg:s7], $0x5FFFF;
	_ =	strace $0x90000046  }
0xb2: {  	s29 =	simm.s32 $0x9;
	_ =	strace $0x80000048  }
0xb3: {  	_ =	swait.ge [sflag:s29], $0x1  }
0xb4: {  	[sflag:s29] =	ssyncadd.s32 $0xFFFFFFFF  }
0xb5: {  	_ =	strace $0x90000048  }
0xb6: {  	_ =	sfence  }
0xb7: {  	s30 =	sld [smem:$0x0];
	_ =	sdelay $0x2  }
0xb8: {  	s31 =	sshll.u32 s1, $0xD;
	s1 =	sshrl.u32 s1, $0x2  }
0xb9: {  	s3 =	sand.u32 $0x4000, s31;
	s1 =	sadd.s32 s1, s30  }
0xba: {  	s0 =	sor.u32 s3, s0;
	s1 =	sshll.u32 s1, $0x11  }
0xbb: {  	s0 =	sor.u32 s1, s0  }
0xbc: {  	s0 =	sadd.s32 $0x8F2B, s0  }
0xbd: {  	[sflag:s0] =	ssyncadd.remote.s32 $0x1  }
0xbe: {  	_ =	sfence.sel $0xFFFF  }
0xbf: {  	[dreg:$0x0] =	wrdreg $0xFFFFFFFF;
	(pc) =	sbr.abs _section_cstart, $3  }
0xc0: {  	[dreg:$0x1] =	wrdreg $0xFFFFFFFF  }
0xc1: {  	_ =	task.clear_ibuf [dreg:s7], $0x2FFFF;
	_ =	strace $0x9FFFFFFF  }
0xc2: {  	(tm) =	ssettm $0x7FFFFFFF  }
0xc3: {  	_ =	shalt  }
tec
execute0_lowered:
.L_overlay_start_1:
0x0: {  	(tag) =	ssettag $0x1  }
0x1: {  	s1 =	srdreg.scid;
	s2 =	rddreg [dreg:$0x0]  }
0x2: {  	s0 =	stileid.u32;
	s5 =	rddreg [dreg:$0x1];
	s6 =	simm.s32 $0x1  }
0x3: {  	s9 =	simm.s32 $0x1;
	s10 =	simm.s32 $0x3;
	s1 =	sshll.u32 s1, $0x8  }
0x4: {  	s13 =	simm.s32 $0x0;
	s3 =	sshll.u32 s0, $0x9;
	s4 =	sand.u32 $0x100, s1  }
0x5: {  	s12 =	simm.s32 $0x0;
	s1 =	rddreg [dreg:$0x2];
	s3 =	sor.u32 s3, s4  }
0x6: {  	_ =	strace $0x80000047;
	s4 =	sadd.s32 $0xA00, s5;
	s8 =	ssub.s32 $0x4000, s3  }
.Ltmp0:
0x7: {  	s5 =	sadd.s32 $0x1800, s5;
	s7 =	sand.u32 $0x1F00, s8;
	(pc) =	sbr.rel .LBB2_1-.Ltmp0, $4  }
0x8: {  	[sflag:s6] =	ssyncpa.u1 $0x0;
	s11 =	smov.u32 s3;
	p0 =	sne.s32 s7, $0x0  }
0x9: {  	s8 =	sshrl.u32 s8, $0xD;
	s7 =	simm.s32 $0x2;
	s9 =	simm.s32 @!p0 $0x0  }
0xa: {  	[sflag:s7] =	ssyncpa.u1 $0x0;
	p0 =	por $0x0, $0x0;
	s8 =	sadd.s32 s9, s8  }
0xb: {  	vm0 =	vmmov $0xffff;
	[sflag:s10] =	ssyncpa.u1 $0x0;
	s10 =	simm.s32 $0x0;
	s9 =	sadd.s32 $0x1, s8  }
.LBB2_4:
0xc: {  	v5 =	vshrl.u32 v1, $0xE;
	v6 =	vshll.u32 v1, $0x7  }
0xd: {  	vm1 =	veq.s32 v1, $0x80000000;
	v58 =	vand.u32 $0x7, v5;
	v59 =	vand.u32 $0x1FFF80, v6  }
0xe: {  	v1 =	vsel vm1, $0xFFFFFFFF, v58;
	v5 =	vsel vm1, $0xFFFFFF80, v59  }
0xf: {  	v3 =	vor.u32 v4, v3;
	v60 =	vand.u32 $0xFFFFFC00, v5;
	v61 =	vand.u32 $0xFFFFFC00, v1  }
0x10: {  	v2 =	vor.u32 v2, v3;
	v63 =	vand.u32 $0x380, v5;
	v62 =	vadd.s32 v61, v60  }
0x11: {  	v1 =	vand.u32 $0x7F, v1;
	v3 =	vor.u32 v63, v62  }
0x12: {  	v1 =	vor.u32 v1, v3  }
0x13: {  	[tilespmem:s15], [sflag:$0x1] =	stream.indirect_vreg.gather [hbm4b:s2+s10], $0x1, v0, vm0, $0x4038;
	[tilespmem:$0x400] =	vst v63  }
0x14: {  	(ifvalue) =	ssetifvalue $0x7FFFFFFF  }
0x15: {  	[tilespmem:s16], [sflag:$0x1] =	stream.indirect_vreg.gather [hbm4b:s2+s10], $0x1, v2, vm0, $0x4038;
	[tilespmem:$0x400] =	vst v63  }
0x16: {  	s29 =	sadd.s32 $0x10, s16;
	(ifvalue) =	ssetifvalue $0x7FFFFFFF  }
0x17: {  	[tilespmem:s29], [sflag:$0x1] =	stream.indirect_vreg.gather [hbm4b:s2+s10], $0x1, v1, vm0, $0x4038;
	[tilespmem:$0x400] =	vst v63  }
0x18: {  	_ =	swait.ge [sflag:s6], $0x100  }
0x19: {  	s30 =	sshrl.u32 s13, $0x3;
	[sflag:s6] =	ssyncset.done $0x0  }
0x1a: {  	s31 =	sand.u32 $0x7, s13;
	s15 =	sadd.s32 s5, s30;
	[sflag:s6] =	ssyncadd.s32 $0xFFFFFF00  }
0x1b: {  	[hbm4b:s15+s31] =	stream.linear.scatter [tilespmem:s14], [sflag:$0x3], $0x100, $0x38;
	[tilespmem:$0x400] =	vst v63  }
.LBB2_5:
0x1c: {  	s15 =	sadd.s32 $0x2000, s11  }
0x1d: {  	p2 =	sgt.s32 s15, $0x3FFF  }
0x1e: {  	s15 =	smov.u32 @p2 s3;
	p2 =	sne.s32 s12, s9  }
.Ltmp1:
0x1f: {  	p1 =	slt.u32 s12, $0x2;
	(pc) =	sbr.rel @!p2 .LBB2_6-.Ltmp1, $4  }
0x20: {  	s14 =	simm.s32 @!p1 $0x3  }
0x21: {  	s16 =	sadd.s32 $0x1, s12;
	_ =	swait.ge @!p1 [sflag:s14], $0x100  }
0x22: {  	s13 =	smov.u32 s11;
	p0 =	por !p0, !p0;
	[sflag:s14] =	ssyncset.done @!p1 $0x0  }
0x23: {  	s12 =	smov.u32 s16;
	s11 =	smov.u32 s15;
	[sflag:s14] =	ssyncadd.s32 @!p1 $0xFFFFFF00  }
.LBB2_1:
0x24: {  	p1 =	sge.u32 s12, s8  }
0x25: {  	s14 =	sxor.u32 @!p1 $0xFFFFFFFF, s12  }
0x26: {  	s31 =	sadd.s32 $0xFFFFFFFF, s12;
	s15 =	sshrl.u32 @!p1 s11, $0x3;
	s14 =	sshll.u32 @!p1 s14, $0x8  }
0x27: {  	s16 =	sand.u32 @!p1 $0x7, s11;
	s15 =	sadd.s32 @!p1 s4, s15;
	s14 =	sand.u32 @!p1 $0x100, s14  }
0x28: {  	[tilespmem:s14], [sflag:$0x2] =	stream.linear.gather @!p1 [hbm4b:s15+s16], $0x100, $0x38;
	[tilespmem:$0x400] =	vst v63  }
0x29: {  	p1 =	sge.u32 s31, s8  }
.Ltmp2:
0x2a: {  	_ = 	snop;
	(pc) =	sbr.rel @p1 .LBB2_5-.Ltmp2, $1  }
0x2b: {  	_ =	sdelay $0x3  }
0x2c: {  	s14 =	simm.s32 $0x1  }
0x2d: {  	_ =	swait.ge [sflag:s7], $0x100;
	s14 =	simm.s32 @!p0 $0x0  }
0x2e: {  	[sflag:s7] =	ssyncset.done $0x0;
	s14 =	sshll.u32 s14, $0x8  }
0x2f: {  	[sflag:s7] =	ssyncadd.s32 $0xFFFFFF00;
	(ifvalue) =	ssetifvalue $0x7FFFFFFF;
	v0 =	vld.msk [tilespmem:s14+$0x0 ss:$0x1], $0xffff;
	_ =	sdelay $0x4  }
0x30: {  	s15 =	sadd.s32 $0x10, s14;
	v2 =	vshrl.u32 v0, $0xE;
	v3 =	vshll.u32 v0, $0x7  }
0x31: {  	v1 =	vld.msk [tilespmem:s15+$0x0 ss:$0x1], $0xffff;
	vm1 =	veq.s32 v0, $0x80000000;
	v0 =	vand.u32 $0x7, v2;
	v2 =	vand.u32 $0x1FFF80, v3  }
0x32: {  	v0 =	vsel vm1, $0xFFFFFFFF, v0;
	v2 =	vsel vm1, $0xFFFFFF80, v2  }
0x33: {  	v3 =	vand.u32 $0xFFFFFC00, v2;
	v4 =	vand.u32 $0xFFFFFC00, v0  }
0x34: {  	v2 =	vand.u32 $0x380, v2;
	v3 =	vadd.s32 v4, v3  }
0x35: {  	v0 =	vand.u32 $0x7F, v0;
	v2 =	vor.u32 v2, v3  }
0x36: {  	v5 =	vshll.u32 v1, $0x7;
	v4 =	vshrl.u32 v1, $0xE;
	v0 =	vor.u32 v0, v2  }
0x37: {  	s16 =	sshll.u32 s12, $0x8;
	vm1 =	veq.s32 v1, $0x80000000;
	v1 =	vand.u32 $0x7, v4;
	v4 =	vand.u32 $0x1FFF80, v5  }
0x38: {  	s16 =	sand.u32 $0x100, s16;
	s18 =	sadd.s32 $0x10, s15;
	v3 =	vsel vm1, $0xFFFFFFFF, v1;
	v4 =	vsel vm1, $0xFFFFFF80, v4  }
0x39: {  	s17 =	simm.s32 $0x20;
	s15 =	sor.u32 $0x200, s14;
	s14 =	sor.u32 $0x200, s16;
	v1 =	vld.msk [tilespmem:s18+$0x0 ss:$0x1], $0xffff;
	v5 =	vand.u32 $0xFFFFFC00, v4;
	v6 =	vand.u32 $0xFFFFFC00, v3  }
0x3a: {  	s16 =	sadd.s32 $0x10, s15;
	s18 =	sadd.s32 $0x10, s18;
	(ifvalue) =	ssetifvalue $0x7FFFFFFF;
	v2 =	vand.u32 $0x7F, v3;
	v4 =	vand.u32 $0x380, v4;
	v3 =	vadd.s32 v6, v5  }
.LBB2_3:
0x3b: {  	[tilespmem:s15], [sflag:$0x1] =	stream.indirect_vreg.gather [hbm4b:s2+s10], $0x1, v0, vm0, $0x4038;
	[tilespmem:$0x400] =	vst v63  }
0x3c: {  	s17 =	sadd.s32 $0x10, s17  }
0x3d: {  	v3 =	vor.u32 v4, v3;
	p1 =	slt.u32 s17, $0xF0  }
.Ltmp3:
0x3e: {  	v4 =	vshrl.u32 v1, $0xE;
	v5 =	vshll.u32 v1, $0x7;
	s15 =	smov.u32 s16;
	v0 =	vor.u32 v2, v3;
	v2 =	vmovc v1;
	v1 =	vld.msk [tilespmem:s18+$0x0 ss:$0x1], $0xffff;
	(pc) =	sbr.rel @p1 .LBB2_3-.Ltmp3, $4  }
0x3f: {  	v3 =	vand.u32 $0x1FFF80, v5;
	vm1 =	veq.s32 v2, $0x80000000;
	v2 =	vand.u32 $0x7, v4  }
0x40: {  	v4 =	vsel vm1, $0xFFFFFFFF, v2;
	v5 =	vsel vm1, $0xFFFFFF80, v3  }
0x41: {  	v2 =	vand.u32 $0x7F, v4;
	v3 =	vand.u32 $0xFFFFFC00, v5;
	v4 =	vand.u32 $0xFFFFFC00, v4  }
0x42: {  	s16 =	sadd.s32 $0x10, s16;
	s18 =	sadd.s32 $0x10, s18;
	v3 =	vadd.s32 v4, v3;
	v4 =	vand.u32 $0x380, v5;
	(ifvalue) =	ssetifvalue $0x7FFFFFFF  }
.Ltmp4:
0x43: {  	_ = 	snop;
	(pc) =	sbr.rel .LBB2_4-.Ltmp4, $1  }
0x44: {  	_ =	sdelay $0x3  }
.LBB2_6:
0x45: {  	_ =	sfence.sel $0x180000  }
0x46: {  	s2 =	simm.s32 $0x2;
	[bflag:$0x0] =	sbarrier.arrive $0xFFFF  }
0x47: {  	s30 =	simm.s32 $0x3;
	[sflag:s2] =	ssyncpa.u1 $0x1  }
0x48: {  	s31 =	simm.s32 $0x1;
	[sflag:s30] =	ssyncpa.u1 $0x1  }
0x49: {  	[sflag:s31] =	ssyncpa.u1 $0x1  }
0x4a: {  	p0 =	sne.s32 s0, $0x0;
	_ =	strace $0x90000047  }
0x4b: {  	s0 =	sadd.s32 @!p0 $0x100000, s1;
	[bflag:$0x2] =	sbarrier.arrive $0xFFFF  }
0x4c: {  	[sflag:s0] =	ssyncadd.tile.s32 @!p0 $0x1;
	_ =	shalt  }
.Lfunc_end2:
_tile_overlayer_lowered:
.L_overlay_start_2:
0x4d: {  	(tag) =	ssettag $0x2  }
0x4e: {  	s0 =	rddreg [dreg:$0x0];
	s2 =	stileid.u32  }
0x4f: {  	s1 =	rddreg [dreg:$0x1];
	p0 =	sne.s32 s2, $0x0  }
0x50: {  	s3 =	rddreg [dreg:$0x2];
	[bflag:$0x3] =	sbarrier.arrive $0xFFFF;
	s2 =	simm.s32 @!p0 $0x1C01  }
0x51: {  	[timem:s3], [sflag:s2] =	dma.local @!p0 [hbm:s0], s1  }
0x52: {  	s0 =	simm.s32 @!p0 $0x1  }
0x53: {  	_ =	swait.ge @!p0 [sflag:s0], s1  }
0x54: {  	s1 =	ssub.s32 @!p0 $0x0, s1;
	[sflag:s0] =	ssyncset.done @!p0 $0x0  }
0x55: {  	[sflag:s0] =	ssyncadd.s32 @!p0 s1  }
0x56: {  	[bflag:$0x3] =	sbarrier.arrive $0xFFFF  }
0x57: {  	_ =	shalt  }

// kernel: kernel.6.cloned.1.call-start
scs
__scs_entry_jumppad:
0x0: {  	(pc) =	sbr.rel $0x88, $3  }
0x1: {  	(tag) =	ssettag $0x0;
	lr =	simm.s32 $0x1  }
0x2: {  	[smem:$0x3F9C] =	sst lr;
	_ =	strace $0xD0000000  }
0x3: {  	_ = 	snop  }
0x4: {  	_ = 	snop  }
0x5: {  	_ = 	snop  }
0x6: {  	_ = 	snop  }
0x7: {  	_ = 	snop  }
__scs_overlays_trampoline_lowered:
0x8: {  	[smem:$0x3FAB] =	sst s0  }
0x9: {  	[smem:$0x3FAC] =	sst s1  }
0xa: {  	[smem:$0x3FAD] =	sst s2  }
0xb: {  	[smem:$0x3FAE] =	sst s3  }
0xc: {  	[smem:$0x3FAF] =	sst s4  }
0xd: {  	[smem:$0x3FB0] =	sst s5  }
0xe: {  	[smem:$0x3FB1] =	sst s6  }
0xf: {  	[smem:$0x3FB2] =	sst s7  }
0x10: {  	[smem:$0x3FB3] =	sst s8  }
0x11: {  	[smem:$0x3FB4] =	sst s9;
	s0 =	simm.s32 @!p0 $0x0  }
0x12: {  	s1 =	sld [smem:$0x3F9A];
	s0 =	simm.s32 @p0 $0x1  }
0x13: {  	[smem:$0x3FB5] =	sst s0;
	s0 =	simm.s32 @!p1 $0x0  }
0x14: {  	s2 =	sld [smem:$0x3F99];
	s0 =	simm.s32 @p1 $0x1  }
0x15: {  	[smem:$0x3FB6] =	sst s0;
	s0 =	simm.s32 @!p2 $0x0  }
0x16: {  	s3 =	sld [smem:$0x3FDB];
	s0 =	simm.s32 @p2 $0x1  }
0x17: {  	s4 =	simm.s32 $0x1BF5;
	[smem:$0x3FB8] =	sst s0  }
0x18: {  	s0 =	sld [smem:$0x3F9B];
	_ =	swait.ge [sflag:s4], $0x0  }
0x19: {  	s7 =	sld [smem:$0x3F9C]  }
0x1a: {  	s8 =	sadd.s32 $0xFFFFE003, lr  }
0x1b: {  	s9 =	sadd.s32 $0xFFFFFEF7, lr;
	s5 =	simm.s32 $0xFFFFFFFF;
	p2 =	slt.u32 s8, $0xFFFFF086  }
0x1c: {  	p1 =	slt.u32 s9, $0xF7A;
	s5 =	simm.s32 @!p2 $0x0  }
0x1d: {  	s5 =	simm.s32 @p1 $0x1;
	p0 =	seq.s32 s7, s2  }
0x1e: {  	s7 =	smul.u32 @!p0 $0xF7A, s2;
	p2 =	seq.s32 @!p0 s5, $0x0  }
0x1f: {  	s9 =	smul.u32 $0xF7A, s1;
	s8 =	simm.s32 @!p0 $0x1BF5;
	p2 =	por !p2, p0  }
0x20: {  	[sflag:s8] =	ssyncset.s32 @!p0 $0xFFFFF086;
	s6 =	sadd.s32 @!p0 s3, s7;
	s7 =	simm.s32 @!p0 $0x108  }
0x21: {  	s3 =	sadd.s32 s3, s9;
	s6 =	sadd.s32 @!p0 $0x88, s6;
	s7 =	simm.s32 @p2 $0x1082  }
0x22: {  	[simem:s7], [sflag:s8] =	dma.local @!p0 [hbm:s6], $0xF7A  }
0x23: {  	s9 =	sor.u32 $0xD0000000, s2;
	s6 =	simm.s32 $0x108;
	_ =	swait.ge @!p0 [sflag:s8], $0x0  }
0x24: {  	s3 =	sadd.s32 $0x88, s3;
	s6 =	simm.s32 @!p1 $0x1082;
	[sflag:s4] =	ssyncset.s32 $0xFFFFF086  }
0x25: {  	[simem:s6], [sflag:s4] =	dma.local [hbm:s3], $0xF7A  }
0x26: {  	[smem:$0x3F9C] =	sst s1;
	(tag) =	ssettag s2;
	_ =	strace s9  }
0x27: {  	s1 =	sld [smem:$0x3FAC]  }
0x28: {  	s2 =	sld [smem:$0x3FAD]  }
0x29: {  	s4 =	sld [smem:$0x3FAF]  }
0x2a: {  	p0 =	seq.s32 s5, $0x0;
	s5 =	sld [smem:$0x3FB0]  }
0x2b: {  	s6 =	sld [smem:$0x3FB1]  }
0x2c: {  	s7 =	sld [smem:$0x3FB2]  }
0x2d: {  	s3 =	simm.s32 $0x108;
	s8 =	sld [smem:$0x3FB3]  }
0x2e: {  	s3 =	simm.s32 @!p0 $0x1082;
	s9 =	sld [smem:$0x3FB4]  }
0x2f: {  	lr =	sadd.s32 s0, s3;
	s0 =	sld [smem:$0x3FAB]  }
0x30: {  	s3 =	sld [smem:$0x3FAE]  }
0x31: {  	[smem:$0x3FB7] =	sst s10  }
0x32: {  	s10 =	sld [smem:$0x3FB5];
	_ =	sdelay $0x3  }
0x33: {  	p0 =	seq.s32 s10, $0x1;
	s10 =	sld [smem:$0x3FB7];
	_ =	sdelay $0x3  }
0x34: {  	[smem:$0x3FB7] =	sst s10  }
0x35: {  	s10 =	sld [smem:$0x3FB6];
	_ =	sdelay $0x3  }
0x36: {  	p1 =	seq.s32 s10, $0x1;
	s10 =	sld [smem:$0x3FB7];
	_ =	sdelay $0x3  }
0x37: {  	[smem:$0x3FB7] =	sst s10  }
0x38: {  	s10 =	sld [smem:$0x3FB8]  }
0x39: {  	_ = 	snop;
	(pc) =	sbr.ind lr, $3  }
0x3a: {  	_ = 	snop  }
0x3b: {  	_ = 	snop  }
0x3c: {  	p2 =	seq.s32 s10, $0x1;
	s10 =	sld [smem:$0x3FB7]  }
0x3d: {  	_ =	shalt  }
0x3e: {  	_ =	shalt  }
0x3f: {  	_ =	shalt  }
0x40: {  	_ =	shalt  }
0x41: {  	_ =	shalt  }
0x42: {  	_ =	shalt  }
0x43: {  	_ =	shalt  }
0x44: {  	_ =	shalt  }
0x45: {  	_ =	shalt  }
0x46: {  	_ =	shalt  }
0x47: {  	_ =	shalt  }
0x48: {  	_ =	shalt  }
0x49: {  	_ =	shalt  }
0x4a: {  	_ =	shalt  }
0x4b: {  	_ =	shalt  }
0x4c: {  	_ =	shalt  }
0x4d: {  	_ =	shalt  }
0x4e: {  	_ =	shalt  }
0x4f: {  	_ =	shalt  }
0x50: {  	_ =	shalt  }
0x51: {  	_ =	shalt  }
0x52: {  	_ =	shalt  }
0x53: {  	_ =	shalt  }
0x54: {  	_ =	shalt  }
0x55: {  	_ =	shalt  }
0x56: {  	_ =	shalt  }
0x57: {  	_ =	shalt  }
0x58: {  	_ =	shalt  }
0x59: {  	_ =	shalt  }
0x5a: {  	_ =	shalt  }
0x5b: {  	_ =	shalt  }
0x5c: {  	_ =	shalt  }
0x5d: {  	_ =	shalt  }
0x5e: {  	_ =	shalt  }
0x5f: {  	_ =	shalt  }
0x60: {  	_ =	shalt  }
0x61: {  	_ =	shalt  }
0x62: {  	_ =	shalt  }
0x63: {  	_ =	shalt  }
0x64: {  	_ =	shalt  }
0x65: {  	_ =	shalt  }
0x66: {  	_ =	shalt  }
0x67: {  	_ =	shalt  }
0x68: {  	_ =	shalt  }
0x69: {  	_ =	shalt  }
0x6a: {  	_ =	shalt  }
0x6b: {  	_ =	shalt  }
0x6c: {  	_ =	shalt  }
0x6d: {  	_ =	shalt  }
0x6e: {  	_ =	shalt  }
0x6f: {  	_ =	shalt  }
0x70: {  	_ =	shalt  }
0x71: {  	_ =	shalt  }
0x72: {  	_ =	shalt  }
0x73: {  	_ =	shalt  }
0x74: {  	_ =	shalt  }
0x75: {  	_ =	shalt  }
0x76: {  	_ =	shalt  }
0x77: {  	_ =	shalt  }
0x78: {  	_ =	shalt  }
0x79: {  	_ =	shalt  }
0x7a: {  	_ =	shalt  }
0x7b: {  	_ =	shalt  }
0x7c: {  	_ =	shalt  }
0x7d: {  	_ =	shalt  }
0x7e: {  	_ =	shalt  }
0x7f: {  	_ =	shalt  }
0x80: {  	_ =	shalt  }
0x81: {  	_ =	shalt  }
0x82: {  	_ =	shalt  }
0x83: {  	_ =	shalt  }
0x84: {  	_ =	shalt  }
0x85: {  	_ =	shalt  }
0x86: {  	_ =	shalt  }
0x87: {  	_ =	shalt  }
.Lfunc_end0:
.L_simem_size_0:
called_computation.1_lowered:
.L_overlay_start_0:
0x88: {  	s2 =	sld [smem:$0x3FD9]  }
0x89: {  	s3 =	sld [smem:$0x3FFE];
	_ =	sdelay $0x1  }
0x8a: {  	s1 =	srdreg.scid  }
0x8b: {  	s0 =	sand.u32 $0x1, s1  }
0x8c: {  	s17 =	sshll.u32 s0, $0xA;
	s2 =	sadd.s32 s3, s2  }
0x8d: {  	s2 =	sadd.s32 s2, s17  }
0x8e: {  	[smem:$0x3FC3] =	sst s2  }
0x8f: {  	_ = 	snop  }
0x90: {  	s2 =	sld [smem:$0x3FC9];
	(tm) =	ssettm $0x1  }
0x91: {  	s18 =	sld [smem:$0x3FFB];
	_ =	sdelay $0x3  }
0x92: {  	_ =	strace s18  }
0x93: {  	s3 =	sld [smem:$0x3FFC];
	_ =	sdelay $0x3  }
0x94: {  	_ =	strace s3  }
0x95: {  	s3 =	sld [smem:$0x3FFD];
	_ =	sdelay $0x3  }
0x96: {  	_ =	strace s3  }
0x97: {  	_ =	strace $0x8FFFFFFF  }
0x98: {  	s19 =	sld [smem:$0x3FDB];
	_ =	sdelay $0x1  }
0x99: {  	s4 =	simm.s32 $_scs_section_size  }
0x9a: {  	s5 =	simm.s32 $_size__tile_overlayer_lowered;
	s6 =	simm.s32 $_tile_overlayer_lowered  }
0x9b: {  	s22 =	simm.s32 $0x1BFF;
	s21 =	sshll.u32 s6, $0x1;
	s3 =	sadd.s32 s4, s19  }
0x9c: {  	s7 =	simm.s32 $0x0;
	s20 =	sshll.u32 s5, $0x1;
	s5 =	sadd.s32 s21, s3  }
0x9d: {  	[timem:s7], [sflag:s22] =	dma.local [hbm:s5], s20  }
0x9e: {  	_ =	swait.ge [sflag:s22], s20  }
0x9f: {  	s4 =	ssub.s32 $0x0, s20;
	[sflag:s22] =	ssyncset.done $0x0  }
0xa0: {  	[sflag:s22] =	ssyncadd.s32 s4;
	_ =	sdelay $0x1  }
0xa1: {  	s23 =	simm.s32 $0x1B8B  }
0xa2: {  	_ =	swait.ge [sflag:s23], $0x1  }
0xa3: {  	[sflag:s23] =	ssyncset.done $0x0  }
0xa4: {  	s25 =	simm.s32 $0x1B8E;
	s24 =	sld [smem:$0x3FFE];
	[sflag:s23] =	ssyncadd.s32 $0xFFFFFFFF  }
0xa5: {  	s26 =	simm.s32 $execute0_lowered;
	[smem:$0x3FD2] =	sst s25  }
0xa6: {  	s5 =	sshll.u32 s26, $0x1;
	_ =	strace $0x80000049;
	[dreg:$0x1] =	wrdreg $0xFFFFFFFF  }
0xa7: {  	s28 =	simm.s32 $_size_execute0_lowered;
	s3 =	sadd.s32 s3, s5;
	[dreg:$0x0] =	wrdreg $0x0  }
0xa8: {  	s5 =	sshll.u32 s28, $0x1;
	[dreg:$0x2] =	wrdreg s3  }
0xa9: {  	[dreg:$0x3] =	wrdreg s5  }
0xaa: {  	[dreg:$0x4] =	wrdreg $0xC0  }
0xab: {  	_ =	task [dreg:s7], $0x5FFFF  }
0xac: {  	[dreg:$0x1] =	wrdreg $0xFFFFFFFF  }
0xad: {  	[dreg:$0x0] =	wrdreg $0x60  }
0xae: {  	[dreg:$0x2] =	wrdreg s24  }
0xaf: {  	[dreg:$0x3] =	wrdreg s2  }
0xb0: {  	[dreg:$0x4] =	wrdreg $0x9  }
0xb1: {  	_ =	task.clear_ibuf [dreg:s7], $0x5FFFF;
	_ =	strace $0x90000049  }
0xb2: {  	s29 =	simm.s32 $0x9;
	_ =	strace $0x8000004B  }
0xb3: {  	_ =	swait.ge [sflag:s29], $0x1  }
0xb4: {  	[sflag:s29] =	ssyncadd.s32 $0xFFFFFFFF  }
0xb5: {  	_ =	strace $0x9000004B  }
0xb6: {  	_ =	sfence  }
0xb7: {  	s30 =	sld [smem:$0x0];
	_ =	sdelay $0x2  }
0xb8: {  	s31 =	sshll.u32 s1, $0xD;
	s1 =	sshrl.u32 s1, $0x2  }
0xb9: {  	s3 =	sand.u32 $0x4000, s31;
	s1 =	sadd.s32 s1, s30  }
0xba: {  	s0 =	sor.u32 s3, s0;
	s1 =	sshll.u32 s1, $0x11  }
0xbb: {  	s0 =	sor.u32 s1, s0  }
0xbc: {  	s0 =	sadd.s32 $0x8F2B, s0  }
0xbd: {  	[sflag:s0] =	ssyncadd.remote.s32 $0x1  }
0xbe: {  	_ =	sfence.sel $0xFFFF  }
0xbf: {  	[dreg:$0x0] =	wrdreg $0xFFFFFFFF;
	(pc) =	sbr.abs _section_cstart, $3  }
0xc0: {  	[dreg:$0x1] =	wrdreg $0xFFFFFFFF  }
0xc1: {  	_ =	task.clear_ibuf [dreg:s7], $0x2FFFF;
	_ =	strace $0x9FFFFFFF  }
0xc2: {  	(tm) =	ssettm $0x7FFFFFFF  }
0xc3: {  	_ =	shalt  }
tec
execute0_lowered:
.L_overlay_start_1:
0x0: {  	(tag) =	ssettag $0x1  }
0x1: {  	s0 =	rddreg [dreg:$0x0]  }
0x2: {  	s2 =	rddreg [dreg:$0x1];
	s1 =	srdreg.scid;
	s3 =	simm.s32 $0x0  }
0x3: {  	s6 =	stileid.u32;
	s18 =	simm.s32 $0x8A00;
	s19 =	simm.s32 $0x9200  }
0x4: {  	s21 =	simm.s32 $0x9A00;
	s22 =	simm.s32 $0xA200;
	s23 =	simm.s32 $0xAA00  }
0x5: {  	s24 =	simm.s32 $0xB200;
	s25 =	simm.s32 $0xBA00;
	s26 =	simm.s32 $0xC200  }
0x6: {  	s28 =	simm.s32 $0x7A00;
	s29 =	simm.s32 $0x8200;
	s30 =	simm.s32 $0x1  }
0x7: {  	s31 =	simm.s32 $0x2;
	s1 =	sand.u32 $0x1, s1;
	[smem:$0x7FF] =	sst s3  }
0x8: {  	s4 =	sshll.u32 s6, $0xA;
	_ =	strace $0x8000004A;
	[dreg:$0x4] =	wrdreg s18  }
0x9: {  	s6 =	sshll.u32 s6, $0x13;
	s8 =	sadd.s32 $0x400, s2;
	[dreg:$0x5] =	wrdreg s19  }
0xa: {  	s9 =	sadd.s32 $0x500, s2;
	s10 =	sadd.s32 $0x600, s2;
	[dreg:$0x6] =	wrdreg s21  }
0xb: {  	s11 =	sadd.s32 $0x700, s2;
	s12 =	sadd.s32 $0x800, s2;
	[dreg:$0x7] =	wrdreg s22  }
0xc: {  	s13 =	sadd.s32 $0x900, s2;
	s14 =	sadd.s32 $0xA00, s2;
	[dreg:$0x8] =	wrdreg s23  }
0xd: {  	s15 =	sadd.s32 $0xB00, s2;
	s16 =	sadd.s32 $0xC00, s2;
	[dreg:$0x9] =	wrdreg s24  }
0xe: {  	s5 =	sshll.u32 s1, $0x9;
	s17 =	ssub.s32 $0x2, s1;
	[dreg:$0xa] =	wrdreg s25  }
0xf: {  	s1 =	sshll.u32 s1, $0x12;
	[dreg:$0xb] =	wrdreg s26;
	s21 =	simm.s32 $0xD200  }
0x10: {  	s18 =	sadd.s32 $0xE00, s2;
	s22 =	simm.s32 $0xDA00;
	[dreg:$0xd] =	wrdreg s21  }
0x11: {  	s19 =	sadd.s32 $0xF00, s2;
	s23 =	simm.s32 $0xE200;
	[dreg:$0xe] =	wrdreg s22  }
0x12: {  	s24 =	simm.s32 $0xEA00;
	s25 =	simm.s32 $0xF200;
	[dreg:$0xf] =	wrdreg s23  }
0x13: {  	s26 =	simm.s32 $0xFA00;
	s4 =	sor.u32 s5, s4;
	[dreg:$0x10] =	wrdreg s24  }
0x14: {  	s7 =	sshrl.u32 s17, $0x1;
	s5 =	sadd.s32 $0x100, s2;
	[dreg:$0x11] =	wrdreg s25  }
0x15: {  	s21 =	simm.s32 $0x3;
	s22 =	simm.s32 $0x200;
	[dreg:$0x12] =	wrdreg s26  }
0x16: {  	s4 =	sshrl.u32 s4, $0x3;
	s20 =	ssub.s32 s17, s7;
	s7 =	sadd.s32 $0x300, s2  }
0x17: {  	s17 =	sadd.s32 $0xD00, s2;
	s4 =	sadd.s32 s4, s0;
	s0 =	sadd.s32 s6, s0  }
0x18: {  	v0 =	vlaneseq.u32;
	s6 =	sadd.s32 $0x200, s2;
	s0 =	sadd.s32 s1, s0;
	s1 =	simm.s32 $0xCA00  }
0x19: {  	v1 =	vshrl.u32 v0, $0x3;
	s20 =	smax.u32 s20, $0x1;
	s0 =	sadd.s32 $0x41A00, s0;
	[dreg:$0xc] =	wrdreg s1  }
0x1a: {  	vm0 =	vmmov $0xffff;
	v0 =	vand.u32 $0x7, v0;
	v1 =	vmul.u32 $0x8, v1;
	s4 =	sadd.s32 $0x41200, s4;
	[dreg:$0x3] =	wrdreg s0;
	s0 =	simm.s32 $0x0  }
.LBB2_1:
0x1b: {  	[tilespmem:s3], [sflag:$0x3] =	stream.linear.gather [hbm4b:s4+s3], $0x200, $0x38;
	[tilespmem:$0x10200] =	vst v63  }
0x1c: {  	_ =	swait.ge [sflag:s21], $0x200  }
0x1d: {  	[sflag:s21] =	ssyncset.done $0x0  }
0x1e: {  	[sflag:s21] =	ssyncadd.s32 $0xFFFFFE00  }
0x1f: {  	v2 =	vld.msk [tilespmem:$0x0], $0xff;
	_ =	sdelay $0x4  }
0x20: {  	v3 =	vshll.u32 v2, $0x5  }
0x21: {  	v2 =	vand.u32 $0x7, v2;
	v3 =	vand.u32 $0xFFFFFF00, v3  }
0x22: {  	v2 =	vor.u32 v2, v3  }
0x23: {  	v2 =	vperm.xlane v2, v0;
	_ =	sdelay $0x1  }
0x24: {  	v2 =	vadd.s32 v1, v2;
	_ =	sdelay $0x4  }
0x25: {  	[tilespmem:s22], [sflag:$0x1] =	stream.indirect_vreg.gather [hbm4b:s2+s3], $0x80, v2, vm0, $0xb8;
	[tilespmem:$0x10200] =	vst v63  }
0x26: {  	s1 =	simm.s32 $0xA00  }
0x27: {  	[tilespmem:s1], [sflag:$0x1] =	stream.indirect_vreg.gather [hbm4b:s5+s3], $0x80, v2, vm0, $0xb8;
	[tilespmem:$0x10200] =	vst v63  }
0x28: {  	s26 =	simm.s32 $0x1200  }
0x29: {  	[tilespmem:s26], [sflag:$0x1] =	stream.indirect_vreg.gather [hbm4b:s6+s3], $0x80, v2, vm0, $0xb8;
	[tilespmem:$0x10200] =	vst v63  }
0x2a: {  	s23 =	simm.s32 $0x1A00  }
0x2b: {  	[tilespmem:s23], [sflag:$0x1] =	stream.indirect_vreg.gather [hbm4b:s7+s3], $0x80, v2, vm0, $0xb8;
	[tilespmem:$0x10200] =	vst v63  }
0x2c: {  	s24 =	simm.s32 $0x2200  }
0x2d: {  	[tilespmem:s24], [sflag:$0x1] =	stream.indirect_vreg.gather [hbm4b:s8+s3], $0x80, v2, vm0, $0xb8;
	[tilespmem:$0x10200] =	vst v63  }
0x2e: {  	s25 =	simm.s32 $0x2A00  }
0x2f: {  	[tilespmem:s25], [sflag:$0x1] =	stream.indirect_vreg.gather [hbm4b:s9+s3], $0x80, v2, vm0, $0xb8;
	[tilespmem:$0x10200] =	vst v63  }
0x30: {  	s26 =	simm.s32 $0x3200  }
0x31: {  	[tilespmem:s26], [sflag:$0x1] =	stream.indirect_vreg.gather [hbm4b:s10+s3], $0x80, v2, vm0, $0xb8;
	[tilespmem:$0x10200] =	vst v63  }
0x32: {  	s23 =	simm.s32 $0x3A00  }
0x33: {  	[tilespmem:s23], [sflag:$0x1] =	stream.indirect_vreg.gather [hbm4b:s11+s3], $0x80, v2, vm0, $0xb8;
	[tilespmem:$0x10200] =	vst v63  }
0x34: {  	s24 =	simm.s32 $0x4200  }
0x35: {  	[tilespmem:s24], [sflag:$0x1] =	stream.indirect_vreg.gather [hbm4b:s12+s3], $0x80, v2, vm0, $0xb8;
	[tilespmem:$0x10200] =	vst v63  }
0x36: {  	s25 =	simm.s32 $0x4A00  }
0x37: {  	[tilespmem:s25], [sflag:$0x1] =	stream.indirect_vreg.gather [hbm4b:s13+s3], $0x80, v2, vm0, $0xb8;
	[tilespmem:$0x10200] =	vst v63  }
0x38: {  	s26 =	simm.s32 $0x5200  }
0x39: {  	[tilespmem:s26], [sflag:$0x1] =	stream.indirect_vreg.gather [hbm4b:s14+s3], $0x80, v2, vm0, $0xb8;
	[tilespmem:$0x10200] =	vst v63  }
0x3a: {  	s23 =	simm.s32 $0x5A00  }
0x3b: {  	[tilespmem:s23], [sflag:$0x1] =	stream.indirect_vreg.gather [hbm4b:s15+s3], $0x80, v2, vm0, $0xb8;
	[tilespmem:$0x10200] =	vst v63  }
0x3c: {  	s24 =	simm.s32 $0x6200  }
0x3d: {  	[tilespmem:s24], [sflag:$0x1] =	stream.indirect_vreg.gather [hbm4b:s16+s3], $0x80, v2, vm0, $0xb8;
	[tilespmem:$0x10200] =	vst v63  }
0x3e: {  	s25 =	simm.s32 $0x6A00  }
0x3f: {  	[tilespmem:s25], [sflag:$0x1] =	stream.indirect_vreg.gather [hbm4b:s17+s3], $0x80, v2, vm0, $0xb8;
	[tilespmem:$0x10200] =	vst v63  }
0x40: {  	s26 =	simm.s32 $0x7200  }
0x41: {  	[tilespmem:s26], [sflag:$0x1] =	stream.indirect_vreg.gather [hbm4b:s18+s3], $0x80, v2, vm0, $0xb8;
	[tilespmem:$0x10200] =	vst v63  }
0x42: {  	s1 =	simm.s32 $0x10;
	s23 =	simm.s32 $0x0  }
0x43: {  	[tilespmem:s28], [sflag:$0x1] =	stream.indirect_vreg.gather [hbm4b:s19+s3], $0x80, v2, vm0, $0xb8;
	[tilespmem:$0x10200] =	vst v63  }
.LBB2_2:
0x44: {  	v2 =	vld.msk [tilespmem:s1+$0xFFFFFFF8], $0xff;
	_ =	sdelay $0x4  }
0x45: {  	v3 =	vshll.u32 v2, $0x5  }
0x46: {  	v2 =	vand.u32 $0x7, v2;
	v3 =	vand.u32 $0xFFFFFF00, v3  }
0x47: {  	v2 =	vor.u32 v2, v3  }
0x48: {  	v2 =	vperm.xlane v2, v0;
	_ =	sdelay $0x1  }
0x49: {  	v2 =	vadd.s32 v1, v2;
	_ =	sdelay $0x4  }
0x4a: {  	[tilespmem:s29], [sflag:$0x2] =	stream.indirect_vreg.gather [hbm4b:s2+s3], $0x80, v2, vm0, $0xb8;
	[tilespmem:$0x10200] =	vst v63  }
0x4b: {  	s24 =	rddreg [dreg:$0x4]  }
0x4c: {  	[tilespmem:s24], [sflag:$0x2] =	stream.indirect_vreg.gather [hbm4b:s5+s3], $0x80, v2, vm0, $0xb8;
	[tilespmem:$0x10200] =	vst v63  }
0x4d: {  	s25 =	rddreg [dreg:$0x5]  }
0x4e: {  	[tilespmem:s25], [sflag:$0x2] =	stream.indirect_vreg.gather [hbm4b:s6+s3], $0x80, v2, vm0, $0xb8;
	[tilespmem:$0x10200] =	vst v63  }
0x4f: {  	s26 =	rddreg [dreg:$0x6]  }
0x50: {  	[tilespmem:s26], [sflag:$0x2] =	stream.indirect_vreg.gather [hbm4b:s7+s3], $0x80, v2, vm0, $0xb8;
	[tilespmem:$0x10200] =	vst v63  }
0x51: {  	s25 =	rddreg [dreg:$0x7]  }
0x52: {  	[tilespmem:s25], [sflag:$0x2] =	stream.indirect_vreg.gather [hbm4b:s8+s3], $0x80, v2, vm0, $0xb8;
	[tilespmem:$0x10200] =	vst v63  }
0x53: {  	s26 =	rddreg [dreg:$0x8]  }
0x54: {  	[tilespmem:s26], [sflag:$0x2] =	stream.indirect_vreg.gather [hbm4b:s9+s3], $0x80, v2, vm0, $0xb8;
	[tilespmem:$0x10200] =	vst v63  }
0x55: {  	s25 =	rddreg [dreg:$0x9]  }
0x56: {  	[tilespmem:s25], [sflag:$0x2] =	stream.indirect_vreg.gather [hbm4b:s10+s3], $0x80, v2, vm0, $0xb8;
	[tilespmem:$0x10200] =	vst v63  }
0x57: {  	s26 =	rddreg [dreg:$0xa]  }
0x58: {  	[tilespmem:s26], [sflag:$0x2] =	stream.indirect_vreg.gather [hbm4b:s11+s3], $0x80, v2, vm0, $0xb8;
	[tilespmem:$0x10200] =	vst v63  }
0x59: {  	s25 =	rddreg [dreg:$0xb]  }
0x5a: {  	[tilespmem:s25], [sflag:$0x2] =	stream.indirect_vreg.gather [hbm4b:s12+s3], $0x80, v2, vm0, $0xb8;
	[tilespmem:$0x10200] =	vst v63  }
0x5b: {  	s26 =	rddreg [dreg:$0xc]  }
0x5c: {  	[tilespmem:s26], [sflag:$0x2] =	stream.indirect_vreg.gather [hbm4b:s13+s3], $0x80, v2, vm0, $0xb8;
	[tilespmem:$0x10200] =	vst v63  }
0x5d: {  	s25 =	rddreg [dreg:$0xd]  }
0x5e: {  	[tilespmem:s25], [sflag:$0x2] =	stream.indirect_vreg.gather [hbm4b:s14+s3], $0x80, v2, vm0, $0xb8;
	[tilespmem:$0x10200] =	vst v63  }
0x5f: {  	s26 =	rddreg [dreg:$0xe]  }
0x60: {  	[tilespmem:s26], [sflag:$0x2] =	stream.indirect_vreg.gather [hbm4b:s15+s3], $0x80, v2, vm0, $0xb8;
	[tilespmem:$0x10200] =	vst v63  }
0x61: {  	s25 =	rddreg [dreg:$0xf]  }
0x62: {  	[tilespmem:s25], [sflag:$0x2] =	stream.indirect_vreg.gather [hbm4b:s16+s3], $0x80, v2, vm0, $0xb8;
	[tilespmem:$0x10200] =	vst v63  }
0x63: {  	s26 =	rddreg [dreg:$0x10]  }
0x64: {  	[tilespmem:s26], [sflag:$0x2] =	stream.indirect_vreg.gather [hbm4b:s17+s3], $0x80, v2, vm0, $0xb8;
	[tilespmem:$0x10200] =	vst v63  }
0x65: {  	s25 =	rddreg [dreg:$0x11]  }
0x66: {  	[tilespmem:s25], [sflag:$0x2] =	stream.indirect_vreg.gather [hbm4b:s18+s3], $0x80, v2, vm0, $0xb8;
	[tilespmem:$0x10200] =	vst v63  }
0x67: {  	s26 =	rddreg [dreg:$0x12]  }
0x68: {  	[tilespmem:s26], [sflag:$0x2] =	stream.indirect_vreg.gather [hbm4b:s19+s3], $0x80, v2, vm0, $0xb8;
	[tilespmem:$0x10200] =	vst v63  }
0x69: {  	_ =	swait.ge [sflag:s30], $0x8000  }
0x6a: {  	s26 =	rddreg [dreg:$0x3];
	[sflag:s30] =	ssyncset.done $0x0  }
0x6b: {  	[sflag:s30] =	ssyncadd.s32 $0xFFFF8000;
	s24 =	sadd.s32 s23, s26  }
0x6c: {  	[hbm4b:s24+s3] =	stream.linear.scatter [tilespmem:s22], [sflag:$0x3], $0x8000, $0x38;
	[tilespmem:$0x10200] =	vst v63  }
0x6d: {  	_ =	swait.ge [sflag:s21], $0x8000  }
0x6e: {  	[sflag:s21] =	ssyncset.done $0x0  }
0x6f: {  	p0 =	seq.s32 s23, $0x3E000;
	[sflag:s21] =	ssyncadd.s32 $0xFFFF8000  }
0x70: {  	v2 =	vld.msk @!p0 [tilespmem:s1+$0x0], $0xff;
	_ =	sdelay $0x4  }
0x71: {  	v3 =	vshll.u32 @!p0 v2, $0x5  }
0x72: {  	v4 =	vlaneseq.u32 @!p0;
	v2 =	vand.u32 @!p0 $0x7, v2;
	v3 =	vand.u32 @!p0 $0xFFFFFF00, v3  }
0x73: {  	v2 =	vor.u32 @!p0 v2, v3;
	v3 =	vand.u32 @!p0 $0x7, v4;
	v4 =	vshrl.u32 @!p0 v4, $0x3  }
0x74: {  	v2 =	vperm.xlane @!p0 v2, v3;
	v3 =	vmul.u32 @!p0 $0x8, v4;
	_ =	sdelay $0x1  }
0x75: {  	v2 =	vadd.s32 @!p0 v3, v2;
	_ =	sdelay $0x3  }
0x76: {  	vm1 =	vmmov @!p0 $0xffff;
	s25 =	simm.s32 @!p0 $0x0;
	s26 =	simm.s32 @!p0 $0x200  }
0x77: {  	[tilespmem:s26], [sflag:$0x1] =	stream.indirect_vreg.gather @!p0 [hbm4b:s2+s25], $0x80, v2, vm1, $0xb8;
	[tilespmem:$0x10200] =	vst v63  }
0x78: {  	s26 =	simm.s32 @!p0 $0xA00  }
0x79: {  	[tilespmem:s26], [sflag:$0x1] =	stream.indirect_vreg.gather @!p0 [hbm4b:s5+s25], $0x80, v2, vm1, $0xb8;
	[tilespmem:$0x10200] =	vst v63  }
0x7a: {  	s26 =	simm.s32 @!p0 $0x1200  }
0x7b: {  	[tilespmem:s26], [sflag:$0x1] =	stream.indirect_vreg.gather @!p0 [hbm4b:s6+s25], $0x80, v2, vm1, $0xb8;
	[tilespmem:$0x10200] =	vst v63  }
0x7c: {  	s26 =	simm.s32 @!p0 $0x1A00  }
0x7d: {  	[tilespmem:s26], [sflag:$0x1] =	stream.indirect_vreg.gather @!p0 [hbm4b:s7+s25], $0x80, v2, vm1, $0xb8;
	[tilespmem:$0x10200] =	vst v63  }
0x7e: {  	s26 =	simm.s32 @!p0 $0x2200  }
0x7f: {  	[tilespmem:s26], [sflag:$0x1] =	stream.indirect_vreg.gather @!p0 [hbm4b:s8+s25], $0x80, v2, vm1, $0xb8;
	[tilespmem:$0x10200] =	vst v63  }
0x80: {  	s26 =	simm.s32 @!p0 $0x2A00  }
0x81: {  	[tilespmem:s26], [sflag:$0x1] =	stream.indirect_vreg.gather @!p0 [hbm4b:s9+s25], $0x80, v2, vm1, $0xb8;
	[tilespmem:$0x10200] =	vst v63  }
0x82: {  	s26 =	simm.s32 @!p0 $0x3200  }
0x83: {  	[tilespmem:s26], [sflag:$0x1] =	stream.indirect_vreg.gather @!p0 [hbm4b:s10+s25], $0x80, v2, vm1, $0xb8;
	[tilespmem:$0x10200] =	vst v63  }
0x84: {  	s26 =	simm.s32 @!p0 $0x3A00  }
0x85: {  	[tilespmem:s26], [sflag:$0x1] =	stream.indirect_vreg.gather @!p0 [hbm4b:s11+s25], $0x80, v2, vm1, $0xb8;
	[tilespmem:$0x10200] =	vst v63  }
0x86: {  	s26 =	simm.s32 @!p0 $0x4200  }
0x87: {  	[tilespmem:s26], [sflag:$0x1] =	stream.indirect_vreg.gather @!p0 [hbm4b:s12+s25], $0x80, v2, vm1, $0xb8;
	[tilespmem:$0x10200] =	vst v63  }
0x88: {  	s26 =	simm.s32 @!p0 $0x4A00  }
0x89: {  	[tilespmem:s26], [sflag:$0x1] =	stream.indirect_vreg.gather @!p0 [hbm4b:s13+s25], $0x80, v2, vm1, $0xb8;
	[tilespmem:$0x10200] =	vst v63  }
0x8a: {  	s26 =	simm.s32 @!p0 $0x5200  }
0x8b: {  	[tilespmem:s26], [sflag:$0x1] =	stream.indirect_vreg.gather @!p0 [hbm4b:s14+s25], $0x80, v2, vm1, $0xb8;
	[tilespmem:$0x10200] =	vst v63  }
0x8c: {  	s26 =	simm.s32 @!p0 $0x5A00  }
0x8d: {  	[tilespmem:s26], [sflag:$0x1] =	stream.indirect_vreg.gather @!p0 [hbm4b:s15+s25], $0x80, v2, vm1, $0xb8;
	[tilespmem:$0x10200] =	vst v63  }
0x8e: {  	s26 =	simm.s32 @!p0 $0x6200  }
0x8f: {  	[tilespmem:s26], [sflag:$0x1] =	stream.indirect_vreg.gather @!p0 [hbm4b:s16+s25], $0x80, v2, vm1, $0xb8;
	[tilespmem:$0x10200] =	vst v63  }
0x90: {  	s26 =	simm.s32 @!p0 $0x6A00  }
0x91: {  	[tilespmem:s26], [sflag:$0x1] =	stream.indirect_vreg.gather @!p0 [hbm4b:s17+s25], $0x80, v2, vm1, $0xb8;
	[tilespmem:$0x10200] =	vst v63  }
0x92: {  	s26 =	simm.s32 @!p0 $0x7200  }
0x93: {  	[tilespmem:s26], [sflag:$0x1] =	stream.indirect_vreg.gather @!p0 [hbm4b:s18+s25], $0x80, v2, vm1, $0xb8;
	[tilespmem:$0x10200] =	vst v63  }
0x94: {  	s26 =	simm.s32 @!p0 $0x7A00  }
0x95: {  	[tilespmem:s26], [sflag:$0x1] =	stream.indirect_vreg.gather @!p0 [hbm4b:s19+s25], $0x80, v2, vm1, $0xb8;
	[tilespmem:$0x10200] =	vst v63  }
0x96: {  	s23 =	sadd.s32 $0x2000, s23;
	_ =	swait.ge [sflag:s31], $0x8000  }
0x97: {  	p0 =	sne.s32 s23, $0x40000;
	[sflag:s31] =	ssyncset.done $0x0  }
.Ltmp0:
0x98: {  	s24 =	sadd.s32 $0x1000, s24;
	[sflag:s31] =	ssyncadd.s32 $0xFFFF8000;
	(pc) =	sbr.rel @p0 .LBB2_2-.Ltmp0, $4  }
0x99: {  	[hbm4b:s24+s3] =	stream.linear.scatter [tilespmem:s29], [sflag:$0x3], $0x8000, $0x38;
	[tilespmem:$0x10200] =	vst v63  }
0x9a: {  	_ =	swait.ge [sflag:s21], $0x8000  }
0x9b: {  	[sflag:s21] =	ssyncset.done $0x0  }
0x9c: {  	s1 =	sadd.s32 $0x10, s1;
	[sflag:s21] =	ssyncadd.s32 $0xFFFF8000  }
0x9d: {  	s0 =	sadd.s32 $0x1, s0  }
0x9e: {  	p0 =	sne.s32 s0, s20  }
.Ltmp1:
0x9f: {  	_ = 	snop;
	(pc) =	sbr.rel @p0 .LBB2_1-.Ltmp1, $1  }
0xa0: {  	_ =	sdelay $0x3  }
0xa1: {  	_ =	sfence.sel $0x180000  }
0xa2: {  	[bflag:$0x0] =	sbarrier.arrive $0xFFFF  }
0xa3: {  	_ =	strace $0x9000004A  }
0xa4: {  	s0 =	stileid.u32;
	[bflag:$0x2] =	sbarrier.arrive $0xFFFF  }
0xa5: {  	p0 =	sne.s32 s0, $0x0;
	s0 =	rddreg [dreg:$0x2]  }
0xa6: {  	s0 =	sadd.s32 @!p0 $0x100000, s0  }
0xa7: {  	[sflag:s0] =	ssyncadd.tile.s32 @!p0 $0x1;
	_ =	shalt  }
.Lfunc_end2:
_tile_overlayer_lowered:
.L_overlay_start_2:
0xa8: {  	(tag) =	ssettag $0x2  }
0xa9: {  	s0 =	rddreg [dreg:$0x0];
	s2 =	stileid.u32  }
0xaa: {  	s1 =	rddreg [dreg:$0x1];
	p0 =	sne.s32 s2, $0x0  }
0xab: {  	s3 =	rddreg [dreg:$0x2];
	[bflag:$0x3] =	sbarrier.arrive $0xFFFF;
	s2 =	simm.s32 @!p0 $0x1C03  }
0xac: {  	[timem:s3], [sflag:s2] =	dma.local @!p0 [hbm:s0], s1  }
0xad: {  	s0 =	simm.s32 @!p0 $0x3  }
0xae: {  	_ =	swait.ge @!p0 [sflag:s0], s1  }
0xaf: {  	s1 =	ssub.s32 @!p0 $0x0, s1;
	[sflag:s0] =	ssyncset.done @!p0 $0x0  }
0xb0: {  	[sflag:s0] =	ssyncadd.s32 @!p0 s1  }
0xb1: {  	[bflag:$0x3] =	sbarrier.arrive $0xFFFF  }
0xb2: {  	_ =	shalt  }

// kernel: kernel.9.cloned.1.call-start
scs
__scs_entry_jumppad:
0x0: {  	(pc) =	sbr.rel $0x88, $3  }
0x1: {  	(tag) =	ssettag $0x0;
	lr =	simm.s32 $0x1  }
0x2: {  	[smem:$0x3F9C] =	sst lr;
	_ =	strace $0xD0000000  }
0x3: {  	_ = 	snop  }
0x4: {  	_ = 	snop  }
0x5: {  	_ = 	snop  }
0x6: {  	_ = 	snop  }
0x7: {  	_ = 	snop  }
__scs_overlays_trampoline_lowered:
0x8: {  	[smem:$0x3FAB] =	sst s0  }
0x9: {  	[smem:$0x3FAC] =	sst s1  }
0xa: {  	[smem:$0x3FAD] =	sst s2  }
0xb: {  	[smem:$0x3FAE] =	sst s3  }
0xc: {  	[smem:$0x3FAF] =	sst s4  }
0xd: {  	[smem:$0x3FB0] =	sst s5  }
0xe: {  	[smem:$0x3FB1] =	sst s6  }
0xf: {  	[smem:$0x3FB2] =	sst s7  }
0x10: {  	[smem:$0x3FB3] =	sst s8  }
0x11: {  	[smem:$0x3FB4] =	sst s9;
	s0 =	simm.s32 @!p0 $0x0  }
0x12: {  	s1 =	sld [smem:$0x3F9A];
	s0 =	simm.s32 @p0 $0x1  }
0x13: {  	[smem:$0x3FB5] =	sst s0;
	s0 =	simm.s32 @!p1 $0x0  }
0x14: {  	s2 =	sld [smem:$0x3F99];
	s0 =	simm.s32 @p1 $0x1  }
0x15: {  	[smem:$0x3FB6] =	sst s0;
	s0 =	simm.s32 @!p2 $0x0  }
0x16: {  	s3 =	sld [smem:$0x3FDB];
	s0 =	simm.s32 @p2 $0x1  }
0x17: {  	s4 =	simm.s32 $0x1BF5;
	[smem:$0x3FB8] =	sst s0  }
0x18: {  	s0 =	sld [smem:$0x3F9B];
	_ =	swait.ge [sflag:s4], $0x0  }
0x19: {  	s7 =	sld [smem:$0x3F9C]  }
0x1a: {  	s8 =	sadd.s32 $0xFFFFE003, lr  }
0x1b: {  	s9 =	sadd.s32 $0xFFFFFEF7, lr;
	s5 =	simm.s32 $0xFFFFFFFF;
	p2 =	slt.u32 s8, $0xFFFFF086  }
0x1c: {  	p1 =	slt.u32 s9, $0xF7A;
	s5 =	simm.s32 @!p2 $0x0  }
0x1d: {  	s5 =	simm.s32 @p1 $0x1;
	p0 =	seq.s32 s7, s2  }
0x1e: {  	s7 =	smul.u32 @!p0 $0xF7A, s2;
	p2 =	seq.s32 @!p0 s5, $0x0  }
0x1f: {  	s9 =	smul.u32 $0xF7A, s1;
	s8 =	simm.s32 @!p0 $0x1BF5;
	p2 =	por !p2, p0  }
0x20: {  	[sflag:s8] =	ssyncset.s32 @!p0 $0xFFFFF086;
	s6 =	sadd.s32 @!p0 s3, s7;
	s7 =	simm.s32 @!p0 $0x108  }
0x21: {  	s3 =	sadd.s32 s3, s9;
	s6 =	sadd.s32 @!p0 $0x88, s6;
	s7 =	simm.s32 @p2 $0x1082  }
0x22: {  	[simem:s7], [sflag:s8] =	dma.local @!p0 [hbm:s6], $0xF7A  }
0x23: {  	s9 =	sor.u32 $0xD0000000, s2;
	s6 =	simm.s32 $0x108;
	_ =	swait.ge @!p0 [sflag:s8], $0x0  }
0x24: {  	s3 =	sadd.s32 $0x88, s3;
	s6 =	simm.s32 @!p1 $0x1082;
	[sflag:s4] =	ssyncset.s32 $0xFFFFF086  }
0x25: {  	[simem:s6], [sflag:s4] =	dma.local [hbm:s3], $0xF7A  }
0x26: {  	[smem:$0x3F9C] =	sst s1;
	(tag) =	ssettag s2;
	_ =	strace s9  }
0x27: {  	s1 =	sld [smem:$0x3FAC]  }
0x28: {  	s2 =	sld [smem:$0x3FAD]  }
0x29: {  	s4 =	sld [smem:$0x3FAF]  }
0x2a: {  	p0 =	seq.s32 s5, $0x0;
	s5 =	sld [smem:$0x3FB0]  }
0x2b: {  	s6 =	sld [smem:$0x3FB1]  }
0x2c: {  	s7 =	sld [smem:$0x3FB2]  }
0x2d: {  	s3 =	simm.s32 $0x108;
	s8 =	sld [smem:$0x3FB3]  }
0x2e: {  	s3 =	simm.s32 @!p0 $0x1082;
	s9 =	sld [smem:$0x3FB4]  }
0x2f: {  	lr =	sadd.s32 s0, s3;
	s0 =	sld [smem:$0x3FAB]  }
0x30: {  	s3 =	sld [smem:$0x3FAE]  }
0x31: {  	[smem:$0x3FB7] =	sst s10  }
0x32: {  	s10 =	sld [smem:$0x3FB5];
	_ =	sdelay $0x3  }
0x33: {  	p0 =	seq.s32 s10, $0x1;
	s10 =	sld [smem:$0x3FB7];
	_ =	sdelay $0x3  }
0x34: {  	[smem:$0x3FB7] =	sst s10  }
0x35: {  	s10 =	sld [smem:$0x3FB6];
	_ =	sdelay $0x3  }
0x36: {  	p1 =	seq.s32 s10, $0x1;
	s10 =	sld [smem:$0x3FB7];
	_ =	sdelay $0x3  }
0x37: {  	[smem:$0x3FB7] =	sst s10  }
0x38: {  	s10 =	sld [smem:$0x3FB8]  }
0x39: {  	_ = 	snop;
	(pc) =	sbr.ind lr, $3  }
0x3a: {  	_ = 	snop  }
0x3b: {  	_ = 	snop  }
0x3c: {  	p2 =	seq.s32 s10, $0x1;
	s10 =	sld [smem:$0x3FB7]  }
0x3d: {  	_ =	shalt  }
0x3e: {  	_ =	shalt  }
0x3f: {  	_ =	shalt  }
0x40: {  	_ =	shalt  }
0x41: {  	_ =	shalt  }
0x42: {  	_ =	shalt  }
0x43: {  	_ =	shalt  }
0x44: {  	_ =	shalt  }
0x45: {  	_ =	shalt  }
0x46: {  	_ =	shalt  }
0x47: {  	_ =	shalt  }
0x48: {  	_ =	shalt  }
0x49: {  	_ =	shalt  }
0x4a: {  	_ =	shalt  }
0x4b: {  	_ =	shalt  }
0x4c: {  	_ =	shalt  }
0x4d: {  	_ =	shalt  }
0x4e: {  	_ =	shalt  }
0x4f: {  	_ =	shalt  }
0x50: {  	_ =	shalt  }
0x51: {  	_ =	shalt  }
0x52: {  	_ =	shalt  }
0x53: {  	_ =	shalt  }
0x54: {  	_ =	shalt  }
0x55: {  	_ =	shalt  }
0x56: {  	_ =	shalt  }
0x57: {  	_ =	shalt  }
0x58: {  	_ =	shalt  }
0x59: {  	_ =	shalt  }
0x5a: {  	_ =	shalt  }
0x5b: {  	_ =	shalt  }
0x5c: {  	_ =	shalt  }
0x5d: {  	_ =	shalt  }
0x5e: {  	_ =	shalt  }
0x5f: {  	_ =	shalt  }
0x60: {  	_ =	shalt  }
0x61: {  	_ =	shalt  }
0x62: {  	_ =	shalt  }
0x63: {  	_ =	shalt  }
0x64: {  	_ =	shalt  }
0x65: {  	_ =	shalt  }
0x66: {  	_ =	shalt  }
0x67: {  	_ =	shalt  }
0x68: {  	_ =	shalt  }
0x69: {  	_ =	shalt  }
0x6a: {  	_ =	shalt  }
0x6b: {  	_ =	shalt  }
0x6c: {  	_ =	shalt  }
0x6d: {  	_ =	shalt  }
0x6e: {  	_ =	shalt  }
0x6f: {  	_ =	shalt  }
0x70: {  	_ =	shalt  }
0x71: {  	_ =	shalt  }
0x72: {  	_ =	shalt  }
0x73: {  	_ =	shalt  }
0x74: {  	_ =	shalt  }
0x75: {  	_ =	shalt  }
0x76: {  	_ =	shalt  }
0x77: {  	_ =	shalt  }
0x78: {  	_ =	shalt  }
0x79: {  	_ =	shalt  }
0x7a: {  	_ =	shalt  }
0x7b: {  	_ =	shalt  }
0x7c: {  	_ =	shalt  }
0x7d: {  	_ =	shalt  }
0x7e: {  	_ =	shalt  }
0x7f: {  	_ =	shalt  }
0x80: {  	_ =	shalt  }
0x81: {  	_ =	shalt  }
0x82: {  	_ =	shalt  }
0x83: {  	_ =	shalt  }
0x84: {  	_ =	shalt  }
0x85: {  	_ =	shalt  }
0x86: {  	_ =	shalt  }
0x87: {  	_ =	shalt  }
.Lfunc_end0:
.L_simem_size_0:
called_computation.2_lowered:
.L_overlay_start_0:
0x88: {  	s2 =	sld [smem:$0x3FD9]  }
0x89: {  	s3 =	sld [smem:$0x3FFE];
	_ =	sdelay $0x1  }
0x8a: {  	s1 =	srdreg.scid  }
0x8b: {  	s0 =	sand.u32 $0x1, s1  }
0x8c: {  	s17 =	sshll.u32 s0, $0xA;
	s2 =	sadd.s32 s3, s2  }
0x8d: {  	s2 =	sadd.s32 s2, s17  }
0x8e: {  	[smem:$0x3FC3] =	sst s2  }
0x8f: {  	_ = 	snop  }
0x90: {  	s2 =	sld [smem:$0x3FD0];
	(tm) =	ssettm $0x1  }
0x91: {  	s18 =	sld [smem:$0x3FFB];
	_ =	sdelay $0x3  }
0x92: {  	_ =	strace s18  }
0x93: {  	s3 =	sld [smem:$0x3FFC];
	_ =	sdelay $0x3  }
0x94: {  	_ =	strace s3  }
0x95: {  	s3 =	sld [smem:$0x3FFD];
	_ =	sdelay $0x3  }
0x96: {  	_ =	strace s3  }
0x97: {  	_ =	strace $0x8FFFFFFF  }
0x98: {  	s19 =	sld [smem:$0x3FDB];
	_ =	sdelay $0x1  }
0x99: {  	s4 =	simm.s32 $_scs_section_size  }
0x9a: {  	s5 =	simm.s32 $_size__tile_overlayer_lowered;
	s6 =	simm.s32 $_tile_overlayer_lowered  }
0x9b: {  	s22 =	simm.s32 $0x1BFF;
	s21 =	sshll.u32 s6, $0x1;
	s3 =	sadd.s32 s4, s19  }
0x9c: {  	s7 =	simm.s32 $0x0;
	s20 =	sshll.u32 s5, $0x1;
	s5 =	sadd.s32 s21, s3  }
0x9d: {  	[timem:s7], [sflag:s22] =	dma.local [hbm:s5], s20  }
0x9e: {  	_ =	swait.ge [sflag:s22], s20  }
0x9f: {  	s4 =	ssub.s32 $0x0, s20;
	[sflag:s22] =	ssyncset.done $0x0  }
0xa0: {  	[sflag:s22] =	ssyncadd.s32 s4;
	_ =	sdelay $0x1  }
0xa1: {  	s23 =	simm.s32 $0x1B8B  }
0xa2: {  	_ =	swait.ge [sflag:s23], $0x1  }
0xa3: {  	[sflag:s23] =	ssyncset.done $0x0  }
0xa4: {  	s25 =	simm.s32 $0x1B8E;
	s24 =	sld [smem:$0x3FFE];
	[sflag:s23] =	ssyncadd.s32 $0xFFFFFFFF  }
0xa5: {  	s26 =	simm.s32 $execute0_lowered;
	[smem:$0x3FD2] =	sst s25  }
0xa6: {  	s5 =	sshll.u32 s26, $0x1;
	_ =	strace $0x8000004C;
	[dreg:$0x1] =	wrdreg $0xFFFFFFFF  }
0xa7: {  	s28 =	simm.s32 $_size_execute0_lowered;
	s3 =	sadd.s32 s3, s5;
	[dreg:$0x0] =	wrdreg $0x0  }
0xa8: {  	s5 =	sshll.u32 s28, $0x1;
	[dreg:$0x2] =	wrdreg s3  }
0xa9: {  	[dreg:$0x3] =	wrdreg s5  }
0xaa: {  	[dreg:$0x4] =	wrdreg $0xC0  }
0xab: {  	_ =	task [dreg:s7], $0x5FFFF  }
0xac: {  	[dreg:$0x1] =	wrdreg $0xFFFFFFFF  }
0xad: {  	[dreg:$0x0] =	wrdreg $0x60  }
0xae: {  	[dreg:$0x2] =	wrdreg s24  }
0xaf: {  	[dreg:$0x3] =	wrdreg s2  }
0xb0: {  	[dreg:$0x4] =	wrdreg $0x9  }
0xb1: {  	_ =	task.clear_ibuf [dreg:s7], $0x5FFFF;
	_ =	strace $0x9000004C  }
0xb2: {  	s29 =	simm.s32 $0x9;
	_ =	strace $0x8000004E  }
0xb3: {  	_ =	swait.ge [sflag:s29], $0x1  }
0xb4: {  	[sflag:s29] =	ssyncadd.s32 $0xFFFFFFFF  }
0xb5: {  	_ =	strace $0x9000004E  }
0xb6: {  	_ =	sfence  }
0xb7: {  	s30 =	sld [smem:$0x0];
	_ =	sdelay $0x2  }
0xb8: {  	s31 =	sshll.u32 s1, $0xD;
	s1 =	sshrl.u32 s1, $0x2  }
0xb9: {  	s3 =	sand.u32 $0x4000, s31;
	s1 =	sadd.s32 s1, s30  }
0xba: {  	s0 =	sor.u32 s3, s0;
	s1 =	sshll.u32 s1, $0x11  }
0xbb: {  	s0 =	sor.u32 s1, s0  }
0xbc: {  	s0 =	sadd.s32 $0x8F2B, s0  }
0xbd: {  	[sflag:s0] =	ssyncadd.remote.s32 $0x1  }
0xbe: {  	_ =	sfence.sel $0xFFFF  }
0xbf: {  	[dreg:$0x0] =	wrdreg $0xFFFFFFFF;
	(pc) =	sbr.abs _section_cstart, $3  }
0xc0: {  	[dreg:$0x1] =	wrdreg $0xFFFFFFFF  }
0xc1: {  	_ =	task.clear_ibuf [dreg:s7], $0x2FFFF;
	_ =	strace $0x9FFFFFFF  }
0xc2: {  	(tm) =	ssettm $0x7FFFFFFF  }
0xc3: {  	_ =	shalt  }
tec
execute0_lowered:
.L_overlay_start_1:
0x0: {  	(tag) =	ssettag $0x1  }
0x1: {  	s0 =	rddreg [dreg:$0x0];
	s1 =	srdreg.scid  }
0x2: {  	s2 =	stileid.u32;
	s6 =	rddreg [dreg:$0x1];
	s3 =	simm.s32 $0x0  }
0x3: {  	s17 =	simm.s32 $0x3;
	s19 =	simm.s32 $0x4000;
	s21 =	simm.s32 $0xC000  }
0x4: {  	s18 =	simm.s32 $0x12000;
	s20 =	simm.s32 $0x12800;
	s16 =	simm.s32 $0x1  }
0x5: {  	s22 =	simm.s32 $0x400;
	s23 =	simm.s32 $0x2;
	s24 =	simm.s32 $0x0  }
0x6: {  	s1 =	sand.u32 $0x1, s1;
	s8 =	sadd.s32 $0x1053A00, s0;
	s9 =	sadd.s32 $0x1053C00, s0  }
0x7: {  	[smem:$0x7FF] =	sst s3;
	s10 =	sadd.s32 $0x1053E00, s0;
	s11 =	sadd.s32 $0x1054000, s0  }
0x8: {  	s2 =	sshll.u32 s2, $0x1;
	s12 =	sadd.s32 $0x1054200, s0;
	s13 =	sadd.s32 $0x1054400, s0  }
0x9: {  	s15 =	sadd.s32 $0x40, s6;
	s6 =	simm.s32 $0x13800;
	s2 =	sor.u32 s1, s2  }
0xa: {  	_ =	strace $0x8000004D;
	s1 =	ssub.s32 $0x2, s1;
	s4 =	sshll.u32 s2, $0xA  }
0xb: {  	s14 =	sshll.u32 s2, $0x11;
	s2 =	simm.s32 $0x200;
	s5 =	sadd.s32 s4, s0  }
0xc: {  	s30 =	sshrl.u32 s1, $0x1;
	s4 =	sadd.s32 $0x1053600, s0;
	s7 =	sadd.s32 $0x1043600, s5  }
0xd: {  	v0 =	vlaneseq.u32;
	s1 =	ssub.s32 s1, s30;
	s5 =	sadd.s32 $0x104B600, s5;
	[dreg:$0x3] =	wrdreg s7  }
0xe: {  	v1 =	vshrl.u32 v0, $0x2;
	s31 =	smax.u32 s1, $0x1;
	[dreg:$0x4] =	wrdreg s5;
	s7 =	sadd.s32 $0x1053800, s0  }
0xf: {  	vm0 =	vmmov $0xffff;
	v0 =	vand.u32 $0x3, v0;
	v1 =	vmul.u32 $0x8, v1;
	[dreg:$0x5] =	wrdreg s31;
	s0 =	simm.s32 $0x11800;
	s5 =	simm.s32 $0x13000  }
.LBB2_1:
0x10: {  	[dreg:$0x6] =	wrdreg s24  }
0x11: {  	s1 =	rddreg [dreg:$0x3]  }
0x12: {  	[tilespmem:s3], [sflag:$0x3] =	stream.linear.gather [hbm4b:s1+s3], $0x2000, $0x38;
	[tilespmem:$0x14000] =	vst v63  }
0x13: {  	_ =	swait.ge [sflag:s17], $0x2000  }
0x14: {  	[sflag:s17] =	ssyncset.done $0x0  }
0x15: {  	s30 =	simm.s32 $0x2000;
	s29 =	rddreg [dreg:$0x4];
	[sflag:s17] =	ssyncadd.s32 $0xFFFFE000  }
0x16: {  	[tilespmem:s30], [sflag:$0x3] =	stream.linear.gather [hbm4b:s29+s3], $0x2000, $0x38;
	[tilespmem:$0x14000] =	vst v63  }
0x17: {  	_ =	swait.ge [sflag:s17], $0x2000  }
0x18: {  	[sflag:s17] =	ssyncset.done $0x0  }
0x19: {  	[sflag:s17] =	ssyncadd.s32 $0xFFFFE000  }
0x1a: {  	v2 =	vld.msk [tilespmem:$0x0], $0xf;
	_ =	sdelay $0x4  }
0x1b: {  	v3 =	vshll.u32 v2, $0x5  }
0x1c: {  	v2 =	vand.u32 $0x7, v2;
	v3 =	vand.u32 $0xFFFFFF00, v3  }
0x1d: {  	v2 =	vor.u32 v2, v3  }
0x1e: {  	v2 =	vperm.xlane v2, v0;
	_ =	sdelay $0x1  }
0x1f: {  	v2 =	vadd.s32 v1, v2;
	_ =	sdelay $0x4  }
0x20: {  	[tilespmem:s19], [sflag:$0x1] =	stream.indirect_vreg.gather [hbm4b:s4+s3], $0x80, v2, vm0, $0xb8;
	[tilespmem:$0x14000] =	vst v63  }
0x21: {  	s31 =	simm.s32 $0x4800  }
0x22: {  	[tilespmem:s31], [sflag:$0x1] =	stream.indirect_vreg.gather [hbm4b:s7+s3], $0x80, v2, vm0, $0xb8;
	[tilespmem:$0x14000] =	vst v63  }
0x23: {  	s24 =	simm.s32 $0x5000  }
0x24: {  	[tilespmem:s24], [sflag:$0x1] =	stream.indirect_vreg.gather [hbm4b:s8+s3], $0x80, v2, vm0, $0xb8;
	[tilespmem:$0x14000] =	vst v63  }
0x25: {  	s25 =	simm.s32 $0x5800  }
0x26: {  	[tilespmem:s25], [sflag:$0x1] =	stream.indirect_vreg.gather [hbm4b:s9+s3], $0x80, v2, vm0, $0xb8;
	[tilespmem:$0x14000] =	vst v63  }
0x27: {  	s26 =	simm.s32 $0x6000  }
0x28: {  	[tilespmem:s26], [sflag:$0x1] =	stream.indirect_vreg.gather [hbm4b:s10+s3], $0x80, v2, vm0, $0xb8;
	[tilespmem:$0x14000] =	vst v63  }
0x29: {  	s28 =	simm.s32 $0x6800  }
0x2a: {  	[tilespmem:s28], [sflag:$0x1] =	stream.indirect_vreg.gather [hbm4b:s11+s3], $0x80, v2, vm0, $0xb8;
	[tilespmem:$0x14000] =	vst v63  }
0x2b: {  	s29 =	simm.s32 $0x7000  }
0x2c: {  	[tilespmem:s29], [sflag:$0x1] =	stream.indirect_vreg.gather [hbm4b:s12+s3], $0x80, v2, vm0, $0xb8;
	[tilespmem:$0x14000] =	vst v63  }
0x2d: {  	s30 =	simm.s32 $0x7800  }
0x2e: {  	[tilespmem:s30], [sflag:$0x1] =	stream.indirect_vreg.gather [hbm4b:s13+s3], $0x80, v2, vm0, $0xb8;
	[tilespmem:$0x14000] =	vst v63  }
0x2f: {  	v2 =	vld.msk [tilespmem:$0x2000], $0xf;
	_ =	sdelay $0x4  }
0x30: {  	v3 =	vshll.u32 v2, $0x5  }
0x31: {  	v2 =	vand.u32 $0x7, v2;
	v3 =	vand.u32 $0xFFFFFF00, v3  }
0x32: {  	v2 =	vor.u32 v2, v3  }
0x33: {  	v2 =	vperm.xlane v2, v0;
	_ =	sdelay $0x1  }
0x34: {  	v2 =	vadd.s32 v1, v2;
	_ =	sdelay $0x3  }
0x35: {  	s31 =	simm.s32 $0x8000  }
0x36: {  	[tilespmem:s31], [sflag:$0x1] =	stream.indirect_vreg.gather [hbm4b:s4+s3], $0x80, v2, vm0, $0xb8;
	[tilespmem:$0x14000] =	vst v63  }
0x37: {  	s24 =	simm.s32 $0x8800  }
0x38: {  	[tilespmem:s24], [sflag:$0x1] =	stream.indirect_vreg.gather [hbm4b:s7+s3], $0x80, v2, vm0, $0xb8;
	[tilespmem:$0x14000] =	vst v63  }
0x39: {  	s25 =	simm.s32 $0x9000  }
0x3a: {  	[tilespmem:s25], [sflag:$0x1] =	stream.indirect_vreg.gather [hbm4b:s8+s3], $0x80, v2, vm0, $0xb8;
	[tilespmem:$0x14000] =	vst v63  }
0x3b: {  	s26 =	simm.s32 $0x9800  }
0x3c: {  	[tilespmem:s26], [sflag:$0x1] =	stream.indirect_vreg.gather [hbm4b:s9+s3], $0x80, v2, vm0, $0xb8;
	[tilespmem:$0x14000] =	vst v63  }
0x3d: {  	s28 =	simm.s32 $0xA000  }
0x3e: {  	[tilespmem:s28], [sflag:$0x1] =	stream.indirect_vreg.gather [hbm4b:s10+s3], $0x80, v2, vm0, $0xb8;
	[tilespmem:$0x14000] =	vst v63  }
0x3f: {  	s29 =	simm.s32 $0xA800  }
0x40: {  	[tilespmem:s29], [sflag:$0x1] =	stream.indirect_vreg.gather [hbm4b:s11+s3], $0x80, v2, vm0, $0xb8;
	[tilespmem:$0x14000] =	vst v63  }
0x41: {  	s30 =	simm.s32 $0xB000  }
0x42: {  	[tilespmem:s30], [sflag:$0x1] =	stream.indirect_vreg.gather [hbm4b:s12+s3], $0x80, v2, vm0, $0xb8;
	[tilespmem:$0x14000] =	vst v63  }
0x43: {  	s31 =	simm.s32 $0xB800;
	s24 =	simm.s32 $0x0  }
0x44: {  	[tilespmem:s31], [sflag:$0x1] =	stream.indirect_vreg.gather [hbm4b:s13+s3], $0x80, v2, vm0, $0xb8;
	[tilespmem:$0x14000] =	vst v63  }
.LBB2_2:
0x45: {  	s25 =	sshll.u32 s24, $0x8  }
0x46: {  	s1 =	sor.u32 $0x80, s25  }
0x47: {  	v2 =	vld.msk [tilespmem:s1+$0x0], $0xf;
	_ =	sdelay $0x4  }
0x48: {  	v3 =	vshll.u32 v2, $0x5  }
0x49: {  	v2 =	vand.u32 $0x7, v2;
	v3 =	vand.u32 $0xFFFFFF00, v3  }
0x4a: {  	v2 =	vor.u32 v2, v3  }
0x4b: {  	v2 =	vperm.xlane v2, v0;
	_ =	sdelay $0x1  }
0x4c: {  	v2 =	vadd.s32 v1, v2;
	_ =	sdelay $0x4  }
0x4d: {  	[tilespmem:s21], [sflag:$0x2] =	stream.indirect_vreg.gather [hbm4b:s4+s3], $0x80, v2, vm0, $0xb8;
	[tilespmem:$0x14000] =	vst v63  }
0x4e: {  	s26 =	simm.s32 $0xC800  }
0x4f: {  	[tilespmem:s26], [sflag:$0x2] =	stream.indirect_vreg.gather [hbm4b:s7+s3], $0x80, v2, vm0, $0xb8;
	[tilespmem:$0x14000] =	vst v63  }
0x50: {  	s30 =	simm.s32 $0xD000  }
0x51: {  	[tilespmem:s30], [sflag:$0x2] =	stream.indirect_vreg.gather [hbm4b:s8+s3], $0x80, v2, vm0, $0xb8;
	[tilespmem:$0x14000] =	vst v63  }
0x52: {  	s26 =	simm.s32 $0xD800  }
0x53: {  	[tilespmem:s26], [sflag:$0x2] =	stream.indirect_vreg.gather [hbm4b:s9+s3], $0x80, v2, vm0, $0xb8;
	[tilespmem:$0x14000] =	vst v63  }
0x54: {  	s30 =	simm.s32 $0xE000  }
0x55: {  	[tilespmem:s30], [sflag:$0x2] =	stream.indirect_vreg.gather [hbm4b:s10+s3], $0x80, v2, vm0, $0xb8;
	[tilespmem:$0x14000] =	vst v63  }
0x56: {  	s26 =	simm.s32 $0xE800  }
0x57: {  	[tilespmem:s26], [sflag:$0x2] =	stream.indirect_vreg.gather [hbm4b:s11+s3], $0x80, v2, vm0, $0xb8;
	[tilespmem:$0x14000] =	vst v63  }
0x58: {  	s30 =	simm.s32 $0xF000  }
0x59: {  	[tilespmem:s30], [sflag:$0x2] =	stream.indirect_vreg.gather [hbm4b:s12+s3], $0x80, v2, vm0, $0xb8;
	[tilespmem:$0x14000] =	vst v63  }
0x5a: {  	s26 =	simm.s32 $0xF800  }
0x5b: {  	[tilespmem:s26], [sflag:$0x2] =	stream.indirect_vreg.gather [hbm4b:s13+s3], $0x80, v2, vm0, $0xb8;
	[tilespmem:$0x14000] =	vst v63  }
0x5c: {  	v2 =	vld.msk [tilespmem:s25+$0x2080], $0xf;
	_ =	sdelay $0x4  }
0x5d: {  	v3 =	vshll.u32 v2, $0x5  }
0x5e: {  	v2 =	vand.u32 $0x7, v2;
	v3 =	vand.u32 $0xFFFFFF00, v3  }
0x5f: {  	v2 =	vor.u32 v2, v3  }
0x60: {  	v2 =	vperm.xlane v2, v0;
	_ =	sdelay $0x1  }
0x61: {  	v2 =	vadd.s32 v1, v2;
	_ =	sdelay $0x3  }
0x62: {  	s30 =	simm.s32 $0x10000  }
0x63: {  	[tilespmem:s30], [sflag:$0x2] =	stream.indirect_vreg.gather [hbm4b:s4+s3], $0x80, v2, vm0, $0xb8;
	[tilespmem:$0x14000] =	vst v63  }
0x64: {  	s26 =	simm.s32 $0x10800  }
0x65: {  	[tilespmem:s26], [sflag:$0x2] =	stream.indirect_vreg.gather [hbm4b:s7+s3], $0x80, v2, vm0, $0xb8;
	[tilespmem:$0x14000] =	vst v63  }
0x66: {  	s30 =	simm.s32 $0x11000  }
0x67: {  	[tilespmem:s30], [sflag:$0x2] =	stream.indirect_vreg.gather [hbm4b:s8+s3], $0x80, v2, vm0, $0xb8;
	[tilespmem:$0x14000] =	vst v63  }
0x68: {  	_ = 	snop  }
0x69: {  	[tilespmem:s0], [sflag:$0x2] =	stream.indirect_vreg.gather [hbm4b:s9+s3], $0x80, v2, vm0, $0xb8;
	[tilespmem:$0x14000] =	vst v63  }
0x6a: {  	_ = 	snop  }
0x6b: {  	[tilespmem:s18], [sflag:$0x2] =	stream.indirect_vreg.gather [hbm4b:s10+s3], $0x80, v2, vm0, $0xb8;
	[tilespmem:$0x14000] =	vst v63  }
0x6c: {  	_ = 	snop  }
0x6d: {  	[tilespmem:s20], [sflag:$0x2] =	stream.indirect_vreg.gather [hbm4b:s11+s3], $0x80, v2, vm0, $0xb8;
	[tilespmem:$0x14000] =	vst v63  }
0x6e: {  	_ = 	snop  }
0x6f: {  	[tilespmem:s5], [sflag:$0x2] =	stream.indirect_vreg.gather [hbm4b:s12+s3], $0x80, v2, vm0, $0xb8;
	[tilespmem:$0x14000] =	vst v63  }
0x70: {  	_ = 	snop  }
0x71: {  	[tilespmem:s6], [sflag:$0x2] =	stream.indirect_vreg.gather [hbm4b:s13+s3], $0x80, v2, vm0, $0xb8;
	[tilespmem:$0x14000] =	vst v63  }
0x72: {  	_ =	swait.ge [sflag:s16], $0x4000  }
0x73: {  	[sflag:s16] =	ssyncset.done $0x0  }
0x74: {  	[sflag:s16] =	ssyncadd.s32 $0xFFFFC000  }
0x75: {  	_ =	swait.ge [sflag:s16], $0x4000  }
0x76: {  	[sflag:s16] =	ssyncset.done $0x0  }
0x77: {  	s29 =	simm.s32 $0x4040;
	[sflag:s16] =	ssyncadd.s32 $0xFFFFC000  }
0x78: {  	s28 =	simm.s32 $0x8040;
	v2 =	vld [tilespmem:s29+$0xFFFFFFC0]  }
0x79: {  	v3 =	vld [tilespmem:s28+$0xFFFFFFC0];
	_ =	sdelay $0x4  }
0x7a: {  	v2 =	vadd.f32 v3, v2;
	_ =	sdelay $0x1  }
0x7b: {  	[tilespmem:s29+$0xFFFFFFC0] =	vst v2;
	v2 =	vld [tilespmem:s29+$0xFFFFFFD0]  }
0x7c: {  	v3 =	vld [tilespmem:s28+$0xFFFFFFD0];
	_ =	sdelay $0x4  }
0x7d: {  	v2 =	vadd.f32 v3, v2;
	_ =	sdelay $0x1  }
0x7e: {  	[tilespmem:s29+$0xFFFFFFD0] =	vst v2;
	v2 =	vld [tilespmem:s29+$0xFFFFFFE0]  }
0x7f: {  	v3 =	vld [tilespmem:s28+$0xFFFFFFE0];
	_ =	sdelay $0x4  }
0x80: {  	v2 =	vadd.f32 v3, v2;
	_ =	sdelay $0x1  }
0x81: {  	[tilespmem:s29+$0xFFFFFFE0] =	vst v2;
	v2 =	vld [tilespmem:s29+$0xFFFFFFF0]  }
0x82: {  	v3 =	vld [tilespmem:s28+$0xFFFFFFF0];
	_ =	sdelay $0x4  }
0x83: {  	v2 =	vadd.f32 v3, v2;
	_ =	sdelay $0x1  }
0x84: {  	[tilespmem:s29+$0xFFFFFFF0] =	vst v2;
	v2 =	vld [tilespmem:s29+$0x0]  }
0x85: {  	v3 =	vld [tilespmem:s28+$0x0];
	_ =	sdelay $0x4  }
0x86: {  	v2 =	vadd.f32 v3, v2;
	_ =	sdelay $0x1  }
0x87: {  	[tilespmem:s29+$0x0] =	vst v2;
	v2 =	vld [tilespmem:s29+$0x10]  }
0x88: {  	v3 =	vld [tilespmem:s28+$0x10];
	_ =	sdelay $0x4  }
0x89: {  	v2 =	vadd.f32 v3, v2;
	_ =	sdelay $0x1  }
0x8a: {  	[tilespmem:s29+$0x10] =	vst v2;
	v2 =	vld [tilespmem:s29+$0x20]  }
0x8b: {  	v3 =	vld [tilespmem:s28+$0x20];
	_ =	sdelay $0x4  }
0x8c: {  	v2 =	vadd.f32 v3, v2;
	_ =	sdelay $0x1  }
0x8d: {  	[tilespmem:s29+$0x20] =	vst v2;
	v2 =	vld [tilespmem:s29+$0x30]  }
0x8e: {  	v3 =	vld [tilespmem:s28+$0x30];
	_ =	sdelay $0x4  }
0x8f: {  	v2 =	vadd.f32 v3, v2  }
0x90: {  	s31 =	simm.s32 $0x0;
	s1 =	simm.s32 $0x4240  }
.LBB2_3:
0x91: {  	v3 =	vld [tilespmem:s1+$0xFFFFFFC0];
	[tilespmem:s29+$0x30] =	vst v2;
	s28 =	sadd.s32 $0x200, s28;
	s26 =	simm.s32 $0x80F0;
	s30 =	simm.s32 $0x40F0  }
0x92: {  	s31 =	sadd.s32 $0x8, s31;
	s29 =	smov.u32 s1;
	v2 =	vld [tilespmem:s28+$0xFFFFFFC0]  }
0x93: {  	p0 =	slt.u32 s31, $0xF8;
	_ =	sdelay $0x3  }
0x94: {  	v2 =	vadd.f32 v2, v3;
	_ =	sdelay $0x1  }
0x95: {  	[tilespmem:s1+$0xFFFFFFC0] =	vst v2;
	v2 =	vld [tilespmem:s1+$0xFFFFFFD0]  }
0x96: {  	v3 =	vld [tilespmem:s28+$0xFFFFFFD0];
	_ =	sdelay $0x4  }
0x97: {  	v2 =	vadd.f32 v3, v2;
	_ =	sdelay $0x1  }
0x98: {  	[tilespmem:s1+$0xFFFFFFD0] =	vst v2;
	v2 =	vld [tilespmem:s1+$0xFFFFFFE0]  }
0x99: {  	v3 =	vld [tilespmem:s28+$0xFFFFFFE0];
	_ =	sdelay $0x4  }
0x9a: {  	v2 =	vadd.f32 v3, v2;
	_ =	sdelay $0x1  }
0x9b: {  	[tilespmem:s1+$0xFFFFFFE0] =	vst v2;
	v2 =	vld [tilespmem:s1+$0xFFFFFFF0]  }
0x9c: {  	v3 =	vld [tilespmem:s28+$0xFFFFFFF0];
	_ =	sdelay $0x4  }
0x9d: {  	v2 =	vadd.f32 v3, v2;
	_ =	sdelay $0x1  }
0x9e: {  	[tilespmem:s1+$0xFFFFFFF0] =	vst v2;
	v2 =	vld [tilespmem:s1+$0x0]  }
0x9f: {  	v3 =	vld [tilespmem:s28+$0x0];
	_ =	sdelay $0x4  }
0xa0: {  	v2 =	vadd.f32 v3, v2;
	_ =	sdelay $0x1  }
0xa1: {  	[tilespmem:s1+$0x0] =	vst v2;
	v2 =	vld [tilespmem:s1+$0x10]  }
0xa2: {  	v3 =	vld [tilespmem:s28+$0x10];
	_ =	sdelay $0x4  }
0xa3: {  	v2 =	vadd.f32 v3, v2;
	_ =	sdelay $0x1  }
0xa4: {  	[tilespmem:s1+$0x10] =	vst v2;
	v2 =	vld [tilespmem:s1+$0x20]  }
0xa5: {  	v3 =	vld [tilespmem:s28+$0x20];
	_ =	sdelay $0x4  }
0xa6: {  	v2 =	vadd.f32 v3, v2;
	_ =	sdelay $0x1  }
0xa7: {  	[tilespmem:s1+$0x20] =	vst v2;
	v2 =	vld [tilespmem:s1+$0x30]  }
0xa8: {  	v3 =	vld [tilespmem:s28+$0x30];
	_ =	sdelay $0x1  }
.Ltmp0:
0xa9: {  	(pc) =	sbr.rel @p0 .LBB2_3-.Ltmp0, $3  }
0xaa: {  	_ =	sdelay $0x1  }
0xab: {  	v2 =	vadd.f32 v3, v2  }
0xac: {  	s1 =	sadd.s32 $0x200, s1  }
0xad: {  	[tilespmem:s29+$0x30] =	vst v2  }
0xae: {  	v2 =	vld [tilespmem:s30+$0xFFFFFF90]  }
0xaf: {  	v3 =	vld [tilespmem:s26+$0xFFFFFF90];
	_ =	sdelay $0x4  }
0xb0: {  	v2 =	vadd.f32 v3, v2;
	_ =	sdelay $0x1  }
0xb1: {  	[tilespmem:s30+$0xFFFFFF90] =	vst v2;
	v2 =	vld [tilespmem:s30+$0xFFFFFFA0]  }
0xb2: {  	v3 =	vld [tilespmem:s26+$0xFFFFFFA0];
	_ =	sdelay $0x4  }
0xb3: {  	v2 =	vadd.f32 v3, v2;
	_ =	sdelay $0x1  }
0xb4: {  	[tilespmem:s30+$0xFFFFFFA0] =	vst v2;
	v2 =	vld [tilespmem:s30+$0xFFFFFFB0]  }
0xb5: {  	v3 =	vld [tilespmem:s26+$0xFFFFFFB0];
	_ =	sdelay $0x4  }
0xb6: {  	v2 =	vadd.f32 v3, v2;
	_ =	sdelay $0x1  }
0xb7: {  	[tilespmem:s30+$0xFFFFFFB0] =	vst v2;
	v2 =	vld [tilespmem:s30+$0xFFFFFFC0]  }
0xb8: {  	v3 =	vld [tilespmem:s26+$0xFFFFFFC0];
	_ =	sdelay $0x4  }
0xb9: {  	v2 =	vadd.f32 v3, v2;
	_ =	sdelay $0x1  }
0xba: {  	[tilespmem:s30+$0xFFFFFFC0] =	vst v2;
	v2 =	vld [tilespmem:s30+$0xFFFFFFD0]  }
0xbb: {  	v3 =	vld [tilespmem:s26+$0xFFFFFFD0];
	_ =	sdelay $0x4  }
0xbc: {  	v2 =	vadd.f32 v3, v2;
	_ =	sdelay $0x1  }
0xbd: {  	[tilespmem:s30+$0xFFFFFFD0] =	vst v2;
	v2 =	vld [tilespmem:s30+$0xFFFFFFE0]  }
0xbe: {  	v3 =	vld [tilespmem:s26+$0xFFFFFFE0];
	_ =	sdelay $0x4  }
0xbf: {  	v2 =	vadd.f32 v3, v2;
	_ =	sdelay $0x1  }
0xc0: {  	[tilespmem:s30+$0xFFFFFFE0] =	vst v2;
	v2 =	vld [tilespmem:s30+$0xFFFFFFF0]  }
0xc1: {  	v3 =	vld [tilespmem:s26+$0xFFFFFFF0];
	_ =	sdelay $0x4  }
0xc2: {  	v2 =	vadd.f32 v3, v2;
	_ =	sdelay $0x1  }
0xc3: {  	[tilespmem:s30+$0xFFFFFFF0] =	vst v2;
	v2 =	vld [tilespmem:s30+$0x0]  }
0xc4: {  	v3 =	vld [tilespmem:s26+$0x0];
	_ =	sdelay $0x4  }
0xc5: {  	v2 =	vadd.f32 v3, v2  }
0xc6: {  	s31 =	simm.s32 $0x0;
	s1 =	simm.s32 $0x42F0;
	s28 =	simm.s32 $0x4170  }
.LBB2_5:
0xc7: {  	v3 =	vld [tilespmem:s1+$0xFFFFFF90];
	[tilespmem:s30+$0x0] =	vst v2;
	s26 =	sadd.s32 $0x200, s26;
	s29 =	simm.s32 $0x8170  }
0xc8: {  	s31 =	sadd.s32 $0x8, s31;
	s30 =	smov.u32 s1;
	v2 =	vld [tilespmem:s26+$0xFFFFFF90]  }
0xc9: {  	p0 =	slt.u32 s31, $0xF8;
	_ =	sdelay $0x3  }
0xca: {  	v2 =	vadd.f32 v2, v3;
	_ =	sdelay $0x1  }
0xcb: {  	[tilespmem:s1+$0xFFFFFF90] =	vst v2;
	v2 =	vld [tilespmem:s1+$0xFFFFFFA0]  }
0xcc: {  	v3 =	vld [tilespmem:s26+$0xFFFFFFA0];
	_ =	sdelay $0x4  }
0xcd: {  	v2 =	vadd.f32 v3, v2;
	_ =	sdelay $0x1  }
0xce: {  	[tilespmem:s1+$0xFFFFFFA0] =	vst v2;
	v2 =	vld [tilespmem:s1+$0xFFFFFFB0]  }
0xcf: {  	v3 =	vld [tilespmem:s26+$0xFFFFFFB0];
	_ =	sdelay $0x4  }
0xd0: {  	v2 =	vadd.f32 v3, v2;
	_ =	sdelay $0x1  }
0xd1: {  	[tilespmem:s1+$0xFFFFFFB0] =	vst v2;
	v2 =	vld [tilespmem:s1+$0xFFFFFFC0]  }
0xd2: {  	v3 =	vld [tilespmem:s26+$0xFFFFFFC0];
	_ =	sdelay $0x4  }
0xd3: {  	v2 =	vadd.f32 v3, v2;
	_ =	sdelay $0x1  }
0xd4: {  	[tilespmem:s1+$0xFFFFFFC0] =	vst v2;
	v2 =	vld [tilespmem:s1+$0xFFFFFFD0]  }
0xd5: {  	v3 =	vld [tilespmem:s26+$0xFFFFFFD0];
	_ =	sdelay $0x4  }
0xd6: {  	v2 =	vadd.f32 v3, v2;
	_ =	sdelay $0x1  }
0xd7: {  	[tilespmem:s1+$0xFFFFFFD0] =	vst v2;
	v2 =	vld [tilespmem:s1+$0xFFFFFFE0]  }
0xd8: {  	v3 =	vld [tilespmem:s26+$0xFFFFFFE0];
	_ =	sdelay $0x4  }
0xd9: {  	v2 =	vadd.f32 v3, v2;
	_ =	sdelay $0x1  }
0xda: {  	[tilespmem:s1+$0xFFFFFFE0] =	vst v2;
	v2 =	vld [tilespmem:s1+$0xFFFFFFF0]  }
0xdb: {  	v3 =	vld [tilespmem:s26+$0xFFFFFFF0];
	_ =	sdelay $0x4  }
0xdc: {  	v2 =	vadd.f32 v3, v2;
	_ =	sdelay $0x1  }
0xdd: {  	[tilespmem:s1+$0xFFFFFFF0] =	vst v2;
	v2 =	vld [tilespmem:s1+$0x0]  }
0xde: {  	v3 =	vld [tilespmem:s26+$0x0];
	_ =	sdelay $0x1  }
.Ltmp1:
0xdf: {  	(pc) =	sbr.rel @p0 .LBB2_5-.Ltmp1, $3  }
0xe0: {  	_ =	sdelay $0x1  }
0xe1: {  	v2 =	vadd.f32 v3, v2  }
0xe2: {  	s1 =	sadd.s32 $0x200, s1  }
0xe3: {  	[tilespmem:s30+$0x0] =	vst v2  }
0xe4: {  	v2 =	vld [tilespmem:s28+$0xFFFFFF90]  }
0xe5: {  	v3 =	vld [tilespmem:s29+$0xFFFFFF90];
	_ =	sdelay $0x4  }
0xe6: {  	v2 =	vadd.f32 v3, v2;
	_ =	sdelay $0x1  }
0xe7: {  	[tilespmem:s28+$0xFFFFFF90] =	vst v2;
	v2 =	vld [tilespmem:s28+$0xFFFFFFA0]  }
0xe8: {  	v3 =	vld [tilespmem:s29+$0xFFFFFFA0];
	_ =	sdelay $0x4  }
0xe9: {  	v2 =	vadd.f32 v3, v2;
	_ =	sdelay $0x1  }
0xea: {  	[tilespmem:s28+$0xFFFFFFA0] =	vst v2;
	v2 =	vld [tilespmem:s28+$0xFFFFFFB0]  }
0xeb: {  	v3 =	vld [tilespmem:s29+$0xFFFFFFB0];
	_ =	sdelay $0x4  }
0xec: {  	v2 =	vadd.f32 v3, v2;
	_ =	sdelay $0x1  }
0xed: {  	[tilespmem:s28+$0xFFFFFFB0] =	vst v2;
	v2 =	vld [tilespmem:s28+$0xFFFFFFC0]  }
0xee: {  	v3 =	vld [tilespmem:s29+$0xFFFFFFC0];
	_ =	sdelay $0x4  }
0xef: {  	v2 =	vadd.f32 v3, v2;
	_ =	sdelay $0x1  }
0xf0: {  	[tilespmem:s28+$0xFFFFFFC0] =	vst v2;
	v2 =	vld [tilespmem:s28+$0xFFFFFFD0]  }
0xf1: {  	v3 =	vld [tilespmem:s29+$0xFFFFFFD0];
	_ =	sdelay $0x4  }
0xf2: {  	v2 =	vadd.f32 v3, v2;
	_ =	sdelay $0x1  }
0xf3: {  	[tilespmem:s28+$0xFFFFFFD0] =	vst v2;
	v2 =	vld [tilespmem:s28+$0xFFFFFFE0]  }
0xf4: {  	v3 =	vld [tilespmem:s29+$0xFFFFFFE0];
	_ =	sdelay $0x4  }
0xf5: {  	v2 =	vadd.f32 v3, v2;
	_ =	sdelay $0x1  }
0xf6: {  	[tilespmem:s28+$0xFFFFFFE0] =	vst v2;
	v2 =	vld [tilespmem:s28+$0xFFFFFFF0]  }
0xf7: {  	v3 =	vld [tilespmem:s29+$0xFFFFFFF0];
	_ =	sdelay $0x4  }
0xf8: {  	v2 =	vadd.f32 v3, v2;
	_ =	sdelay $0x1  }
0xf9: {  	[tilespmem:s28+$0xFFFFFFF0] =	vst v2;
	v2 =	vld [tilespmem:s28+$0x0]  }
0xfa: {  	v3 =	vld [tilespmem:s29+$0x0];
	_ =	sdelay $0x4  }
0xfb: {  	v2 =	vadd.f32 v3, v2  }
0xfc: {  	s31 =	simm.s32 $0x0;
	s1 =	simm.s32 $0x4370  }
.LBB2_7:
0xfd: {  	v3 =	vld [tilespmem:s1+$0xFFFFFF90];
	[tilespmem:s28+$0x0] =	vst v2;
	s29 =	sadd.s32 $0x200, s29;
	s26 =	simm.s32 $0x81F0;
	s30 =	simm.s32 $0x41F0  }
0xfe: {  	s31 =	sadd.s32 $0x8, s31;
	s28 =	smov.u32 s1;
	v2 =	vld [tilespmem:s29+$0xFFFFFF90]  }
0xff: {  	p0 =	slt.u32 s31, $0xF8;
	_ =	sdelay $0x3  }
0x100: {  	v2 =	vadd.f32 v2, v3;
	_ =	sdelay $0x1  }
0x101: {  	[tilespmem:s1+$0xFFFFFF90] =	vst v2;
	v2 =	vld [tilespmem:s1+$0xFFFFFFA0]  }
0x102: {  	v3 =	vld [tilespmem:s29+$0xFFFFFFA0];
	_ =	sdelay $0x4  }
0x103: {  	v2 =	vadd.f32 v3, v2;
	_ =	sdelay $0x1  }
0x104: {  	[tilespmem:s1+$0xFFFFFFA0] =	vst v2;
	v2 =	vld [tilespmem:s1+$0xFFFFFFB0]  }
0x105: {  	v3 =	vld [tilespmem:s29+$0xFFFFFFB0];
	_ =	sdelay $0x4  }
0x106: {  	v2 =	vadd.f32 v3, v2;
	_ =	sdelay $0x1  }
0x107: {  	[tilespmem:s1+$0xFFFFFFB0] =	vst v2;
	v2 =	vld [tilespmem:s1+$0xFFFFFFC0]  }
0x108: {  	v3 =	vld [tilespmem:s29+$0xFFFFFFC0];
	_ =	sdelay $0x4  }
0x109: {  	v2 =	vadd.f32 v3, v2;
	_ =	sdelay $0x1  }
0x10a: {  	[tilespmem:s1+$0xFFFFFFC0] =	vst v2;
	v2 =	vld [tilespmem:s1+$0xFFFFFFD0]  }
0x10b: {  	v3 =	vld [tilespmem:s29+$0xFFFFFFD0];
	_ =	sdelay $0x4  }
0x10c: {  	v2 =	vadd.f32 v3, v2;
	_ =	sdelay $0x1  }
0x10d: {  	[tilespmem:s1+$0xFFFFFFD0] =	vst v2;
	v2 =	vld [tilespmem:s1+$0xFFFFFFE0]  }
0x10e: {  	v3 =	vld [tilespmem:s29+$0xFFFFFFE0];
	_ =	sdelay $0x4  }
0x10f: {  	v2 =	vadd.f32 v3, v2;
	_ =	sdelay $0x1  }
0x110: {  	[tilespmem:s1+$0xFFFFFFE0] =	vst v2;
	v2 =	vld [tilespmem:s1+$0xFFFFFFF0]  }
0x111: {  	v3 =	vld [tilespmem:s29+$0xFFFFFFF0];
	_ =	sdelay $0x4  }
0x112: {  	v2 =	vadd.f32 v3, v2;
	_ =	sdelay $0x1  }
0x113: {  	[tilespmem:s1+$0xFFFFFFF0] =	vst v2;
	v2 =	vld [tilespmem:s1+$0x0]  }
0x114: {  	v3 =	vld [tilespmem:s29+$0x0];
	_ =	sdelay $0x1  }
.Ltmp2:
0x115: {  	(pc) =	sbr.rel @p0 .LBB2_7-.Ltmp2, $3  }
0x116: {  	_ =	sdelay $0x1  }
0x117: {  	v2 =	vadd.f32 v3, v2  }
0x118: {  	s1 =	sadd.s32 $0x200, s1  }
0x119: {  	[tilespmem:s28+$0x0] =	vst v2  }
0x11a: {  	v2 =	vld [tilespmem:s30+$0xFFFFFF90]  }
0x11b: {  	v3 =	vld [tilespmem:s26+$0xFFFFFF90];
	_ =	sdelay $0x4  }
0x11c: {  	v2 =	vadd.f32 v3, v2;
	_ =	sdelay $0x1  }
0x11d: {  	[tilespmem:s30+$0xFFFFFF90] =	vst v2;
	v2 =	vld [tilespmem:s30+$0xFFFFFFA0]  }
0x11e: {  	v3 =	vld [tilespmem:s26+$0xFFFFFFA0];
	_ =	sdelay $0x4  }
0x11f: {  	v2 =	vadd.f32 v3, v2;
	_ =	sdelay $0x1  }
0x120: {  	[tilespmem:s30+$0xFFFFFFA0] =	vst v2;
	v2 =	vld [tilespmem:s30+$0xFFFFFFB0]  }
0x121: {  	v3 =	vld [tilespmem:s26+$0xFFFFFFB0];
	_ =	sdelay $0x4  }
0x122: {  	v2 =	vadd.f32 v3, v2;
	_ =	sdelay $0x1  }
0x123: {  	[tilespmem:s30+$0xFFFFFFB0] =	vst v2;
	v2 =	vld [tilespmem:s30+$0xFFFFFFC0]  }
0x124: {  	v3 =	vld [tilespmem:s26+$0xFFFFFFC0];
	_ =	sdelay $0x4  }
0x125: {  	v2 =	vadd.f32 v3, v2;
	_ =	sdelay $0x1  }
0x126: {  	[tilespmem:s30+$0xFFFFFFC0] =	vst v2;
	v2 =	vld [tilespmem:s30+$0xFFFFFFD0]  }
0x127: {  	v3 =	vld [tilespmem:s26+$0xFFFFFFD0];
	_ =	sdelay $0x4  }
0x128: {  	v2 =	vadd.f32 v3, v2;
	_ =	sdelay $0x1  }
0x129: {  	[tilespmem:s30+$0xFFFFFFD0] =	vst v2;
	v2 =	vld [tilespmem:s30+$0xFFFFFFE0]  }
0x12a: {  	v3 =	vld [tilespmem:s26+$0xFFFFFFE0];
	_ =	sdelay $0x4  }
0x12b: {  	v2 =	vadd.f32 v3, v2;
	_ =	sdelay $0x1  }
0x12c: {  	[tilespmem:s30+$0xFFFFFFE0] =	vst v2;
	v2 =	vld [tilespmem:s30+$0xFFFFFFF0]  }
0x12d: {  	v3 =	vld [tilespmem:s26+$0xFFFFFFF0];
	_ =	sdelay $0x4  }
0x12e: {  	v2 =	vadd.f32 v3, v2;
	_ =	sdelay $0x1  }
0x12f: {  	[tilespmem:s30+$0xFFFFFFF0] =	vst v2;
	v2 =	vld [tilespmem:s30+$0x0]  }
0x130: {  	v3 =	vld [tilespmem:s26+$0x0];
	_ =	sdelay $0x4  }
0x131: {  	v2 =	vadd.f32 v3, v2  }
0x132: {  	s1 =	simm.s32 $0x0;
	s28 =	simm.s32 $0x43F0  }
.LBB2_9:
0x133: {  	v3 =	vld [tilespmem:s28+$0xFFFFFF90];
	[tilespmem:s30+$0x0] =	vst v2;
	s26 =	sadd.s32 $0x200, s26;
	s30 =	smov.u32 s28  }
0x134: {  	s1 =	sadd.s32 $0x8, s1;
	v2 =	vld [tilespmem:s26+$0xFFFFFF90]  }
0x135: {  	p0 =	slt.u32 s1, $0xF8;
	_ =	sdelay $0x3  }
0x136: {  	v2 =	vadd.f32 v2, v3;
	_ =	sdelay $0x1  }
0x137: {  	[tilespmem:s28+$0xFFFFFF90] =	vst v2;
	v2 =	vld [tilespmem:s28+$0xFFFFFFA0]  }
0x138: {  	v3 =	vld [tilespmem:s26+$0xFFFFFFA0];
	_ =	sdelay $0x4  }
0x139: {  	v2 =	vadd.f32 v3, v2;
	_ =	sdelay $0x1  }
0x13a: {  	[tilespmem:s28+$0xFFFFFFA0] =	vst v2;
	v2 =	vld [tilespmem:s28+$0xFFFFFFB0]  }
0x13b: {  	v3 =	vld [tilespmem:s26+$0xFFFFFFB0];
	_ =	sdelay $0x4  }
0x13c: {  	v2 =	vadd.f32 v3, v2;
	_ =	sdelay $0x1  }
0x13d: {  	[tilespmem:s28+$0xFFFFFFB0] =	vst v2;
	v2 =	vld [tilespmem:s28+$0xFFFFFFC0]  }
0x13e: {  	v3 =	vld [tilespmem:s26+$0xFFFFFFC0];
	_ =	sdelay $0x4  }
0x13f: {  	v2 =	vadd.f32 v3, v2;
	_ =	sdelay $0x1  }
0x140: {  	[tilespmem:s28+$0xFFFFFFC0] =	vst v2;
	v2 =	vld [tilespmem:s28+$0xFFFFFFD0]  }
0x141: {  	v3 =	vld [tilespmem:s26+$0xFFFFFFD0];
	_ =	sdelay $0x4  }
0x142: {  	v2 =	vadd.f32 v3, v2;
	_ =	sdelay $0x1  }
0x143: {  	[tilespmem:s28+$0xFFFFFFD0] =	vst v2;
	v2 =	vld [tilespmem:s28+$0xFFFFFFE0]  }
0x144: {  	v3 =	vld [tilespmem:s26+$0xFFFFFFE0];
	_ =	sdelay $0x4  }
0x145: {  	v2 =	vadd.f32 v3, v2;
	_ =	sdelay $0x1  }
0x146: {  	[tilespmem:s28+$0xFFFFFFE0] =	vst v2;
	v2 =	vld [tilespmem:s28+$0xFFFFFFF0]  }
0x147: {  	v3 =	vld [tilespmem:s26+$0xFFFFFFF0];
	_ =	sdelay $0x4  }
0x148: {  	v2 =	vadd.f32 v3, v2;
	_ =	sdelay $0x1  }
0x149: {  	[tilespmem:s28+$0xFFFFFFF0] =	vst v2;
	v2 =	vld [tilespmem:s28+$0x0]  }
0x14a: {  	v3 =	vld [tilespmem:s26+$0x0];
	_ =	sdelay $0x1  }
.Ltmp3:
0x14b: {  	(pc) =	sbr.rel @p0 .LBB2_9-.Ltmp3, $3  }
0x14c: {  	_ =	sdelay $0x1  }
0x14d: {  	v2 =	vadd.f32 v3, v2  }
0x14e: {  	s28 =	sadd.s32 $0x200, s28  }
0x14f: {  	s1 =	sshll.u32 s24, $0xC  }
0x150: {  	[tilespmem:s30+$0x0] =	vst v2;
	s30 =	rddreg [dreg:$0x1];
	s26 =	sadd.s32 s14, s1  }
0x151: {  	s1 =	sadd.s32 s30, s26  }
0x152: {  	[hbm4b:s1+s2] =	stream.strided.scatter [tilespmem:s19], [sflag:$0x3], $0x4000, s22, s2, $0x38;
	[tilespmem:$0x14000] =	vst v63  }
0x153: {  	_ =	swait.ge [sflag:s17], $0x4000  }
0x154: {  	[sflag:s17] =	ssyncset.done $0x0  }
0x155: {  	p0 =	seq.s32 s24, $0x1F;
	[sflag:s17] =	ssyncadd.s32 $0xFFFFC000  }
0x156: {  	v2 =	vld.msk @!p0 [tilespmem:s25+$0x100], $0xf;
	_ =	sdelay $0x4  }
0x157: {  	v3 =	vshll.u32 @!p0 v2, $0x5  }
0x158: {  	v4 =	vlaneseq.u32 @!p0;
	v2 =	vand.u32 @!p0 $0x7, v2;
	v3 =	vand.u32 @!p0 $0xFFFFFF00, v3  }
0x159: {  	v2 =	vor.u32 @!p0 v2, v3;
	v3 =	vand.u32 @!p0 $0x3, v4;
	v4 =	vshrl.u32 @!p0 v4, $0x2  }
0x15a: {  	v2 =	vperm.xlane @!p0 v2, v3;
	v4 =	vmul.u32 @!p0 $0x8, v4;
	_ =	sdelay $0x1  }
0x15b: {  	v2 =	vadd.s32 @!p0 v4, v2;
	_ =	sdelay $0x3  }
0x15c: {  	vm1 =	vmmov @!p0 $0xffff;
	s28 =	simm.s32 @!p0 $0x4000;
	s1 =	simm.s32 @!p0 $0x0  }
0x15d: {  	[tilespmem:s28], [sflag:$0x1] =	stream.indirect_vreg.gather @!p0 [hbm4b:s4+s1], $0x80, v2, vm1, $0xb8;
	[tilespmem:$0x14000] =	vst v63  }
0x15e: {  	s28 =	simm.s32 @!p0 $0x4800  }
0x15f: {  	[tilespmem:s28], [sflag:$0x1] =	stream.indirect_vreg.gather @!p0 [hbm4b:s7+s1], $0x80, v2, vm1, $0xb8;
	[tilespmem:$0x14000] =	vst v63  }
0x160: {  	s28 =	simm.s32 @!p0 $0x5000  }
0x161: {  	[tilespmem:s28], [sflag:$0x1] =	stream.indirect_vreg.gather @!p0 [hbm4b:s8+s1], $0x80, v2, vm1, $0xb8;
	[tilespmem:$0x14000] =	vst v63  }
0x162: {  	s28 =	simm.s32 @!p0 $0x5800  }
0x163: {  	[tilespmem:s28], [sflag:$0x1] =	stream.indirect_vreg.gather @!p0 [hbm4b:s9+s1], $0x80, v2, vm1, $0xb8;
	[tilespmem:$0x14000] =	vst v63  }
0x164: {  	s28 =	simm.s32 @!p0 $0x6000  }
0x165: {  	[tilespmem:s28], [sflag:$0x1] =	stream.indirect_vreg.gather @!p0 [hbm4b:s10+s1], $0x80, v2, vm1, $0xb8;
	[tilespmem:$0x14000] =	vst v63  }
0x166: {  	s28 =	simm.s32 @!p0 $0x6800  }
0x167: {  	[tilespmem:s28], [sflag:$0x1] =	stream.indirect_vreg.gather @!p0 [hbm4b:s11+s1], $0x80, v2, vm1, $0xb8;
	[tilespmem:$0x14000] =	vst v63  }
0x168: {  	s28 =	simm.s32 @!p0 $0x7000  }
0x169: {  	[tilespmem:s28], [sflag:$0x1] =	stream.indirect_vreg.gather @!p0 [hbm4b:s12+s1], $0x80, v2, vm1, $0xb8;
	[tilespmem:$0x14000] =	vst v63  }
0x16a: {  	s28 =	simm.s32 @!p0 $0x7800  }
0x16b: {  	[tilespmem:s28], [sflag:$0x1] =	stream.indirect_vreg.gather @!p0 [hbm4b:s13+s1], $0x80, v2, vm1, $0xb8;
	[tilespmem:$0x14000] =	vst v63  }
0x16c: {  	v2 =	vld.msk @!p0 [tilespmem:s25+$0x2100], $0xf;
	_ =	sdelay $0x4  }
0x16d: {  	v5 =	vshll.u32 @!p0 v2, $0x5  }
0x16e: {  	v2 =	vand.u32 @!p0 $0x7, v2;
	v5 =	vand.u32 @!p0 $0xFFFFFF00, v5  }
0x16f: {  	v2 =	vor.u32 @!p0 v2, v5  }
0x170: {  	v2 =	vperm.xlane @!p0 v2, v3;
	_ =	sdelay $0x1  }
0x171: {  	v2 =	vadd.s32 @!p0 v4, v2;
	_ =	sdelay $0x3  }
0x172: {  	s25 =	simm.s32 @!p0 $0x8000  }
0x173: {  	[tilespmem:s25], [sflag:$0x1] =	stream.indirect_vreg.gather @!p0 [hbm4b:s4+s1], $0x80, v2, vm1, $0xb8;
	[tilespmem:$0x14000] =	vst v63  }
0x174: {  	s25 =	simm.s32 @!p0 $0x8800  }
0x175: {  	[tilespmem:s25], [sflag:$0x1] =	stream.indirect_vreg.gather @!p0 [hbm4b:s7+s1], $0x80, v2, vm1, $0xb8;
	[tilespmem:$0x14000] =	vst v63  }
0x176: {  	s25 =	simm.s32 @!p0 $0x9000  }
0x177: {  	[tilespmem:s25], [sflag:$0x1] =	stream.indirect_vreg.gather @!p0 [hbm4b:s8+s1], $0x80, v2, vm1, $0xb8;
	[tilespmem:$0x14000] =	vst v63  }
0x178: {  	s25 =	simm.s32 @!p0 $0x9800  }
0x179: {  	[tilespmem:s25], [sflag:$0x1] =	stream.indirect_vreg.gather @!p0 [hbm4b:s9+s1], $0x80, v2, vm1, $0xb8;
	[tilespmem:$0x14000] =	vst v63  }
0x17a: {  	s25 =	simm.s32 @!p0 $0xA000  }
0x17b: {  	[tilespmem:s25], [sflag:$0x1] =	stream.indirect_vreg.gather @!p0 [hbm4b:s10+s1], $0x80, v2, vm1, $0xb8;
	[tilespmem:$0x14000] =	vst v63  }
0x17c: {  	s25 =	simm.s32 @!p0 $0xA800  }
0x17d: {  	[tilespmem:s25], [sflag:$0x1] =	stream.indirect_vreg.gather @!p0 [hbm4b:s11+s1], $0x80, v2, vm1, $0xb8;
	[tilespmem:$0x14000] =	vst v63  }
0x17e: {  	s25 =	simm.s32 @!p0 $0xB000  }
0x17f: {  	[tilespmem:s25], [sflag:$0x1] =	stream.indirect_vreg.gather @!p0 [hbm4b:s12+s1], $0x80, v2, vm1, $0xb8;
	[tilespmem:$0x14000] =	vst v63  }
0x180: {  	s25 =	simm.s32 @!p0 $0xB800  }
0x181: {  	[tilespmem:s25], [sflag:$0x1] =	stream.indirect_vreg.gather @!p0 [hbm4b:s13+s1], $0x80, v2, vm1, $0xb8;
	[tilespmem:$0x14000] =	vst v63  }
0x182: {  	_ =	swait.ge [sflag:s23], $0x4000  }
0x183: {  	[sflag:s23] =	ssyncset.done $0x0  }
0x184: {  	[sflag:s23] =	ssyncadd.s32 $0xFFFFC000  }
0x185: {  	_ =	swait.ge [sflag:s23], $0x4000  }
0x186: {  	[sflag:s23] =	ssyncset.done $0x0  }
0x187: {  	s29 =	simm.s32 $0xC040;
	[sflag:s23] =	ssyncadd.s32 $0xFFFFC000  }
0x188: {  	s28 =	simm.s32 $0x10040;
	v2 =	vld [tilespmem:s29+$0xFFFFFFC0]  }
0x189: {  	v3 =	vld [tilespmem:s28+$0xFFFFFFC0];
	_ =	sdelay $0x4  }
0x18a: {  	v2 =	vadd.f32 v3, v2;
	_ =	sdelay $0x1  }
0x18b: {  	[tilespmem:s29+$0xFFFFFFC0] =	vst v2;
	v2 =	vld [tilespmem:s29+$0xFFFFFFD0]  }
0x18c: {  	v3 =	vld [tilespmem:s28+$0xFFFFFFD0];
	_ =	sdelay $0x4  }
0x18d: {  	v2 =	vadd.f32 v3, v2;
	_ =	sdelay $0x1  }
0x18e: {  	[tilespmem:s29+$0xFFFFFFD0] =	vst v2;
	v2 =	vld [tilespmem:s29+$0xFFFFFFE0]  }
0x18f: {  	v3 =	vld [tilespmem:s28+$0xFFFFFFE0];
	_ =	sdelay $0x4  }
0x190: {  	v2 =	vadd.f32 v3, v2;
	_ =	sdelay $0x1  }
0x191: {  	[tilespmem:s29+$0xFFFFFFE0] =	vst v2;
	v2 =	vld [tilespmem:s29+$0xFFFFFFF0]  }
0x192: {  	v3 =	vld [tilespmem:s28+$0xFFFFFFF0];
	_ =	sdelay $0x4  }
0x193: {  	v2 =	vadd.f32 v3, v2;
	_ =	sdelay $0x1  }
0x194: {  	[tilespmem:s29+$0xFFFFFFF0] =	vst v2;
	v2 =	vld [tilespmem:s29+$0x0]  }
0x195: {  	v3 =	vld [tilespmem:s28+$0x0];
	_ =	sdelay $0x4  }
0x196: {  	v2 =	vadd.f32 v3, v2;
	_ =	sdelay $0x1  }
0x197: {  	[tilespmem:s29+$0x0] =	vst v2;
	v2 =	vld [tilespmem:s29+$0x10]  }
0x198: {  	v3 =	vld [tilespmem:s28+$0x10];
	_ =	sdelay $0x4  }
0x199: {  	v2 =	vadd.f32 v3, v2;
	_ =	sdelay $0x1  }
0x19a: {  	[tilespmem:s29+$0x10] =	vst v2;
	v2 =	vld [tilespmem:s29+$0x20]  }
0x19b: {  	v3 =	vld [tilespmem:s28+$0x20];
	_ =	sdelay $0x4  }
0x19c: {  	v2 =	vadd.f32 v3, v2;
	_ =	sdelay $0x1  }
0x19d: {  	[tilespmem:s29+$0x20] =	vst v2;
	v2 =	vld [tilespmem:s29+$0x30]  }
0x19e: {  	v3 =	vld [tilespmem:s28+$0x30];
	_ =	sdelay $0x4  }
0x19f: {  	v2 =	vadd.f32 v3, v2  }
0x1a0: {  	s31 =	simm.s32 $0x0;
	s1 =	simm.s32 $0xC240  }
.LBB2_11:
0x1a1: {  	v3 =	vld [tilespmem:s1+$0xFFFFFFC0];
	[tilespmem:s29+$0x30] =	vst v2;
	s28 =	sadd.s32 $0x200, s28;
	s25 =	simm.s32 $0x100F0;
	s30 =	simm.s32 $0xC0F0  }
0x1a2: {  	s31 =	sadd.s32 $0x8, s31;
	s29 =	smov.u32 s1;
	v2 =	vld [tilespmem:s28+$0xFFFFFFC0]  }
0x1a3: {  	p0 =	slt.u32 s31, $0xF8;
	_ =	sdelay $0x3  }
0x1a4: {  	v2 =	vadd.f32 v2, v3;
	_ =	sdelay $0x1  }
0x1a5: {  	[tilespmem:s1+$0xFFFFFFC0] =	vst v2;
	v2 =	vld [tilespmem:s1+$0xFFFFFFD0]  }
0x1a6: {  	v3 =	vld [tilespmem:s28+$0xFFFFFFD0];
	_ =	sdelay $0x4  }
0x1a7: {  	v2 =	vadd.f32 v3, v2;
	_ =	sdelay $0x1  }
0x1a8: {  	[tilespmem:s1+$0xFFFFFFD0] =	vst v2;
	v2 =	vld [tilespmem:s1+$0xFFFFFFE0]  }
0x1a9: {  	v3 =	vld [tilespmem:s28+$0xFFFFFFE0];
	_ =	sdelay $0x4  }
0x1aa: {  	v2 =	vadd.f32 v3, v2;
	_ =	sdelay $0x1  }
0x1ab: {  	[tilespmem:s1+$0xFFFFFFE0] =	vst v2;
	v2 =	vld [tilespmem:s1+$0xFFFFFFF0]  }
0x1ac: {  	v3 =	vld [tilespmem:s28+$0xFFFFFFF0];
	_ =	sdelay $0x4  }
0x1ad: {  	v2 =	vadd.f32 v3, v2;
	_ =	sdelay $0x1  }
0x1ae: {  	[tilespmem:s1+$0xFFFFFFF0] =	vst v2;
	v2 =	vld [tilespmem:s1+$0x0]  }
0x1af: {  	v3 =	vld [tilespmem:s28+$0x0];
	_ =	sdelay $0x4  }
0x1b0: {  	v2 =	vadd.f32 v3, v2;
	_ =	sdelay $0x1  }
0x1b1: {  	[tilespmem:s1+$0x0] =	vst v2;
	v2 =	vld [tilespmem:s1+$0x10]  }
0x1b2: {  	v3 =	vld [tilespmem:s28+$0x10];
	_ =	sdelay $0x4  }
0x1b3: {  	v2 =	vadd.f32 v3, v2;
	_ =	sdelay $0x1  }
0x1b4: {  	[tilespmem:s1+$0x10] =	vst v2;
	v2 =	vld [tilespmem:s1+$0x20]  }
0x1b5: {  	v3 =	vld [tilespmem:s28+$0x20];
	_ =	sdelay $0x4  }
0x1b6: {  	v2 =	vadd.f32 v3, v2;
	_ =	sdelay $0x1  }
0x1b7: {  	[tilespmem:s1+$0x20] =	vst v2;
	v2 =	vld [tilespmem:s1+$0x30]  }
0x1b8: {  	v3 =	vld [tilespmem:s28+$0x30];
	_ =	sdelay $0x1  }
.Ltmp4:
0x1b9: {  	(pc) =	sbr.rel @p0 .LBB2_11-.Ltmp4, $3  }
0x1ba: {  	_ =	sdelay $0x1  }
0x1bb: {  	v2 =	vadd.f32 v3, v2  }
0x1bc: {  	s1 =	sadd.s32 $0x200, s1  }
0x1bd: {  	[tilespmem:s29+$0x30] =	vst v2  }
0x1be: {  	v2 =	vld [tilespmem:s30+$0xFFFFFF90]  }
0x1bf: {  	v3 =	vld [tilespmem:s25+$0xFFFFFF90];
	_ =	sdelay $0x4  }
0x1c0: {  	v2 =	vadd.f32 v3, v2;
	_ =	sdelay $0x1  }
0x1c1: {  	[tilespmem:s30+$0xFFFFFF90] =	vst v2;
	v2 =	vld [tilespmem:s30+$0xFFFFFFA0]  }
0x1c2: {  	v3 =	vld [tilespmem:s25+$0xFFFFFFA0];
	_ =	sdelay $0x4  }
0x1c3: {  	v2 =	vadd.f32 v3, v2;
	_ =	sdelay $0x1  }
0x1c4: {  	[tilespmem:s30+$0xFFFFFFA0] =	vst v2;
	v2 =	vld [tilespmem:s30+$0xFFFFFFB0]  }
0x1c5: {  	v3 =	vld [tilespmem:s25+$0xFFFFFFB0];
	_ =	sdelay $0x4  }
0x1c6: {  	v2 =	vadd.f32 v3, v2;
	_ =	sdelay $0x1  }
0x1c7: {  	[tilespmem:s30+$0xFFFFFFB0] =	vst v2;
	v2 =	vld [tilespmem:s30+$0xFFFFFFC0]  }
0x1c8: {  	v3 =	vld [tilespmem:s25+$0xFFFFFFC0];
	_ =	sdelay $0x4  }
0x1c9: {  	v2 =	vadd.f32 v3, v2;
	_ =	sdelay $0x1  }
0x1ca: {  	[tilespmem:s30+$0xFFFFFFC0] =	vst v2;
	v2 =	vld [tilespmem:s30+$0xFFFFFFD0]  }
0x1cb: {  	v3 =	vld [tilespmem:s25+$0xFFFFFFD0];
	_ =	sdelay $0x4  }
0x1cc: {  	v2 =	vadd.f32 v3, v2;
	_ =	sdelay $0x1  }
0x1cd: {  	[tilespmem:s30+$0xFFFFFFD0] =	vst v2;
	v2 =	vld [tilespmem:s30+$0xFFFFFFE0]  }
0x1ce: {  	v3 =	vld [tilespmem:s25+$0xFFFFFFE0];
	_ =	sdelay $0x4  }
0x1cf: {  	v2 =	vadd.f32 v3, v2;
	_ =	sdelay $0x1  }
0x1d0: {  	[tilespmem:s30+$0xFFFFFFE0] =	vst v2;
	v2 =	vld [tilespmem:s30+$0xFFFFFFF0]  }
0x1d1: {  	v3 =	vld [tilespmem:s25+$0xFFFFFFF0];
	_ =	sdelay $0x4  }
0x1d2: {  	v2 =	vadd.f32 v3, v2;
	_ =	sdelay $0x1  }
0x1d3: {  	[tilespmem:s30+$0xFFFFFFF0] =	vst v2;
	v2 =	vld [tilespmem:s30+$0x0]  }
0x1d4: {  	v3 =	vld [tilespmem:s25+$0x0];
	_ =	sdelay $0x4  }
0x1d5: {  	v2 =	vadd.f32 v3, v2  }
0x1d6: {  	s31 =	simm.s32 $0x0;
	s1 =	simm.s32 $0xC2F0;
	s28 =	simm.s32 $0xC170  }
.LBB2_13:
0x1d7: {  	v3 =	vld [tilespmem:s1+$0xFFFFFF90];
	[tilespmem:s30+$0x0] =	vst v2;
	s25 =	sadd.s32 $0x200, s25;
	s29 =	simm.s32 $0x10170  }
0x1d8: {  	s31 =	sadd.s32 $0x8, s31;
	s30 =	smov.u32 s1;
	v2 =	vld [tilespmem:s25+$0xFFFFFF90]  }
0x1d9: {  	p0 =	slt.u32 s31, $0xF8;
	_ =	sdelay $0x3  }
0x1da: {  	v2 =	vadd.f32 v2, v3;
	_ =	sdelay $0x1  }
0x1db: {  	[tilespmem:s1+$0xFFFFFF90] =	vst v2;
	v2 =	vld [tilespmem:s1+$0xFFFFFFA0]  }
0x1dc: {  	v3 =	vld [tilespmem:s25+$0xFFFFFFA0];
	_ =	sdelay $0x4  }
0x1dd: {  	v2 =	vadd.f32 v3, v2;
	_ =	sdelay $0x1  }
0x1de: {  	[tilespmem:s1+$0xFFFFFFA0] =	vst v2;
	v2 =	vld [tilespmem:s1+$0xFFFFFFB0]  }
0x1df: {  	v3 =	vld [tilespmem:s25+$0xFFFFFFB0];
	_ =	sdelay $0x4  }
0x1e0: {  	v2 =	vadd.f32 v3, v2;
	_ =	sdelay $0x1  }
0x1e1: {  	[tilespmem:s1+$0xFFFFFFB0] =	vst v2;
	v2 =	vld [tilespmem:s1+$0xFFFFFFC0]  }
0x1e2: {  	v3 =	vld [tilespmem:s25+$0xFFFFFFC0];
	_ =	sdelay $0x4  }
0x1e3: {  	v2 =	vadd.f32 v3, v2;
	_ =	sdelay $0x1  }
0x1e4: {  	[tilespmem:s1+$0xFFFFFFC0] =	vst v2;
	v2 =	vld [tilespmem:s1+$0xFFFFFFD0]  }
0x1e5: {  	v3 =	vld [tilespmem:s25+$0xFFFFFFD0];
	_ =	sdelay $0x4  }
0x1e6: {  	v2 =	vadd.f32 v3, v2;
	_ =	sdelay $0x1  }
0x1e7: {  	[tilespmem:s1+$0xFFFFFFD0] =	vst v2;
	v2 =	vld [tilespmem:s1+$0xFFFFFFE0]  }
0x1e8: {  	v3 =	vld [tilespmem:s25+$0xFFFFFFE0];
	_ =	sdelay $0x4  }
0x1e9: {  	v2 =	vadd.f32 v3, v2;
	_ =	sdelay $0x1  }
0x1ea: {  	[tilespmem:s1+$0xFFFFFFE0] =	vst v2;
	v2 =	vld [tilespmem:s1+$0xFFFFFFF0]  }
0x1eb: {  	v3 =	vld [tilespmem:s25+$0xFFFFFFF0];
	_ =	sdelay $0x4  }
0x1ec: {  	v2 =	vadd.f32 v3, v2;
	_ =	sdelay $0x1  }
0x1ed: {  	[tilespmem:s1+$0xFFFFFFF0] =	vst v2;
	v2 =	vld [tilespmem:s1+$0x0]  }
0x1ee: {  	v3 =	vld [tilespmem:s25+$0x0];
	_ =	sdelay $0x1  }
.Ltmp5:
0x1ef: {  	(pc) =	sbr.rel @p0 .LBB2_13-.Ltmp5, $3  }
0x1f0: {  	_ =	sdelay $0x1  }
0x1f1: {  	v2 =	vadd.f32 v3, v2  }
0x1f2: {  	s1 =	sadd.s32 $0x200, s1  }
0x1f3: {  	[tilespmem:s30+$0x0] =	vst v2  }
0x1f4: {  	v2 =	vld [tilespmem:s28+$0xFFFFFF90]  }
0x1f5: {  	v3 =	vld [tilespmem:s29+$0xFFFFFF90];
	_ =	sdelay $0x4  }
0x1f6: {  	v2 =	vadd.f32 v3, v2;
	_ =	sdelay $0x1  }
0x1f7: {  	[tilespmem:s28+$0xFFFFFF90] =	vst v2;
	v2 =	vld [tilespmem:s28+$0xFFFFFFA0]  }
0x1f8: {  	v3 =	vld [tilespmem:s29+$0xFFFFFFA0];
	_ =	sdelay $0x4  }
0x1f9: {  	v2 =	vadd.f32 v3, v2;
	_ =	sdelay $0x1  }
0x1fa: {  	[tilespmem:s28+$0xFFFFFFA0] =	vst v2;
	v2 =	vld [tilespmem:s28+$0xFFFFFFB0]  }
0x1fb: {  	v3 =	vld [tilespmem:s29+$0xFFFFFFB0];
	_ =	sdelay $0x4  }
0x1fc: {  	v2 =	vadd.f32 v3, v2;
	_ =	sdelay $0x1  }
0x1fd: {  	[tilespmem:s28+$0xFFFFFFB0] =	vst v2;
	v2 =	vld [tilespmem:s28+$0xFFFFFFC0]  }
0x1fe: {  	v3 =	vld [tilespmem:s29+$0xFFFFFFC0];
	_ =	sdelay $0x4  }
0x1ff: {  	v2 =	vadd.f32 v3, v2;
	_ =	sdelay $0x1  }
0x200: {  	[tilespmem:s28+$0xFFFFFFC0] =	vst v2;
	v2 =	vld [tilespmem:s28+$0xFFFFFFD0]  }
0x201: {  	v3 =	vld [tilespmem:s29+$0xFFFFFFD0];
	_ =	sdelay $0x4  }
0x202: {  	v2 =	vadd.f32 v3, v2;
	_ =	sdelay $0x1  }
0x203: {  	[tilespmem:s28+$0xFFFFFFD0] =	vst v2;
	v2 =	vld [tilespmem:s28+$0xFFFFFFE0]  }
0x204: {  	v3 =	vld [tilespmem:s29+$0xFFFFFFE0];
	_ =	sdelay $0x4  }
0x205: {  	v2 =	vadd.f32 v3, v2;
	_ =	sdelay $0x1  }
0x206: {  	[tilespmem:s28+$0xFFFFFFE0] =	vst v2;
	v2 =	vld [tilespmem:s28+$0xFFFFFFF0]  }
0x207: {  	v3 =	vld [tilespmem:s29+$0xFFFFFFF0];
	_ =	sdelay $0x4  }
0x208: {  	v2 =	vadd.f32 v3, v2;
	_ =	sdelay $0x1  }
0x209: {  	[tilespmem:s28+$0xFFFFFFF0] =	vst v2;
	v2 =	vld [tilespmem:s28+$0x0]  }
0x20a: {  	v3 =	vld [tilespmem:s29+$0x0];
	_ =	sdelay $0x4  }
0x20b: {  	v2 =	vadd.f32 v3, v2  }
0x20c: {  	s31 =	simm.s32 $0x0;
	s1 =	simm.s32 $0xC370  }
.LBB2_15:
0x20d: {  	v3 =	vld [tilespmem:s1+$0xFFFFFF90];
	[tilespmem:s28+$0x0] =	vst v2;
	s29 =	sadd.s32 $0x200, s29;
	s25 =	simm.s32 $0x101F0;
	s30 =	simm.s32 $0xC1F0  }
0x20e: {  	s31 =	sadd.s32 $0x8, s31;
	s28 =	smov.u32 s1;
	v2 =	vld [tilespmem:s29+$0xFFFFFF90]  }
0x20f: {  	p0 =	slt.u32 s31, $0xF8;
	_ =	sdelay $0x3  }
0x210: {  	v2 =	vadd.f32 v2, v3;
	_ =	sdelay $0x1  }
0x211: {  	[tilespmem:s1+$0xFFFFFF90] =	vst v2;
	v2 =	vld [tilespmem:s1+$0xFFFFFFA0]  }
0x212: {  	v3 =	vld [tilespmem:s29+$0xFFFFFFA0];
	_ =	sdelay $0x4  }
0x213: {  	v2 =	vadd.f32 v3, v2;
	_ =	sdelay $0x1  }
0x214: {  	[tilespmem:s1+$0xFFFFFFA0] =	vst v2;
	v2 =	vld [tilespmem:s1+$0xFFFFFFB0]  }
0x215: {  	v3 =	vld [tilespmem:s29+$0xFFFFFFB0];
	_ =	sdelay $0x4  }
0x216: {  	v2 =	vadd.f32 v3, v2;
	_ =	sdelay $0x1  }
0x217: {  	[tilespmem:s1+$0xFFFFFFB0] =	vst v2;
	v2 =	vld [tilespmem:s1+$0xFFFFFFC0]  }
0x218: {  	v3 =	vld [tilespmem:s29+$0xFFFFFFC0];
	_ =	sdelay $0x4  }
0x219: {  	v2 =	vadd.f32 v3, v2;
	_ =	sdelay $0x1  }
0x21a: {  	[tilespmem:s1+$0xFFFFFFC0] =	vst v2;
	v2 =	vld [tilespmem:s1+$0xFFFFFFD0]  }
0x21b: {  	v3 =	vld [tilespmem:s29+$0xFFFFFFD0];
	_ =	sdelay $0x4  }
0x21c: {  	v2 =	vadd.f32 v3, v2;
	_ =	sdelay $0x1  }
0x21d: {  	[tilespmem:s1+$0xFFFFFFD0] =	vst v2;
	v2 =	vld [tilespmem:s1+$0xFFFFFFE0]  }
0x21e: {  	v3 =	vld [tilespmem:s29+$0xFFFFFFE0];
	_ =	sdelay $0x4  }
0x21f: {  	v2 =	vadd.f32 v3, v2;
	_ =	sdelay $0x1  }
0x220: {  	[tilespmem:s1+$0xFFFFFFE0] =	vst v2;
	v2 =	vld [tilespmem:s1+$0xFFFFFFF0]  }
0x221: {  	v3 =	vld [tilespmem:s29+$0xFFFFFFF0];
	_ =	sdelay $0x4  }
0x222: {  	v2 =	vadd.f32 v3, v2;
	_ =	sdelay $0x1  }
0x223: {  	[tilespmem:s1+$0xFFFFFFF0] =	vst v2;
	v2 =	vld [tilespmem:s1+$0x0]  }
0x224: {  	v3 =	vld [tilespmem:s29+$0x0];
	_ =	sdelay $0x1  }
.Ltmp6:
0x225: {  	(pc) =	sbr.rel @p0 .LBB2_15-.Ltmp6, $3  }
0x226: {  	_ =	sdelay $0x1  }
0x227: {  	v2 =	vadd.f32 v3, v2  }
0x228: {  	s1 =	sadd.s32 $0x200, s1  }
0x229: {  	[tilespmem:s28+$0x0] =	vst v2  }
0x22a: {  	v2 =	vld [tilespmem:s30+$0xFFFFFF90]  }
0x22b: {  	v3 =	vld [tilespmem:s25+$0xFFFFFF90];
	_ =	sdelay $0x4  }
0x22c: {  	v2 =	vadd.f32 v3, v2;
	_ =	sdelay $0x1  }
0x22d: {  	[tilespmem:s30+$0xFFFFFF90] =	vst v2;
	v2 =	vld [tilespmem:s30+$0xFFFFFFA0]  }
0x22e: {  	v3 =	vld [tilespmem:s25+$0xFFFFFFA0];
	_ =	sdelay $0x4  }
0x22f: {  	v2 =	vadd.f32 v3, v2;
	_ =	sdelay $0x1  }
0x230: {  	[tilespmem:s30+$0xFFFFFFA0] =	vst v2;
	v2 =	vld [tilespmem:s30+$0xFFFFFFB0]  }
0x231: {  	v3 =	vld [tilespmem:s25+$0xFFFFFFB0];
	_ =	sdelay $0x4  }
0x232: {  	v2 =	vadd.f32 v3, v2;
	_ =	sdelay $0x1  }
0x233: {  	[tilespmem:s30+$0xFFFFFFB0] =	vst v2;
	v2 =	vld [tilespmem:s30+$0xFFFFFFC0]  }
0x234: {  	v3 =	vld [tilespmem:s25+$0xFFFFFFC0];
	_ =	sdelay $0x4  }
0x235: {  	v2 =	vadd.f32 v3, v2;
	_ =	sdelay $0x1  }
0x236: {  	[tilespmem:s30+$0xFFFFFFC0] =	vst v2;
	v2 =	vld [tilespmem:s30+$0xFFFFFFD0]  }
0x237: {  	v3 =	vld [tilespmem:s25+$0xFFFFFFD0];
	_ =	sdelay $0x4  }
0x238: {  	v2 =	vadd.f32 v3, v2;
	_ =	sdelay $0x1  }
0x239: {  	[tilespmem:s30+$0xFFFFFFD0] =	vst v2;
	v2 =	vld [tilespmem:s30+$0xFFFFFFE0]  }
0x23a: {  	v3 =	vld [tilespmem:s25+$0xFFFFFFE0];
	_ =	sdelay $0x4  }
0x23b: {  	v2 =	vadd.f32 v3, v2;
	_ =	sdelay $0x1  }
0x23c: {  	[tilespmem:s30+$0xFFFFFFE0] =	vst v2;
	v2 =	vld [tilespmem:s30+$0xFFFFFFF0]  }
0x23d: {  	v3 =	vld [tilespmem:s25+$0xFFFFFFF0];
	_ =	sdelay $0x4  }
0x23e: {  	v2 =	vadd.f32 v3, v2;
	_ =	sdelay $0x1  }
0x23f: {  	[tilespmem:s30+$0xFFFFFFF0] =	vst v2;
	v2 =	vld [tilespmem:s30+$0x0]  }
0x240: {  	v3 =	vld [tilespmem:s25+$0x0];
	_ =	sdelay $0x4  }
0x241: {  	v2 =	vadd.f32 v3, v2  }
0x242: {  	s1 =	simm.s32 $0x0;
	s28 =	simm.s32 $0xC3F0  }
.LBB2_17:
0x243: {  	v3 =	vld [tilespmem:s28+$0xFFFFFF90];
	[tilespmem:s30+$0x0] =	vst v2;
	s25 =	sadd.s32 $0x200, s25;
	s30 =	smov.u32 s28  }
0x244: {  	s1 =	sadd.s32 $0x8, s1;
	v2 =	vld [tilespmem:s25+$0xFFFFFF90]  }
0x245: {  	p0 =	slt.u32 s1, $0xF8;
	_ =	sdelay $0x3  }
0x246: {  	v2 =	vadd.f32 v2, v3;
	_ =	sdelay $0x1  }
0x247: {  	[tilespmem:s28+$0xFFFFFF90] =	vst v2;
	v2 =	vld [tilespmem:s28+$0xFFFFFFA0]  }
0x248: {  	v3 =	vld [tilespmem:s25+$0xFFFFFFA0];
	_ =	sdelay $0x4  }
0x249: {  	v2 =	vadd.f32 v3, v2;
	_ =	sdelay $0x1  }
0x24a: {  	[tilespmem:s28+$0xFFFFFFA0] =	vst v2;
	v2 =	vld [tilespmem:s28+$0xFFFFFFB0]  }
0x24b: {  	v3 =	vld [tilespmem:s25+$0xFFFFFFB0];
	_ =	sdelay $0x4  }
0x24c: {  	v2 =	vadd.f32 v3, v2;
	_ =	sdelay $0x1  }
0x24d: {  	[tilespmem:s28+$0xFFFFFFB0] =	vst v2;
	v2 =	vld [tilespmem:s28+$0xFFFFFFC0]  }
0x24e: {  	v3 =	vld [tilespmem:s25+$0xFFFFFFC0];
	_ =	sdelay $0x4  }
0x24f: {  	v2 =	vadd.f32 v3, v2;
	_ =	sdelay $0x1  }
0x250: {  	[tilespmem:s28+$0xFFFFFFC0] =	vst v2;
	v2 =	vld [tilespmem:s28+$0xFFFFFFD0]  }
0x251: {  	v3 =	vld [tilespmem:s25+$0xFFFFFFD0];
	_ =	sdelay $0x4  }
0x252: {  	v2 =	vadd.f32 v3, v2;
	_ =	sdelay $0x1  }
0x253: {  	[tilespmem:s28+$0xFFFFFFD0] =	vst v2;
	v2 =	vld [tilespmem:s28+$0xFFFFFFE0]  }
0x254: {  	v3 =	vld [tilespmem:s25+$0xFFFFFFE0];
	_ =	sdelay $0x4  }
0x255: {  	v2 =	vadd.f32 v3, v2;
	_ =	sdelay $0x1  }
0x256: {  	[tilespmem:s28+$0xFFFFFFE0] =	vst v2;
	v2 =	vld [tilespmem:s28+$0xFFFFFFF0]  }
0x257: {  	v3 =	vld [tilespmem:s25+$0xFFFFFFF0];
	_ =	sdelay $0x4  }
0x258: {  	v2 =	vadd.f32 v3, v2;
	_ =	sdelay $0x1  }
0x259: {  	[tilespmem:s28+$0xFFFFFFF0] =	vst v2;
	v2 =	vld [tilespmem:s28+$0x0]  }
0x25a: {  	v3 =	vld [tilespmem:s25+$0x0];
	_ =	sdelay $0x1  }
.Ltmp7:
0x25b: {  	(pc) =	sbr.rel @p0 .LBB2_17-.Ltmp7, $3  }
0x25c: {  	_ =	sdelay $0x1  }
0x25d: {  	v2 =	vadd.f32 v3, v2  }
0x25e: {  	s28 =	sadd.s32 $0x200, s28  }
0x25f: {  	s24 =	sadd.s32 $0x1, s24  }
0x260: {  	p0 =	sne.s32 s24, $0x20  }
.Ltmp8:
0x261: {  	[tilespmem:s30+$0x0] =	vst v2;
	s1 =	sadd.s32 s26, s15;
	(pc) =	sbr.rel @p0 .LBB2_2-.Ltmp8, $4  }
0x262: {  	[hbm4b:s1+s2] =	stream.strided.scatter [tilespmem:s21], [sflag:$0x3], $0x4000, s22, s2, $0x38;
	[tilespmem:$0x14000] =	vst v63  }
0x263: {  	_ =	swait.ge [sflag:s17], $0x4000  }
0x264: {  	[sflag:s17] =	ssyncset.done $0x0  }
0x265: {  	[sflag:s17] =	ssyncadd.s32 $0xFFFFC000  }
0x266: {  	s24 =	rddreg [dreg:$0x6]  }
0x267: {  	s1 =	rddreg [dreg:$0x5];
	s24 =	sadd.s32 $0x1, s24  }
0x268: {  	p0 =	sne.s32 s24, s1  }
.Ltmp9:
0x269: {  	_ = 	snop;
	(pc) =	sbr.rel @p0 .LBB2_1-.Ltmp9, $1  }
0x26a: {  	_ =	sdelay $0x3  }
0x26b: {  	_ =	sfence.sel $0x180000  }
0x26c: {  	[bflag:$0x0] =	sbarrier.arrive $0xFFFF  }
0x26d: {  	_ =	strace $0x9000004D  }
0x26e: {  	s0 =	stileid.u32;
	[bflag:$0x2] =	sbarrier.arrive $0xFFFF  }
0x26f: {  	p0 =	sne.s32 s0, $0x0;
	s0 =	rddreg [dreg:$0x2]  }
0x270: {  	s0 =	sadd.s32 @!p0 $0x100000, s0  }
0x271: {  	[sflag:s0] =	ssyncadd.tile.s32 @!p0 $0x1;
	_ =	shalt  }
.Lfunc_end2:
_tile_overlayer_lowered:
.L_overlay_start_2:
0x272: {  	(tag) =	ssettag $0x2  }
0x273: {  	s0 =	rddreg [dreg:$0x0];
	s2 =	stileid.u32  }
0x274: {  	s1 =	rddreg [dreg:$0x1];
	p0 =	sne.s32 s2, $0x0  }
0x275: {  	s3 =	rddreg [dreg:$0x2];
	[bflag:$0x3] =	sbarrier.arrive $0xFFFF;
	s2 =	simm.s32 @!p0 $0x1C03  }
0x276: {  	[timem:s3], [sflag:s2] =	dma.local @!p0 [hbm:s0], s1  }
0x277: {  	s0 =	simm.s32 @!p0 $0x3  }
0x278: {  	_ =	swait.ge @!p0 [sflag:s0], s1  }
0x279: {  	s1 =	ssub.s32 @!p0 $0x0, s1;
	[sflag:s0] =	ssyncset.done @!p0 $0x0  }
0x27a: {  	[sflag:s0] =	ssyncadd.s32 @!p0 s1  }
0x27b: {  	[bflag:$0x3] =	sbarrier.arrive $0xFFFF  }
0x27c: {  	_ =	shalt  }

</sc_bundles>
